<compile_context>
chip_gen: v7x
topology: tpu7x:2x2x1
jax: 0.10.2.dev20260603
libtpu: 0.0.44.dev20260713+nightly
codegen_flags: <defaults>
</compile_context>

<pallas_src>
import functools

import jax
import jax.numpy as jnp
from jax import lax
from jax.experimental import pallas as pl
from jax.experimental.pallas import tpu as pltpu
from jax.experimental.pallas import tpu_sc as plsc

N = 10000
D = 128
HALF = D // 2
EPS_BN = 1e-5

NC = 2
NS = 16
CHUNK = 128
NBUF = 4
N_PAD = 10240
RPT = N_PAD // NS
SPT = N // NS
ROW_BM = 1000


@functools.lru_cache(maxsize=None)
def _sc_mesh():
    return plsc.VectorSubcoreMesh(
        core_axis_name="c", subcore_axis_name="s",
        num_cores=NC, num_subcores=NS)


def _deg_body(dst_r, degp, acc, zb, ones, dstb):
    c = lax.axis_index("c")
    s = lax.axis_index("s")
    tot_supers = dst_r.shape[0] // NBUF
    supers_per_tile = tot_supers // (NC * NS)

    def zb_body(i, _):
        zb[pl.ds(i * 16, 16)] = jnp.zeros((16,), jnp.float32)
        return 0

    lax.fori_loop(0, RPT // 16, zb_body, 0)
    for k in range(CHUNK // 16):
        ones[pl.ds(k * 16, 16)] = jnp.ones((16,), jnp.float32)
    pltpu.sync_copy(zb, acc.at[pl.ds(s * RPT, RPT)])
    plsc.subcore_barrier()

    base = (c * NS + s) * supers_per_tile

    def g_body(g, _):
        pltpu.sync_copy(dst_r.at[pl.ds((base + g) * NBUF, NBUF)], dstb)
        for j in range(NBUF):
            pltpu.sync_copy(ones, acc.at[dstb.at[j]], add=True)
        return 0

    lax.fori_loop(0, supers_per_tile, g_body, 0)
    plsc.subcore_barrier()
    pltpu.sync_copy(acc.at[pl.ds(s * RPT, RPT)],
                    degp.at[c, pl.ds(s * RPT, RPT)])


@functools.lru_cache(maxsize=None)
def _deg_kernel():
    return pl.kernel(
        _deg_body,
        out_type=jax.ShapeDtypeStruct((NC, N_PAD), jnp.float32),
        mesh=_sc_mesh(),
        scratch_types=[
            pltpu.VMEM_SHARED((N_PAD,), jnp.float32),
            pltpu.VMEM((RPT,), jnp.float32),
            pltpu.VMEM((CHUNK,), jnp.float32),
            pltpu.VMEM((NBUF, CHUNK), jnp.int32),
        ],
        compiler_params=pltpu.CompilerParams(skip_device_barrier=True),
    )


def _scat_body(u_stack, src_r, dst_r, out, u_sh, acc,
               r0, r1, r2, r3, srcb, dstb, gsem, ssem):
    c = lax.axis_index("c")
    s = lax.axis_index("s")
    tot_supers = src_r.shape[0] // NBUF
    supers_per_tile = tot_supers // NS
    rows = (r0, r1, r2, r3)

    d1 = pltpu.async_copy(u_stack.at[c, pl.ds(s * SPT, SPT)],
                          u_sh.at[pl.ds(s * SPT, SPT)], gsem)
    d2 = pltpu.async_copy(u_stack.at[c, pl.ds(s * SPT, SPT)],
                          acc.at[pl.ds(s * SPT, SPT)], ssem)
    d1.wait()
    d2.wait()
    plsc.subcore_barrier()

    base = s * supers_per_tile

    def g_body(g, _):
        off = (base + g) * NBUF
        pltpu.sync_copy(src_r.at[pl.ds(off, NBUF)], srcb)
        pltpu.sync_copy(dst_r.at[pl.ds(off, NBUF)], dstb)
        gd = [pltpu.async_copy(u_sh.at[srcb.at[j]], rows[j], gsem)
              for j in range(NBUF)]
        sd = []
        for j in range(NBUF):
            gd[j].wait()
            sd.append(pltpu.async_copy(rows[j], acc.at[dstb.at[j]], ssem,
                                       add=True))
        for d in sd:
            d.wait()
        return 0

    lax.fori_loop(0, supers_per_tile, g_body, 0)
    plsc.subcore_barrier()
    for k in range(RPT // CHUNK):
        off = s * RPT + k * CHUNK
        pltpu.sync_copy(acc.at[pl.ds(off, CHUNK)], out.at[pl.ds(off, CHUNK), c])


@functools.lru_cache(maxsize=None)
def _scat_kernel():
    return pl.kernel(
        _scat_body,
        out_type=jax.ShapeDtypeStruct((N_PAD, NC, HALF), jnp.float32),
        mesh=_sc_mesh(),
        scratch_types=[
            pltpu.VMEM_SHARED((N, HALF), jnp.float32),
            pltpu.VMEM_SHARED((N_PAD, HALF), jnp.float32),
        ] + [pltpu.VMEM((CHUNK, HALF), jnp.float32) for _ in range(NBUF)] + [
            pltpu.VMEM((NBUF, CHUNK), jnp.int32),
            pltpu.VMEM((NBUF, CHUNK), jnp.int32),
            pltpu.SemaphoreType.DMA,
            pltpu.SemaphoreType.DMA,
        ],
        compiler_params=pltpu.CompilerParams(use_tc_tiling_on_sc=False,
                                             skip_device_barrier=True),
    )


def _deg_call(dst_r):
    return _deg_kernel()(dst_r)


def _scat_call(u_stack, src_r, dst_r):
    return _scat_kernel()(u_stack, src_r, dst_r)


def _split_store(o_ref, res):
    o_ref[0] = res[:, :HALF]
    o_ref[1] = res[:, HALF:]


_USPEC = pl.BlockSpec((NC, ROW_BM, HALF), lambda i: (0, i, 0))
_USHAPE = jax.ShapeDtypeStruct((NC, N, HALF), jnp.float32)

_MM1_BM = 128
_MM1_GRID = (N + _MM1_BM - 1) // _MM1_BM
_NDV = _MM1_GRID * _MM1_BM


def _mm1_body(x_ref, w_ref, dp_ref, o_ref, dvb_ref):
    dp = dp_ref[...]
    dv = lax.rsqrt(dp[0:1, :] + dp[1:2, :] + 1.0)
    dvb = jnp.broadcast_to(dv, (_MM1_BM, _MM1_BM)).T
    dvb_ref[...] = dvb
    res = dvb * jnp.dot(
        x_ref[...], w_ref[...], preferred_element_type=jnp.float32)
    _split_store(o_ref, res)


def _mm1_call(x, w, degp):
    return pl.pallas_call(
        _mm1_body,
        grid=(_MM1_GRID,),
        in_specs=[
            pl.BlockSpec((_MM1_BM, D), lambda i: (i, 0)),
            pl.BlockSpec((D, D), lambda i: (0, 0)),
            pl.BlockSpec((NC, _MM1_BM), lambda i: (0, i)),
        ],
        out_specs=[
            pl.BlockSpec((NC, _MM1_BM, HALF), lambda i: (0, i, 0)),
            pl.BlockSpec((_MM1_BM, _MM1_BM), lambda i: (i, 0)),
        ],
        out_shape=[
            _USHAPE,
            jax.ShapeDtypeStruct((_NDV, 128), jnp.float32),
        ],
    )(x, w, degp)


def _mid_body(s_ref, dv_ref, b_ref, sg_ref, sb_ref, w_ref, o_ref):
    dv = dv_ref[...]
    h = s_ref[...] * dv + b_ref[...]
    h = jnp.maximum(h, 0.0) * sg_ref[...] + sb_ref[...]
    res = dv * jnp.dot(h, w_ref[...], preferred_element_type=jnp.float32)
    _split_store(o_ref, res)


def _mid_call(s_arr, dinv_b, b, sg, sb, w):
    return pl.pallas_call(
        _mid_body,
        grid=(N // ROW_BM,),
        in_specs=[
            pl.BlockSpec((ROW_BM, D), lambda i: (i, 0)),
            pl.BlockSpec((ROW_BM, D), lambda i: (i, 0)),
            pl.BlockSpec((1, D), lambda i: (0, 0)),
            pl.BlockSpec((1, D), lambda i: (0, 0)),
            pl.BlockSpec((1, D), lambda i: (0, 0)),
            pl.BlockSpec((D, D), lambda i: (0, 0)),
        ],
        out_specs=_USPEC,
        out_shape=_USHAPE,
    )(s_arr, dinv_b, b, sg, sb, w)


def _final_body(s_ref, dv_ref, b_ref, sg_ref, sb_ref, o_ref):
    h = s_ref[...] * dv_ref[...] + b_ref[...]
    o_ref[...] = jnp.maximum(h, 0.0) * sg_ref[...] + sb_ref[...]


def _final_call(s_arr, dinv_b, b, sg, sb):
    return pl.pallas_call(
        _final_body,
        grid=(N // ROW_BM,),
        in_specs=[
            pl.BlockSpec((ROW_BM, D), lambda i: (i, 0)),
            pl.BlockSpec((ROW_BM, D), lambda i: (i, 0)),
            pl.BlockSpec((1, D), lambda i: (0, 0)),
            pl.BlockSpec((1, D), lambda i: (0, 0)),
            pl.BlockSpec((1, D), lambda i: (0, 0)),
        ],
        out_specs=pl.BlockSpec((ROW_BM, D), lambda i: (i, 0)),
        out_shape=jax.ShapeDtypeStruct((N, D), jnp.float32),
    )(s_arr, dinv_b, b, sg, sb)


def kernel(x, edge_index, W1, b1, g1, bt1, W2, b2, g2, bt2, W3, b3, g3, bt3):
    E = edge_index.shape[1]
    grain = NC * NS * NBUF * CHUNK
    EP = ((E + grain - 1) // grain) * grain
    P = EP - E

    src = edge_index[0].astype(jnp.int32)
    dst = edge_index[1].astype(jnp.int32)
    src_r = jnp.concatenate([src, jnp.zeros((P,), jnp.int32)]).reshape(-1, CHUNK)
    dst_r = jnp.concatenate([dst, jnp.full((P,), N, jnp.int32)]).reshape(-1, CHUNK)

    degp = _deg_call(dst_r)

    bn_scale = 1.0 / jnp.sqrt(1.0 + EPS_BN)
    params = ((W1, b1, g1, bt1), (W2, b2, g2, bt2), (W3, b3, g3, bt3))

    u, dinv_b = _mm1_call(x, W1, degp)
    for i in range(2):
        _, b, g, bt = params[i]
        s_arr = _scat_call(u, src_r, dst_r)
        u = _mid_call(s_arr.reshape(N_PAD, D), dinv_b,
                      b.reshape(1, D), (g * bn_scale).reshape(1, D),
                      bt.reshape(1, D), params[i + 1][0])
    _, b, g, bt = params[2]
    s_arr = _scat_call(u, src_r, dst_r)
    return _final_call(s_arr.reshape(N_PAD, D), dinv_b,
                       b.reshape(1, D), (g * bn_scale).reshape(1, D),
                       bt.reshape(1, D))

# --- scband reference (transcript-rebuilt; emitter-appended) ---
"""Pipeline reference for scband-encoder-12618613915990 (READ-ONLY COPY).

The authoritative reference and input builder live on the scoring server;
editing this copy changes nothing except your own understanding.
"""

import jax, jax.numpy as jnp
import numpy as np

N = 10000
E = 320000
D = 128
EPS_BN = 1e-5


def setup_inputs(seed: int = 0) -> dict:
    key = jax.random.key(seed)
    ks = jax.random.split(key, 16)
    x = jax.random.normal(ks[0], (N, D), dtype=jnp.float32)
    edge_index = jax.random.randint(ks[1], (2, E), 0, N)
    scale = 1.0 / np.sqrt(D)
    inp = {"x": x, "edge_index": edge_index}
    for i in range(3):
        inp[f"W{i+1}"] = jax.random.normal(ks[2 + 4 * i], (D, D), dtype=jnp.float32) * scale
        inp[f"b{i+1}"] = jnp.zeros((D,), dtype=jnp.float32)
        inp[f"g{i+1}"] = jnp.ones((D,), dtype=jnp.float32)
        inp[f"bt{i+1}"] = jnp.zeros((D,), dtype=jnp.float32)
    return inp


def gcn_conv(x, src, dst, W, b):
    # GCNConv: x' = D^{-1/2} (A + I) D^{-1/2} (x W) + b
    h = x @ W
    loop = jnp.arange(N, dtype=src.dtype)
    src2 = jnp.concatenate([src, loop])
    dst2 = jnp.concatenate([dst, loop])
    deg = jax.ops.segment_sum(jnp.ones_like(dst2, dtype=h.dtype), dst2, num_segments=N)
    dinv = jax.lax.rsqrt(jnp.maximum(deg, 1e-12))
    norm = dinv[src2] * dinv[dst2]
    msgs = h[src2] * norm[:, None]
    out = jax.ops.segment_sum(msgs, dst2, num_segments=N)
    return out + b


def batch_norm_eval(x, gamma, beta):
    # eval-mode BatchNorm1d with running_mean=0, running_var=1
    return x / jnp.sqrt(1.0 + EPS_BN) * gamma + beta


def reference(x, edge_index, W1, b1, g1, bt1, W2, b2, g2, bt2, W3, b3, g3, bt3):
    src = edge_index[0]
    dst = edge_index[1]
    h = x
    for (W, b, g, bt) in ((W1, b1, g1, bt1), (W2, b2, g2, bt2), (W3, b3, g3, bt3)):
        h = jax.nn.relu(gcn_conv(h, src, dst, W, b))
        h = batch_norm_eval(h, g, bt)
        # dropout p=0.0 -> identity
    # Encoder returns (data, x, edge_index, edge_attr, None); core tensor output is h
    return h

if __name__ == "__main__":
    import jax
    _d = setup_inputs()
    print(jax.jit(kernel)(*tuple(_d.values())))

</pallas_src>

<mosaic_0001>
#map = affine_map<(d0, d1) -> (0, 0)>
module attributes {stable_mosaic.version = 14 : i64} {
  func.func @_deg_body(%arg0: i32, %arg1: i32, %arg2: memref<2560x128xi32, #tpu.memory_space<hbm>>, %arg3: memref<2x10240xf32, #tpu.memory_space<hbm>>, %arg4: memref<10240xf32, #tpu.memory_space<vmem_shared>>, %arg5: memref<640xf32, #tpu.memory_space<vmem>>, %arg6: memref<128xf32, #tpu.memory_space<vmem>>, %arg7: memref<4x128xi32, #tpu.memory_space<vmem>>) attributes {dimension_semantics = [#tpu.dimension_semantics<core_parallel>, #tpu.dimension_semantics<subcore_parallel>], iteration_bounds = array<i64: 2, 16>, scalar_prefetch = 0 : i64, scratch_operands = 4 : i64, tpu.core_type = #tpu.core_type<sc_vector_subcore>, window_params = [{transform_indices = #map}, {transform_indices = #map}]} {
    %scan3A = arith.constant 0 : i32
    %scan3A_0 = arith.constant 0 : i32
    %scan3A_1 = arith.constant 40 : i32
    %scan3A_2 = arith.addi %scan3A_0, %scan3A_1 : i32
    %scan3A_3 = arith.constant 1 : i32
    %scan3A_4 = scf.for %scan3A_69 = %scan3A_0 to %scan3A_2 step %scan3A_3 iter_args(%scan3A_70 = %scan3A) -> (i32)  : i32 {
      %broadcast_in_dim3A_71 = arith.constant 0.000000e+00 : f32
      %broadcast_in_dim3A_72 = vector.broadcast %broadcast_in_dim3A_71 : f32 to vector<16xf32>
      %mul3A_73 = arith.constant 16 : i32
      %mul3A_74 = arith.muli %scan3A_69, %mul3A_73 : i32
      %swap3A_75 = arith.index_cast %mul3A_74 : i32 to index
      %swap3A_76 = tpu.vector_load %arg5[%swap3A_75] {strides = array<i32>} : memref<640xf32, #tpu.memory_space<vmem>>, vector<16xf32>,
      %swap3A_77 = vector.shape_cast %swap3A_76 : vector<16xf32> to vector<16xf32>
      %swap3A_78 = vector.shape_cast %broadcast_in_dim3A_72 : vector<16xf32> to vector<16xf32>
      tpu.vector_store %arg5[%swap3A_75], %swap3A_78 {strides = array<i32>} : memref<640xf32, #tpu.memory_space<vmem>>, vector<16xf32>,
      %scan3A_79 = arith.constant 0 : i32
      scf.yield %scan3A_79 : i32
    }
    %scan3A_5 = arith.constant 40 : i32
    %broadcast_in_dim3A = arith.constant 1.000000e+00 : f32
    %broadcast_in_dim3A_6 = vector.broadcast %broadcast_in_dim3A : f32 to vector<16xf32>
    %swap3A = arith.constant 0 : index
    %swap3A_7 = tpu.vector_load %arg6[%swap3A] {strides = array<i32>} : memref<128xf32, #tpu.memory_space<vmem>>, vector<16xf32>,
    %swap3A_8 = vector.shape_cast %swap3A_7 : vector<16xf32> to vector<16xf32>
    %swap3A_9 = vector.shape_cast %broadcast_in_dim3A_6 : vector<16xf32> to vector<16xf32>
    tpu.vector_store %arg6[%swap3A], %swap3A_9 {strides = array<i32>} : memref<128xf32, #tpu.memory_space<vmem>>, vector<16xf32>,
    %broadcast_in_dim3A_10 = arith.constant 1.000000e+00 : f32
    %broadcast_in_dim3A_11 = vector.broadcast %broadcast_in_dim3A_10 : f32 to vector<16xf32>
    %swap3A_12 = arith.constant 16 : index
    %swap3A_13 = tpu.vector_load %arg6[%swap3A_12] {strides = array<i32>} : memref<128xf32, #tpu.memory_space<vmem>>, vector<16xf32>,
    %swap3A_14 = vector.shape_cast %swap3A_13 : vector<16xf32> to vector<16xf32>
    %swap3A_15 = vector.shape_cast %broadcast_in_dim3A_11 : vector<16xf32> to vector<16xf32>
    tpu.vector_store %arg6[%swap3A_12], %swap3A_15 {strides = array<i32>} : memref<128xf32, #tpu.memory_space<vmem>>, vector<16xf32>,
    %broadcast_in_dim3A_16 = arith.constant 1.000000e+00 : f32
    %broadcast_in_dim3A_17 = vector.broadcast %broadcast_in_dim3A_16 : f32 to vector<16xf32>
    %swap3A_18 = arith.constant 32 : index
    %swap3A_19 = tpu.vector_load %arg6[%swap3A_18] {strides = array<i32>} : memref<128xf32, #tpu.memory_space<vmem>>, vector<16xf32>,
    %swap3A_20 = vector.shape_cast %swap3A_19 : vector<16xf32> to vector<16xf32>
    %swap3A_21 = vector.shape_cast %broadcast_in_dim3A_17 : vector<16xf32> to vector<16xf32>
    tpu.vector_store %arg6[%swap3A_18], %swap3A_21 {strides = array<i32>} : memref<128xf32, #tpu.memory_space<vmem>>, vector<16xf32>,
    %broadcast_in_dim3A_22 = arith.constant 1.000000e+00 : f32
    %broadcast_in_dim3A_23 = vector.broadcast %broadcast_in_dim3A_22 : f32 to vector<16xf32>
    %swap3A_24 = arith.constant 48 : index
    %swap3A_25 = tpu.vector_load %arg6[%swap3A_24] {strides = array<i32>} : memref<128xf32, #tpu.memory_space<vmem>>, vector<16xf32>,
    %swap3A_26 = vector.shape_cast %swap3A_25 : vector<16xf32> to vector<16xf32>
    %swap3A_27 = vector.shape_cast %broadcast_in_dim3A_23 : vector<16xf32> to vector<16xf32>
    tpu.vector_store %arg6[%swap3A_24], %swap3A_27 {strides = array<i32>} : memref<128xf32, #tpu.memory_space<vmem>>, vector<16xf32>,
    %broadcast_in_dim3A_28 = arith.constant 1.000000e+00 : f32
    %broadcast_in_dim3A_29 = vector.broadcast %broadcast_in_dim3A_28 : f32 to vector<16xf32>
    %swap3A_30 = arith.constant 64 : index
    %swap3A_31 = tpu.vector_load %arg6[%swap3A_30] {strides = array<i32>} : memref<128xf32, #tpu.memory_space<vmem>>, vector<16xf32>,
    %swap3A_32 = vector.shape_cast %swap3A_31 : vector<16xf32> to vector<16xf32>
    %swap3A_33 = vector.shape_cast %broadcast_in_dim3A_29 : vector<16xf32> to vector<16xf32>
    tpu.vector_store %arg6[%swap3A_30], %swap3A_33 {strides = array<i32>} : memref<128xf32, #tpu.memory_space<vmem>>, vector<16xf32>,
    %broadcast_in_dim3A_34 = arith.constant 1.000000e+00 : f32
    %broadcast_in_dim3A_35 = vector.broadcast %broadcast_in_dim3A_34 : f32 to vector<16xf32>
    %swap3A_36 = arith.constant 80 : index
    %swap3A_37 = tpu.vector_load %arg6[%swap3A_36] {strides = array<i32>} : memref<128xf32, #tpu.memory_space<vmem>>, vector<16xf32>,
    %swap3A_38 = vector.shape_cast %swap3A_37 : vector<16xf32> to vector<16xf32>
    %swap3A_39 = vector.shape_cast %broadcast_in_dim3A_35 : vector<16xf32> to vector<16xf32>
    tpu.vector_store %arg6[%swap3A_36], %swap3A_39 {strides = array<i32>} : memref<128xf32, #tpu.memory_space<vmem>>, vector<16xf32>,
    %broadcast_in_dim3A_40 = arith.constant 1.000000e+00 : f32
    %broadcast_in_dim3A_41 = vector.broadcast %broadcast_in_dim3A_40 : f32 to vector<16xf32>
    %swap3A_42 = arith.constant 96 : index
    %swap3A_43 = tpu.vector_load %arg6[%swap3A_42] {strides = array<i32>} : memref<128xf32, #tpu.memory_space<vmem>>, vector<16xf32>,
    %swap3A_44 = vector.shape_cast %swap3A_43 : vector<16xf32> to vector<16xf32>
    %swap3A_45 = vector.shape_cast %broadcast_in_dim3A_41 : vector<16xf32> to vector<16xf32>
    tpu.vector_store %arg6[%swap3A_42], %swap3A_45 {strides = array<i32>} : memref<128xf32, #tpu.memory_space<vmem>>, vector<16xf32>,
    %broadcast_in_dim3A_46 = arith.constant 1.000000e+00 : f32
    %broadcast_in_dim3A_47 = vector.broadcast %broadcast_in_dim3A_46 : f32 to vector<16xf32>
    %swap3A_48 = arith.constant 112 : index
    %swap3A_49 = tpu.vector_load %arg6[%swap3A_48] {strides = array<i32>} : memref<128xf32, #tpu.memory_space<vmem>>, vector<16xf32>,
    %swap3A_50 = vector.shape_cast %swap3A_49 : vector<16xf32> to vector<16xf32>
    %swap3A_51 = vector.shape_cast %broadcast_in_dim3A_47 : vector<16xf32> to vector<16xf32>
    tpu.vector_store %arg6[%swap3A_48], %swap3A_51 {strides = array<i32>} : memref<128xf32, #tpu.memory_space<vmem>>, vector<16xf32>,
    %mul3A = arith.constant 640 : i32
    %mul3A_52 = arith.muli %arg1, %mul3A : i32
    "tpu.region"() ({
      %run_scoped3A = tpu.sem_alloc : memref<!tpu.dma_semaphore, #tpu.memory_space<semaphore_mem>>
      %dma_start3A = tpu.memref_slice %arg4[%mul3A_52] : memref<10240xf32, #tpu.memory_space<vmem_shared>> -> memref<640xf32, #tpu.memory_space<vmem_shared>>
      %dma_start3A_69 = tpu.memref_slice %arg4[%mul3A_52] : memref<10240xf32, #tpu.memory_space<vmem_shared>> -> memref<640xf32, #tpu.memory_space<vmem_shared>>
      tpu.enqueue_dma source(%arg5 : memref<640xf32, #tpu.memory_space<vmem>>) target(%dma_start3A_69 : memref<640xf32, #tpu.memory_space<vmem_shared>>) target_semaphore(%run_scoped3A : memref<!tpu.dma_semaphore, #tpu.memory_space<semaphore_mem>>)
      %dma_wait3A = tpu.memref_slice %arg4[%mul3A_52] : memref<10240xf32, #tpu.memory_space<vmem_shared>> -> memref<640xf32, #tpu.memory_space<vmem_shared>>
      %dma_wait3A_70 = tpu.memref_slice %arg4[%mul3A_52] : memref<10240xf32, #tpu.memory_space<vmem_shared>> -> memref<640xf32, #tpu.memory_space<vmem_shared>>
      tpu.wait_dma2 semaphore(%run_scoped3A : memref<!tpu.dma_semaphore, #tpu.memory_space<semaphore_mem>>) src(%arg5 : memref<640xf32, #tpu.memory_space<vmem>>) dst(%dma_wait3A_70 : memref<640xf32, #tpu.memory_space<vmem_shared>>)
      tpu.yield
    }) : () -> ()
    %barrier3A = arith.constant 0 : index
    tpu.barrier barrier_id(%barrier3A)
    %mul3A_53 = arith.constant 16 : i32
    %mul3A_54 = arith.muli %arg0, %mul3A_53 : i32
    %add3A = arith.addi %mul3A_54, %arg1 : i32
    %mul3A_55 = arith.constant 20 : i32
    %mul3A_56 = arith.muli %add3A, %mul3A_55 : i32
    %scan3A_57 = arith.constant 0 : i32
    %scan3A_58 = arith.constant 0 : i32
    %scan3A_59 = arith.constant 20 : i32
    %scan3A_60 = arith.addi %scan3A_58, %scan3A_59 : i32
    %scan3A_61 = arith.constant 1 : i32
    %scan3A_62 = scf.for %scan3A_69 = %scan3A_58 to %scan3A_60 step %scan3A_61 iter_args(%scan3A_70 = %scan3A_57) -> (i32)  : i32 {
      %add3A_71 = arith.addi %mul3A_56, %scan3A_69 : i32
      %mul3A_72 = arith.constant 4 : i32
      %mul3A_73 = arith.muli %add3A_71, %mul3A_72 : i32
      "tpu.region"() ({
        %run_scoped3A_78 = tpu.sem_alloc : memref<!tpu.dma_semaphore, #tpu.memory_space<semaphore_mem>>
        %dma_start3A = arith.constant 0 : i32
        %dma_start3A_79 = tpu.memref_slice %arg2[%mul3A_73, %dma_start3A] : memref<2560x128xi32, #tpu.memory_space<hbm>> -> memref<4x128xi32, #tpu.memory_space<hbm>>
        %dma_start3A_80 = arith.constant 0 : i32
        %dma_start3A_81 = tpu.memref_slice %arg2[%mul3A_73, %dma_start3A_80] : memref<2560x128xi32, #tpu.memory_space<hbm>> -> memref<4x128xi32, #tpu.memory_space<hbm>>
        tpu.enqueue_dma source(%dma_start3A_81 : memref<4x128xi32, #tpu.memory_space<hbm>>) target(%arg7 : memref<4x128xi32, #tpu.memory_space<vmem>>) target_semaphore(%run_scoped3A_78 : memref<!tpu.dma_semaphore, #tpu.memory_space<semaphore_mem>>)
        %dma_wait3A = arith.constant 0 : i32
        %dma_wait3A_82 = tpu.memref_slice %arg2[%mul3A_73, %dma_wait3A] : memref<2560x128xi32, #tpu.memory_space<hbm>> -> memref<4x128xi32, #tpu.memory_space<hbm>>
        %dma_wait3A_83 = arith.constant 0 : i32
        %dma_wait3A_84 = tpu.memref_slice %arg2[%mul3A_73, %dma_wait3A_83] : memref<2560x128xi32, #tpu.memory_space<hbm>> -> memref<4x128xi32, #tpu.memory_space<hbm>>
        tpu.wait_dma2 semaphore(%run_scoped3A_78 : memref<!tpu.dma_semaphore, #tpu.memory_space<semaphore_mem>>) src(%dma_wait3A_84 : memref<4x128xi32, #tpu.memory_space<hbm>>) dst(%arg7 : memref<4x128xi32, #tpu.memory_space<vmem>>)
        tpu.yield
      }) : () -> ()
      %run_scoped3A = arith.constant 0 : i32
      "tpu.region"() ({
        %run_scoped3A_78 = tpu.sem_alloc : memref<!tpu.dma_semaphore, #tpu.memory_space<semaphore_mem>>
        %dma_start3A = arith.constant 0 : i32
        %dma_start3A_79 = tpu.memref_slice %arg7[%run_scoped3A, %dma_start3A] : memref<4x128xi32, #tpu.memory_space<vmem>> -> memref<1x128xi32, #tpu.memory_space<vmem>>
        %dma_start3A_80 = tpu.memref_squeeze %dma_start3A_79 : memref<1x128xi32, #tpu.memory_space<vmem>> -> memref<128xi32, #tpu.memory_space<vmem>>
        %dma_start3A_81 = arith.constant 0 : i32
        %dma_start3A_82 = tpu.memref_slice %arg4[%dma_start3A_81] : memref<10240xf32, #tpu.memory_space<vmem_shared>> -> memref<10240xf32, #tpu.memory_space<vmem_shared>>
        tpu.enqueue_indirect_dma source(%arg6 : memref<128xf32, #tpu.memory_space<vmem>>) target(%dma_start3A_82 : memref<10240xf32, #tpu.memory_space<vmem_shared>>) offsets(%dma_start3A_80 : memref<128xi32, #tpu.memory_space<vmem>>) semaphore(%run_scoped3A_78 : memref<!tpu.dma_semaphore, #tpu.memory_space<semaphore_mem>>) {add = true}
        %dma_wait3A = arith.constant 0 : i32
        %dma_wait3A_83 = tpu.memref_slice %arg7[%run_scoped3A, %dma_wait3A] : memref<4x128xi32, #tpu.memory_space<vmem>> -> memref<1x128xi32, #tpu.memory_space<vmem>>
        %dma_wait3A_84 = tpu.memref_squeeze %dma_wait3A_83 : memref<1x128xi32, #tpu.memory_space<vmem>> -> memref<128xi32, #tpu.memory_space<vmem>>
        %dma_wait3A_85 = arith.constant 0 : i32
        %dma_wait3A_86 = tpu.memref_slice %arg4[%dma_wait3A_85] : memref<10240xf32, #tpu.memory_space<vmem_shared>> -> memref<10240xf32, #tpu.memory_space<vmem_shared>>
        tpu.wait_indirect_dma semaphore(%run_scoped3A_78 : memref<!tpu.dma_semaphore, #tpu.memory_space<semaphore_mem>>) src(%arg6 : memref<128xf32, #tpu.memory_space<vmem>>) dst(%dma_wait3A_86 : memref<10240xf32, #tpu.memory_space<vmem_shared>>)
        tpu.yield
      }) : () -> ()
      %run_scoped3A_74 = arith.constant 1 : i32
      "tpu.region"() ({
        %run_scoped3A_78 = tpu.sem_alloc : memref<!tpu.dma_semaphore, #tpu.memory_space<semaphore_mem>>
        %dma_start3A = arith.constant 0 : i32
        %dma_start3A_79 = tpu.memref_slice %arg7[%run_scoped3A_74, %dma_start3A] : memref<4x128xi32, #tpu.memory_space<vmem>> -> memref<1x128xi32, #tpu.memory_space<vmem>>
        %dma_start3A_80 = tpu.memref_squeeze %dma_start3A_79 : memref<1x128xi32, #tpu.memory_space<vmem>> -> memref<128xi32, #tpu.memory_space<vmem>>
        %dma_start3A_81 = arith.constant 0 : i32
        %dma_start3A_82 = tpu.memref_slice %arg4[%dma_start3A_81] : memref<10240xf32, #tpu.memory_space<vmem_shared>> -> memref<10240xf32, #tpu.memory_space<vmem_shared>>
        tpu.enqueue_indirect_dma source(%arg6 : memref<128xf32, #tpu.memory_space<vmem>>) target(%dma_start3A_82 : memref<10240xf32, #tpu.memory_space<vmem_shared>>) offsets(%dma_start3A_80 : memref<128xi32, #tpu.memory_space<vmem>>) semaphore(%run_scoped3A_78 : memref<!tpu.dma_semaphore, #tpu.memory_space<semaphore_mem>>) {add = true}
        %dma_wait3A = arith.constant 0 : i32
        %dma_wait3A_83 = tpu.memref_slice %arg7[%run_scoped3A_74, %dma_wait3A] : memref<4x128xi32, #tpu.memory_space<vmem>> -> memref<1x128xi32, #tpu.memory_space<vmem>>
        %dma_wait3A_84 = tpu.memref_squeeze %dma_wait3A_83 : memref<1x128xi32, #tpu.memory_space<vmem>> -> memref<128xi32, #tpu.memory_space<vmem>>
        %dma_wait3A_85 = arith.constant 0 : i32
        %dma_wait3A_86 = tpu.memref_slice %arg4[%dma_wait3A_85] : memref<10240xf32, #tpu.memory_space<vmem_shared>> -> memref<10240xf32, #tpu.memory_space<vmem_shared>>
        tpu.wait_indirect_dma semaphore(%run_scoped3A_78 : memref<!tpu.dma_semaphore, #tpu.memory_space<semaphore_mem>>) src(%arg6 : memref<128xf32, #tpu.memory_space<vmem>>) dst(%dma_wait3A_86 : memref<10240xf32, #tpu.memory_space<vmem_shared>>)
        tpu.yield
      }) : () -> ()
      %run_scoped3A_75 = arith.constant 2 : i32
      "tpu.region"() ({
        %run_scoped3A_78 = tpu.sem_alloc : memref<!tpu.dma_semaphore, #tpu.memory_space<semaphore_mem>>
        %dma_start3A = arith.constant 0 : i32
        %dma_start3A_79 = tpu.memref_slice %arg7[%run_scoped3A_75, %dma_start3A] : memref<4x128xi32, #tpu.memory_space<vmem>> -> memref<1x128xi32, #tpu.memory_space<vmem>>
        %dma_start3A_80 = tpu.memref_squeeze %dma_start3A_79 : memref<1x128xi32, #tpu.memory_space<vmem>> -> memref<128xi32, #tpu.memory_space<vmem>>
        %dma_start3A_81 = arith.constant 0 : i32
        %dma_start3A_82 = tpu.memref_slice %arg4[%dma_start3A_81] : memref<10240xf32, #tpu.memory_space<vmem_shared>> -> memref<10240xf32, #tpu.memory_space<vmem_shared>>
        tpu.enqueue_indirect_dma source(%arg6 : memref<128xf32, #tpu.memory_space<vmem>>) target(%dma_start3A_82 : memref<10240xf32, #tpu.memory_space<vmem_shared>>) offsets(%dma_start3A_80 : memref<128xi32, #tpu.memory_space<vmem>>) semaphore(%run_scoped3A_78 : memref<!tpu.dma_semaphore, #tpu.memory_space<semaphore_mem>>) {add = true}
        %dma_wait3A = arith.constant 0 : i32
        %dma_wait3A_83 = tpu.memref_slice %arg7[%run_scoped3A_75, %dma_wait3A] : memref<4x128xi32, #tpu.memory_space<vmem>> -> memref<1x128xi32, #tpu.memory_space<vmem>>
        %dma_wait3A_84 = tpu.memref_squeeze %dma_wait3A_83 : memref<1x128xi32, #tpu.memory_space<vmem>> -> memref<128xi32, #tpu.memory_space<vmem>>
        %dma_wait3A_85 = arith.constant 0 : i32
        %dma_wait3A_86 = tpu.memref_slice %arg4[%dma_wait3A_85] : memref<10240xf32, #tpu.memory_space<vmem_shared>> -> memref<10240xf32, #tpu.memory_space<vmem_shared>>
        tpu.wait_indirect_dma semaphore(%run_scoped3A_78 : memref<!tpu.dma_semaphore, #tpu.memory_space<semaphore_mem>>) src(%arg6 : memref<128xf32, #tpu.memory_space<vmem>>) dst(%dma_wait3A_86 : memref<10240xf32, #tpu.memory_space<vmem_shared>>)
        tpu.yield
      }) : () -> ()
      %run_scoped3A_76 = arith.constant 3 : i32
      "tpu.region"() ({
        %run_scoped3A_78 = tpu.sem_alloc : memref<!tpu.dma_semaphore, #tpu.memory_space<semaphore_mem>>
        %dma_start3A = arith.constant 0 : i32
        %dma_start3A_79 = tpu.memref_slice %arg7[%run_scoped3A_76, %dma_start3A] : memref<4x128xi32, #tpu.memory_space<vmem>> -> memref<1x128xi32, #tpu.memory_space<vmem>>
        %dma_start3A_80 = tpu.memref_squeeze %dma_start3A_79 : memref<1x128xi32, #tpu.memory_space<vmem>> -> memref<128xi32, #tpu.memory_space<vmem>>
        %dma_start3A_81 = arith.constant 0 : i32
        %dma_start3A_82 = tpu.memref_slice %arg4[%dma_start3A_81] : memref<10240xf32, #tpu.memory_space<vmem_shared>> -> memref<10240xf32, #tpu.memory_space<vmem_shared>>
        tpu.enqueue_indirect_dma source(%arg6 : memref<128xf32, #tpu.memory_space<vmem>>) target(%dma_start3A_82 : memref<10240xf32, #tpu.memory_space<vmem_shared>>) offsets(%dma_start3A_80 : memref<128xi32, #tpu.memory_space<vmem>>) semaphore(%run_scoped3A_78 : memref<!tpu.dma_semaphore, #tpu.memory_space<semaphore_mem>>) {add = true}
        %dma_wait3A = arith.constant 0 : i32
        %dma_wait3A_83 = tpu.memref_slice %arg7[%run_scoped3A_76, %dma_wait3A] : memref<4x128xi32, #tpu.memory_space<vmem>> -> memref<1x128xi32, #tpu.memory_space<vmem>>
        %dma_wait3A_84 = tpu.memref_squeeze %dma_wait3A_83 : memref<1x128xi32, #tpu.memory_space<vmem>> -> memref<128xi32, #tpu.memory_space<vmem>>
        %dma_wait3A_85 = arith.constant 0 : i32
        %dma_wait3A_86 = tpu.memref_slice %arg4[%dma_wait3A_85] : memref<10240xf32, #tpu.memory_space<vmem_shared>> -> memref<10240xf32, #tpu.memory_space<vmem_shared>>
        tpu.wait_indirect_dma semaphore(%run_scoped3A_78 : memref<!tpu.dma_semaphore, #tpu.memory_space<semaphore_mem>>) src(%arg6 : memref<128xf32, #tpu.memory_space<vmem>>) dst(%dma_wait3A_86 : memref<10240xf32, #tpu.memory_space<vmem_shared>>)
        tpu.yield
      }) : () -> ()
      %scan3A_77 = arith.constant 0 : i32
      scf.yield %scan3A_77 : i32
    }
    %scan3A_63 = arith.constant 20 : i32
    %barrier3A_64 = arith.constant 0 : index
    tpu.barrier barrier_id(%barrier3A_64)
    %mul3A_65 = arith.constant 640 : i32
    %mul3A_66 = arith.muli %arg1, %mul3A_65 : i32
    %mul3A_67 = arith.constant 640 : i32
    %mul3A_68 = arith.muli %arg1, %mul3A_67 : i32
    "tpu.region"() ({
      %run_scoped3A = tpu.sem_alloc : memref<!tpu.dma_semaphore, #tpu.memory_space<semaphore_mem>>
      %dma_start3A = tpu.memref_slice %arg3[%arg0, %mul3A_68] : memref<2x10240xf32, #tpu.memory_space<hbm>> -> memref<1x640xf32, #tpu.memory_space<hbm>>
      %dma_start3A_69 = tpu.memref_squeeze %dma_start3A : memref<1x640xf32, #tpu.memory_space<hbm>> -> memref<640xf32, #tpu.memory_space<hbm>>
      %dma_start3A_70 = tpu.memref_slice %arg4[%mul3A_66] : memref<10240xf32, #tpu.memory_space<vmem_shared>> -> memref<640xf32, #tpu.memory_space<vmem_shared>>
      tpu.enqueue_dma source(%dma_start3A_70 : memref<640xf32, #tpu.memory_space<vmem_shared>>) target(%dma_start3A_69 : memref<640xf32, #tpu.memory_space<hbm>>) target_semaphore(%run_scoped3A : memref<!tpu.dma_semaphore, #tpu.memory_space<semaphore_mem>>)
      %dma_wait3A = tpu.memref_slice %arg3[%arg0, %mul3A_68] : memref<2x10240xf32, #tpu.memory_space<hbm>> -> memref<1x640xf32, #tpu.memory_space<hbm>>
      %dma_wait3A_71 = tpu.memref_squeeze %dma_wait3A : memref<1x640xf32, #tpu.memory_space<hbm>> -> memref<640xf32, #tpu.memory_space<hbm>>
      %dma_wait3A_72 = tpu.memref_slice %arg4[%mul3A_66] : memref<10240xf32, #tpu.memory_space<vmem_shared>> -> memref<640xf32, #tpu.memory_space<vmem_shared>>
      tpu.wait_dma2 semaphore(%run_scoped3A : memref<!tpu.dma_semaphore, #tpu.memory_space<semaphore_mem>>) src(%dma_wait3A_72 : memref<640xf32, #tpu.memory_space<vmem_shared>>) dst(%dma_wait3A_71 : memref<640xf32, #tpu.memory_space<hbm>>)
      tpu.yield
    }) : () -> ()
    return
  }
}

#map = affine_map<(d0, d1) -> (0, 0, 0)>
#map1 = affine_map<(d0, d1) -> (0, 0)>
module attributes {stable_mosaic.version = 14 : i64} {
  func.func @_scat_body(%arg0: i32, %arg1: i32, %arg2: memref<2x10000x64xf32, #tpu.memory_space<hbm>>, %arg3: memref<2560x128xi32, #tpu.memory_space<hbm>>, %arg4: memref<2560x128xi32, #tpu.memory_space<hbm>>, %arg5: memref<10240x2x64xf32, #tpu.memory_space<hbm>>, %arg6: memref<10000x64xf32, #tpu.memory_space<vmem_shared>>, %arg7: memref<10240x64xf32, #tpu.memory_space<vmem_shared>>, %arg8: memref<128x64xf32, #tpu.memory_space<vmem>>, %arg9: memref<128x64xf32, #tpu.memory_space<vmem>>, %arg10: memref<128x64xf32, #tpu.memory_space<vmem>>, %arg11: memref<128x64xf32, #tpu.memory_space<vmem>>, %arg12: memref<4x128xi32, #tpu.memory_space<vmem>>, %arg13: memref<4x128xi32, #tpu.memory_space<vmem>>, %arg14: memref<!tpu.dma_semaphore, #tpu.memory_space<semaphore_mem>>, %arg15: memref<!tpu.dma_semaphore, #tpu.memory_space<semaphore_mem>>) attributes {dimension_semantics = [#tpu.dimension_semantics<core_parallel>, #tpu.dimension_semantics<subcore_parallel>], iteration_bounds = array<i64: 2, 16>, scalar_prefetch = 0 : i64, scratch_operands = 10 : i64, tpu.core_type = #tpu.core_type<sc_vector_subcore>, window_params = [{transform_indices = #map}, {transform_indices = #map1}, {transform_indices = #map1}, {transform_indices = #map}]} {
    %mul3A = arith.constant 625 : i32
    %mul3A_0 = arith.muli %arg1, %mul3A : i32
    %mul3A_1 = arith.constant 625 : i32
    %mul3A_2 = arith.muli %arg1, %mul3A_1 : i32
    %dma_start3A = arith.constant 0 : i32
    %dma_start3A_3 = tpu.memref_slice %arg6[%mul3A_2, %dma_start3A] : memref<10000x64xf32, #tpu.memory_space<vmem_shared>> -> memref<625x64xf32, #tpu.memory_space<vmem_shared>>
    %dma_start3A_4 = arith.constant 0 : i32
    %dma_start3A_5 = tpu.memref_slice %arg2[%arg0, %mul3A_0, %dma_start3A_4] : memref<2x10000x64xf32, #tpu.memory_space<hbm>> -> memref<1x625x64xf32, #tpu.memory_space<hbm>>
    %dma_start3A_6 = tpu.memref_squeeze %dma_start3A_5 : memref<1x625x64xf32, #tpu.memory_space<hbm>> -> memref<625x64xf32, #tpu.memory_space<hbm>>
    tpu.enqueue_dma source(%dma_start3A_6 : memref<625x64xf32, #tpu.memory_space<hbm>>) target(%dma_start3A_3 : memref<625x64xf32, #tpu.memory_space<vmem_shared>>) target_semaphore(%arg14 : memref<!tpu.dma_semaphore, #tpu.memory_space<semaphore_mem>>)
    %mul3A_7 = arith.constant 625 : i32
    %mul3A_8 = arith.muli %arg1, %mul3A_7 : i32
    %mul3A_9 = arith.constant 625 : i32
    %mul3A_10 = arith.muli %arg1, %mul3A_9 : i32
    %dma_start3A_11 = arith.constant 0 : i32
    %dma_start3A_12 = tpu.memref_slice %arg7[%mul3A_10, %dma_start3A_11] : memref<10240x64xf32, #tpu.memory_space<vmem_shared>> -> memref<625x64xf32, #tpu.memory_space<vmem_shared>>
    %dma_start3A_13 = arith.constant 0 : i32
    %dma_start3A_14 = tpu.memref_slice %arg2[%arg0, %mul3A_8, %dma_start3A_13] : memref<2x10000x64xf32, #tpu.memory_space<hbm>> -> memref<1x625x64xf32, #tpu.memory_space<hbm>>
    %dma_start3A_15 = tpu.memref_squeeze %dma_start3A_14 : memref<1x625x64xf32, #tpu.memory_space<hbm>> -> memref<625x64xf32, #tpu.memory_space<hbm>>
    tpu.enqueue_dma source(%dma_start3A_15 : memref<625x64xf32, #tpu.memory_space<hbm>>) target(%dma_start3A_12 : memref<625x64xf32, #tpu.memory_space<vmem_shared>>) target_semaphore(%arg15 : memref<!tpu.dma_semaphore, #tpu.memory_space<semaphore_mem>>)
    %dma_wait3A = arith.constant 0 : i32
    %dma_wait3A_16 = tpu.memref_slice %arg6[%mul3A_2, %dma_wait3A] : memref<10000x64xf32, #tpu.memory_space<vmem_shared>> -> memref<625x64xf32, #tpu.memory_space<vmem_shared>>
    %dma_wait3A_17 = arith.constant 0 : i32
    %dma_wait3A_18 = tpu.memref_slice %arg2[%arg0, %mul3A_0, %dma_wait3A_17] : memref<2x10000x64xf32, #tpu.memory_space<hbm>> -> memref<1x625x64xf32, #tpu.memory_space<hbm>>
    %dma_wait3A_19 = tpu.memref_squeeze %dma_wait3A_18 : memref<1x625x64xf32, #tpu.memory_space<hbm>> -> memref<625x64xf32, #tpu.memory_space<hbm>>
    tpu.wait_dma2 semaphore(%arg14 : memref<!tpu.dma_semaphore, #tpu.memory_space<semaphore_mem>>) src(%dma_wait3A_19 : memref<625x64xf32, #tpu.memory_space<hbm>>) dst(%dma_wait3A_16 : memref<625x64xf32, #tpu.memory_space<vmem_shared>>)
    %dma_wait3A_20 = arith.constant 0 : i32
    %dma_wait3A_21 = tpu.memref_slice %arg7[%mul3A_10, %dma_wait3A_20] : memref<10240x64xf32, #tpu.memory_space<vmem_shared>> -> memref<625x64xf32, #tpu.memory_space<vmem_shared>>
    %dma_wait3A_22 = arith.constant 0 : i32
    %dma_wait3A_23 = tpu.memref_slice %arg2[%arg0, %mul3A_8, %dma_wait3A_22] : memref<2x10000x64xf32, #tpu.memory_space<hbm>> -> memref<1x625x64xf32, #tpu.memory_space<hbm>>
    %dma_wait3A_24 = tpu.memref_squeeze %dma_wait3A_23 : memref<1x625x64xf32, #tpu.memory_space<hbm>> -> memref<625x64xf32, #tpu.memory_space<hbm>>
    tpu.wait_dma2 semaphore(%arg15 : memref<!tpu.dma_semaphore, #tpu.memory_space<semaphore_mem>>) src(%dma_wait3A_24 : memref<625x64xf32, #tpu.memory_space<hbm>>) dst(%dma_wait3A_21 : memref<625x64xf32, #tpu.memory_space<vmem_shared>>)
    %barrier3A = arith.constant 0 : index
    tpu.barrier barrier_id(%barrier3A)
    %mul3A_25 = arith.constant 40 : i32
    %mul3A_26 = arith.muli %arg1, %mul3A_25 : i32
    %scan3A = arith.constant 0 : i32
    %scan3A_27 = arith.constant 0 : i32
    %scan3A_28 = arith.constant 40 : i32
    %scan3A_29 = arith.addi %scan3A_27, %scan3A_28 : i32
    %scan3A_30 = arith.constant 1 : i32
    %scan3A_31 = scf.for %scan3A_53 = %scan3A_27 to %scan3A_29 step %scan3A_30 iter_args(%scan3A_54 = %scan3A) -> (i32)  : i32 {
      %add3A_55 = arith.addi %mul3A_26, %scan3A_53 : i32
      %mul3A_56 = arith.constant 4 : i32
      %mul3A_57 = arith.muli %add3A_55, %mul3A_56 : i32
      "tpu.region"() ({
        %run_scoped3A = tpu.sem_alloc : memref<!tpu.dma_semaphore, #tpu.memory_space<semaphore_mem>>
        %dma_start3A_171 = arith.constant 0 : i32
        %dma_start3A_172 = tpu.memref_slice %arg3[%mul3A_57, %dma_start3A_171] : memref<2560x128xi32, #tpu.memory_space<hbm>> -> memref<4x128xi32, #tpu.memory_space<hbm>>
        %dma_start3A_173 = arith.constant 0 : i32
        %dma_start3A_174 = tpu.memref_slice %arg3[%mul3A_57, %dma_start3A_173] : memref<2560x128xi32, #tpu.memory_space<hbm>> -> memref<4x128xi32, #tpu.memory_space<hbm>>
        tpu.enqueue_dma source(%dma_start3A_174 : memref<4x128xi32, #tpu.memory_space<hbm>>) target(%arg12 : memref<4x128xi32, #tpu.memory_space<vmem>>) target_semaphore(%run_scoped3A : memref<!tpu.dma_semaphore, #tpu.memory_space<semaphore_mem>>)
        %dma_wait3A_175 = arith.constant 0 : i32
        %dma_wait3A_176 = tpu.memref_slice %arg3[%mul3A_57, %dma_wait3A_175] : memref<2560x128xi32, #tpu.memory_space<hbm>> -> memref<4x128xi32, #tpu.memory_space<hbm>>
        %dma_wait3A_177 = arith.constant 0 : i32
        %dma_wait3A_178 = tpu.memref_slice %arg3[%mul3A_57, %dma_wait3A_177] : memref<2560x128xi32, #tpu.memory_space<hbm>> -> memref<4x128xi32, #tpu.memory_space<hbm>>
        tpu.wait_dma2 semaphore(%run_scoped3A : memref<!tpu.dma_semaphore, #tpu.memory_space<semaphore_mem>>) src(%dma_wait3A_178 : memref<4x128xi32, #tpu.memory_space<hbm>>) dst(%arg12 : memref<4x128xi32, #tpu.memory_space<vmem>>)
        tpu.yield
      }) : () -> ()
      "tpu.region"() ({
        %run_scoped3A = tpu.sem_alloc : memref<!tpu.dma_semaphore, #tpu.memory_space<semaphore_mem>>
        %dma_start3A_171 = arith.constant 0 : i32
        %dma_start3A_172 = tpu.memref_slice %arg4[%mul3A_57, %dma_start3A_171] : memref<2560x128xi32, #tpu.memory_space<hbm>> -> memref<4x128xi32, #tpu.memory_space<hbm>>
        %dma_start3A_173 = arith.constant 0 : i32
        %dma_start3A_174 = tpu.memref_slice %arg4[%mul3A_57, %dma_start3A_173] : memref<2560x128xi32, #tpu.memory_space<hbm>> -> memref<4x128xi32, #tpu.memory_space<hbm>>
        tpu.enqueue_dma source(%dma_start3A_174 : memref<4x128xi32, #tpu.memory_space<hbm>>) target(%arg13 : memref<4x128xi32, #tpu.memory_space<vmem>>) target_semaphore(%run_scoped3A : memref<!tpu.dma_semaphore, #tpu.memory_space<semaphore_mem>>)
        %dma_wait3A_175 = arith.constant 0 : i32
        %dma_wait3A_176 = tpu.memref_slice %arg4[%mul3A_57, %dma_wait3A_175] : memref<2560x128xi32, #tpu.memory_space<hbm>> -> memref<4x128xi32, #tpu.memory_space<hbm>>
        %dma_wait3A_177 = arith.constant 0 : i32
        %dma_wait3A_178 = tpu.memref_slice %arg4[%mul3A_57, %dma_wait3A_177] : memref<2560x128xi32, #tpu.memory_space<hbm>> -> memref<4x128xi32, #tpu.memory_space<hbm>>
        tpu.wait_dma2 semaphore(%run_scoped3A : memref<!tpu.dma_semaphore, #tpu.memory_space<semaphore_mem>>) src(%dma_wait3A_178 : memref<4x128xi32, #tpu.memory_space<hbm>>) dst(%arg13 : memref<4x128xi32, #tpu.memory_space<vmem>>)
        tpu.yield
      }) : () -> ()
      %dma_start3A_58 = arith.constant 0 : i32
      %dma_start3A_59 = arith.constant 0 : i32
      %dma_start3A_60 = tpu.memref_slice %arg12[%dma_start3A_58, %dma_start3A_59] : memref<4x128xi32, #tpu.memory_space<vmem>> -> memref<1x128xi32, #tpu.memory_space<vmem>>
      %dma_start3A_61 = tpu.memref_squeeze %dma_start3A_60 : memref<1x128xi32, #tpu.memory_space<vmem>> -> memref<128xi32, #tpu.memory_space<vmem>>
      %dma_start3A_62 = arith.constant 0 : i32
      %dma_start3A_63 = arith.constant 0 : i32
      %dma_start3A_64 = tpu.memref_slice %arg6[%dma_start3A_62, %dma_start3A_63] : memref<10000x64xf32, #tpu.memory_space<vmem_shared>> -> memref<10000x64xf32, #tpu.memory_space<vmem_shared>>
      tpu.enqueue_indirect_dma source(%dma_start3A_64 : memref<10000x64xf32, #tpu.memory_space<vmem_shared>>) target(%arg8 : memref<128x64xf32, #tpu.memory_space<vmem>>) offsets(%dma_start3A_61 : memref<128xi32, #tpu.memory_space<vmem>>) semaphore(%arg14 : memref<!tpu.dma_semaphore, #tpu.memory_space<semaphore_mem>>)
      %dma_start3A_65 = arith.constant 1 : i32
      %dma_start3A_66 = arith.constant 0 : i32
      %dma_start3A_67 = tpu.memref_slice %arg12[%dma_start3A_65, %dma_start3A_66] : memref<4x128xi32, #tpu.memory_space<vmem>> -> memref<1x128xi32, #tpu.memory_space<vmem>>
      %dma_start3A_68 = tpu.memref_squeeze %dma_start3A_67 : memref<1x128xi32, #tpu.memory_space<vmem>> -> memref<128xi32, #tpu.memory_space<vmem>>
      %dma_start3A_69 = arith.constant 0 : i32
      %dma_start3A_70 = arith.constant 0 : i32
      %dma_start3A_71 = tpu.memref_slice %arg6[%dma_start3A_69, %dma_start3A_70] : memref<10000x64xf32, #tpu.memory_space<vmem_shared>> -> memref<10000x64xf32, #tpu.memory_space<vmem_shared>>
      tpu.enqueue_indirect_dma source(%dma_start3A_71 : memref<10000x64xf32, #tpu.memory_space<vmem_shared>>) target(%arg9 : memref<128x64xf32, #tpu.memory_space<vmem>>) offsets(%dma_start3A_68 : memref<128xi32, #tpu.memory_space<vmem>>) semaphore(%arg14 : memref<!tpu.dma_semaphore, #tpu.memory_space<semaphore_mem>>)
      %dma_start3A_72 = arith.constant 2 : i32
      %dma_start3A_73 = arith.constant 0 : i32
      %dma_start3A_74 = tpu.memref_slice %arg12[%dma_start3A_72, %dma_start3A_73] : memref<4x128xi32, #tpu.memory_space<vmem>> -> memref<1x128xi32, #tpu.memory_space<vmem>>
      %dma_start3A_75 = tpu.memref_squeeze %dma_start3A_74 : memref<1x128xi32, #tpu.memory_space<vmem>> -> memref<128xi32, #tpu.memory_space<vmem>>
      %dma_start3A_76 = arith.constant 0 : i32
      %dma_start3A_77 = arith.constant 0 : i32
      %dma_start3A_78 = tpu.memref_slice %arg6[%dma_start3A_76, %dma_start3A_77] : memref<10000x64xf32, #tpu.memory_space<vmem_shared>> -> memref<10000x64xf32, #tpu.memory_space<vmem_shared>>
      tpu.enqueue_indirect_dma source(%dma_start3A_78 : memref<10000x64xf32, #tpu.memory_space<vmem_shared>>) target(%arg10 : memref<128x64xf32, #tpu.memory_space<vmem>>) offsets(%dma_start3A_75 : memref<128xi32, #tpu.memory_space<vmem>>) semaphore(%arg14 : memref<!tpu.dma_semaphore, #tpu.memory_space<semaphore_mem>>)
      %dma_start3A_79 = arith.constant 3 : i32
      %dma_start3A_80 = arith.constant 0 : i32
      %dma_start3A_81 = tpu.memref_slice %arg12[%dma_start3A_79, %dma_start3A_80] : memref<4x128xi32, #tpu.memory_space<vmem>> -> memref<1x128xi32, #tpu.memory_space<vmem>>
      %dma_start3A_82 = tpu.memref_squeeze %dma_start3A_81 : memref<1x128xi32, #tpu.memory_space<vmem>> -> memref<128xi32, #tpu.memory_space<vmem>>
      %dma_start3A_83 = arith.constant 0 : i32
      %dma_start3A_84 = arith.constant 0 : i32
      %dma_start3A_85 = tpu.memref_slice %arg6[%dma_start3A_83, %dma_start3A_84] : memref<10000x64xf32, #tpu.memory_space<vmem_shared>> -> memref<10000x64xf32, #tpu.memory_space<vmem_shared>>
      tpu.enqueue_indirect_dma source(%dma_start3A_85 : memref<10000x64xf32, #tpu.memory_space<vmem_shared>>) target(%arg11 : memref<128x64xf32, #tpu.memory_space<vmem>>) offsets(%dma_start3A_82 : memref<128xi32, #tpu.memory_space<vmem>>) semaphore(%arg14 : memref<!tpu.dma_semaphore, #tpu.memory_space<semaphore_mem>>)
      %dma_wait3A_86 = arith.constant 0 : i32
      %dma_wait3A_87 = arith.constant 0 : i32
      %dma_wait3A_88 = tpu.memref_slice %arg12[%dma_wait3A_86, %dma_wait3A_87] : memref<4x128xi32, #tpu.memory_space<vmem>> -> memref<1x128xi32, #tpu.memory_space<vmem>>
      %dma_wait3A_89 = tpu.memref_squeeze %dma_wait3A_88 : memref<1x128xi32, #tpu.memory_space<vmem>> -> memref<128xi32, #tpu.memory_space<vmem>>
      %dma_wait3A_90 = arith.constant 0 : i32
      %dma_wait3A_91 = arith.constant 0 : i32
      %dma_wait3A_92 = tpu.memref_slice %arg6[%dma_wait3A_90, %dma_wait3A_91] : memref<10000x64xf32, #tpu.memory_space<vmem_shared>> -> memref<10000x64xf32, #tpu.memory_space<vmem_shared>>
      tpu.wait_indirect_dma semaphore(%arg14 : memref<!tpu.dma_semaphore, #tpu.memory_space<semaphore_mem>>) src(%dma_wait3A_92 : memref<10000x64xf32, #tpu.memory_space<vmem_shared>>) dst(%arg8 : memref<128x64xf32, #tpu.memory_space<vmem>>)
      %dma_start3A_93 = arith.constant 0 : i32
      %dma_start3A_94 = arith.constant 0 : i32
      %dma_start3A_95 = tpu.memref_slice %arg13[%dma_start3A_93, %dma_start3A_94] : memref<4x128xi32, #tpu.memory_space<vmem>> -> memref<1x128xi32, #tpu.memory_space<vmem>>
      %dma_start3A_96 = tpu.memref_squeeze %dma_start3A_95 : memref<1x128xi32, #tpu.memory_space<vmem>> -> memref<128xi32, #tpu.memory_space<vmem>>
      %dma_start3A_97 = arith.constant 0 : i32
      %dma_start3A_98 = arith.constant 0 : i32
      %dma_start3A_99 = tpu.memref_slice %arg7[%dma_start3A_97, %dma_start3A_98] : memref<10240x64xf32, #tpu.memory_space<vmem_shared>> -> memref<10240x64xf32, #tpu.memory_space<vmem_shared>>
      tpu.enqueue_indirect_dma source(%arg8 : memref<128x64xf32, #tpu.memory_space<vmem>>) target(%dma_start3A_99 : memref<10240x64xf32, #tpu.memory_space<vmem_shared>>) offsets(%dma_start3A_96 : memref<128xi32, #tpu.memory_space<vmem>>) semaphore(%arg15 : memref<!tpu.dma_semaphore, #tpu.memory_space<semaphore_mem>>) {add = true}
      %dma_wait3A_100 = arith.constant 1 : i32
      %dma_wait3A_101 = arith.constant 0 : i32
      %dma_wait3A_102 = tpu.memref_slice %arg12[%dma_wait3A_100, %dma_wait3A_101] : memref<4x128xi32, #tpu.memory_space<vmem>> -> memref<1x128xi32, #tpu.memory_space<vmem>>
      %dma_wait3A_103 = tpu.memref_squeeze %dma_wait3A_102 : memref<1x128xi32, #tpu.memory_space<vmem>> -> memref<128xi32, #tpu.memory_space<vmem>>
      %dma_wait3A_104 = arith.constant 0 : i32
      %dma_wait3A_105 = arith.constant 0 : i32
      %dma_wait3A_106 = tpu.memref_slice %arg6[%dma_wait3A_104, %dma_wait3A_105] : memref<10000x64xf32, #tpu.memory_space<vmem_shared>> -> memref<10000x64xf32, #tpu.memory_space<vmem_shared>>
      tpu.wait_indirect_dma semaphore(%arg14 : memref<!tpu.dma_semaphore, #tpu.memory_space<semaphore_mem>>) src(%dma_wait3A_106 : memref<10000x64xf32, #tpu.memory_space<vmem_shared>>) dst(%arg9 : memref<128x64xf32, #tpu.memory_space<vmem>>)
      %dma_start3A_107 = arith.constant 1 : i32
      %dma_start3A_108 = arith.constant 0 : i32
      %dma_start3A_109 = tpu.memref_slice %arg13[%dma_start3A_107, %dma_start3A_108] : memref<4x128xi32, #tpu.memory_space<vmem>> -> memref<1x128xi32, #tpu.memory_space<vmem>>
      %dma_start3A_110 = tpu.memref_squeeze %dma_start3A_109 : memref<1x128xi32, #tpu.memory_space<vmem>> -> memref<128xi32, #tpu.memory_space<vmem>>
      %dma_start3A_111 = arith.constant 0 : i32
      %dma_start3A_112 = arith.constant 0 : i32
      %dma_start3A_113 = tpu.memref_slice %arg7[%dma_start3A_111, %dma_start3A_112] : memref<10240x64xf32, #tpu.memory_space<vmem_shared>> -> memref<10240x64xf32, #tpu.memory_space<vmem_shared>>
      tpu.enqueue_indirect_dma source(%arg9 : memref<128x64xf32, #tpu.memory_space<vmem>>) target(%dma_start3A_113 : memref<10240x64xf32, #tpu.memory_space<vmem_shared>>) offsets(%dma_start3A_110 : memref<128xi32, #tpu.memory_space<vmem>>) semaphore(%arg15 : memref<!tpu.dma_semaphore, #tpu.memory_space<semaphore_mem>>) {add = true}
      %dma_wait3A_114 = arith.constant 2 : i32
      %dma_wait3A_115 = arith.constant 0 : i32
      %dma_wait3A_116 = tpu.memref_slice %arg12[%dma_wait3A_114, %dma_wait3A_115] : memref<4x128xi32, #tpu.memory_space<vmem>> -> memref<1x128xi32, #tpu.memory_space<vmem>>
      %dma_wait3A_117 = tpu.memref_squeeze %dma_wait3A_116 : memref<1x128xi32, #tpu.memory_space<vmem>> -> memref<128xi32, #tpu.memory_space<vmem>>
      %dma_wait3A_118 = arith.constant 0 : i32
      %dma_wait3A_119 = arith.constant 0 : i32
      %dma_wait3A_120 = tpu.memref_slice %arg6[%dma_wait3A_118, %dma_wait3A_119] : memref<10000x64xf32, #tpu.memory_space<vmem_shared>> -> memref<10000x64xf32, #tpu.memory_space<vmem_shared>>
      tpu.wait_indirect_dma semaphore(%arg14 : memref<!tpu.dma_semaphore, #tpu.memory_space<semaphore_mem>>) src(%dma_wait3A_120 : memref<10000x64xf32, #tpu.memory_space<vmem_shared>>) dst(%arg10 : memref<128x64xf32, #tpu.memory_space<vmem>>)
      %dma_start3A_121 = arith.constant 2 : i32
      %dma_start3A_122 = arith.constant 0 : i32
      %dma_start3A_123 = tpu.memref_slice %arg13[%dma_start3A_121, %dma_start3A_122] : memref<4x128xi32, #tpu.memory_space<vmem>> -> memref<1x128xi32, #tpu.memory_space<vmem>>
      %dma_start3A_124 = tpu.memref_squeeze %dma_start3A_123 : memref<1x128xi32, #tpu.memory_space<vmem>> -> memref<128xi32, #tpu.memory_space<vmem>>
      %dma_start3A_125 = arith.constant 0 : i32
      %dma_start3A_126 = arith.constant 0 : i32
      %dma_start3A_127 = tpu.memref_slice %arg7[%dma_start3A_125, %dma_start3A_126] : memref<10240x64xf32, #tpu.memory_space<vmem_shared>> -> memref<10240x64xf32, #tpu.memory_space<vmem_shared>>
      tpu.enqueue_indirect_dma source(%arg10 : memref<128x64xf32, #tpu.memory_space<vmem>>) target(%dma_start3A_127 : memref<10240x64xf32, #tpu.memory_space<vmem_shared>>) offsets(%dma_start3A_124 : memref<128xi32, #tpu.memory_space<vmem>>) semaphore(%arg15 : memref<!tpu.dma_semaphore, #tpu.memory_space<semaphore_mem>>) {add = true}
      %dma_wait3A_128 = arith.constant 3 : i32
      %dma_wait3A_129 = arith.constant 0 : i32
      %dma_wait3A_130 = tpu.memref_slice %arg12[%dma_wait3A_128, %dma_wait3A_129] : memref<4x128xi32, #tpu.memory_space<vmem>> -> memref<1x128xi32, #tpu.memory_space<vmem>>
      %dma_wait3A_131 = tpu.memref_squeeze %dma_wait3A_130 : memref<1x128xi32, #tpu.memory_space<vmem>> -> memref<128xi32, #tpu.memory_space<vmem>>
      %dma_wait3A_132 = arith.constant 0 : i32
      %dma_wait3A_133 = arith.constant 0 : i32
      %dma_wait3A_134 = tpu.memref_slice %arg6[%dma_wait3A_132, %dma_wait3A_133] : memref<10000x64xf32, #tpu.memory_space<vmem_shared>> -> memref<10000x64xf32, #tpu.memory_space<vmem_shared>>
      tpu.wait_indirect_dma semaphore(%arg14 : memref<!tpu.dma_semaphore, #tpu.memory_space<semaphore_mem>>) src(%dma_wait3A_134 : memref<10000x64xf32, #tpu.memory_space<vmem_shared>>) dst(%arg11 : memref<128x64xf32, #tpu.memory_space<vmem>>)
      %dma_start3A_135 = arith.constant 3 : i32
      %dma_start3A_136 = arith.constant 0 : i32
      %dma_start3A_137 = tpu.memref_slice %arg13[%dma_start3A_135, %dma_start3A_136] : memref<4x128xi32, #tpu.memory_space<vmem>> -> memref<1x128xi32, #tpu.memory_space<vmem>>
      %dma_start3A_138 = tpu.memref_squeeze %dma_start3A_137 : memref<1x128xi32, #tpu.memory_space<vmem>> -> memref<128xi32, #tpu.memory_space<vmem>>
      %dma_start3A_139 = arith.constant 0 : i32
      %dma_start3A_140 = arith.constant 0 : i32
      %dma_start3A_141 = tpu.memref_slice %arg7[%dma_start3A_139, %dma_start3A_140] : memref<10240x64xf32, #tpu.memory_space<vmem_shared>> -> memref<10240x64xf32, #tpu.memory_space<vmem_shared>>
      tpu.enqueue_indirect_dma source(%arg11 : memref<128x64xf32, #tpu.memory_space<vmem>>) target(%dma_start3A_141 : memref<10240x64xf32, #tpu.memory_space<vmem_shared>>) offsets(%dma_start3A_138 : memref<128xi32, #tpu.memory_space<vmem>>) semaphore(%arg15 : memref<!tpu.dma_semaphore, #tpu.memory_space<semaphore_mem>>) {add = true}
      %dma_wait3A_142 = arith.constant 0 : i32
      %dma_wait3A_143 = arith.constant 0 : i32
      %dma_wait3A_144 = tpu.memref_slice %arg13[%dma_wait3A_142, %dma_wait3A_143] : memref<4x128xi32, #tpu.memory_space<vmem>> -> memref<1x128xi32, #tpu.memory_space<vmem>>
      %dma_wait3A_145 = tpu.memref_squeeze %dma_wait3A_144 : memref<1x128xi32, #tpu.memory_space<vmem>> -> memref<128xi32, #tpu.memory_space<vmem>>
      %dma_wait3A_146 = arith.constant 0 : i32
      %dma_wait3A_147 = arith.constant 0 : i32
      %dma_wait3A_148 = tpu.memref_slice %arg7[%dma_wait3A_146, %dma_wait3A_147] : memref<10240x64xf32, #tpu.memory_space<vmem_shared>> -> memref<10240x64xf32, #tpu.memory_space<vmem_shared>>
      tpu.wait_indirect_dma semaphore(%arg15 : memref<!tpu.dma_semaphore, #tpu.memory_space<semaphore_mem>>) src(%arg8 : memref<128x64xf32, #tpu.memory_space<vmem>>) dst(%dma_wait3A_148 : memref<10240x64xf32, #tpu.memory_space<vmem_shared>>)
      %dma_wait3A_149 = arith.constant 1 : i32
      %dma_wait3A_150 = arith.constant 0 : i32
      %dma_wait3A_151 = tpu.memref_slice %arg13[%dma_wait3A_149, %dma_wait3A_150] : memref<4x128xi32, #tpu.memory_space<vmem>> -> memref<1x128xi32, #tpu.memory_space<vmem>>
      %dma_wait3A_152 = tpu.memref_squeeze %dma_wait3A_151 : memref<1x128xi32, #tpu.memory_space<vmem>> -> memref<128xi32, #tpu.memory_space<vmem>>
      %dma_wait3A_153 = arith.constant 0 : i32
      %dma_wait3A_154 = arith.constant 0 : i32
      %dma_wait3A_155 = tpu.memref_slice %arg7[%dma_wait3A_153, %dma_wait3A_154] : memref<10240x64xf32, #tpu.memory_space<vmem_shared>> -> memref<10240x64xf32, #tpu.memory_space<vmem_shared>>
      tpu.wait_indirect_dma semaphore(%arg15 : memref<!tpu.dma_semaphore, #tpu.memory_space<semaphore_mem>>) src(%arg9 : memref<128x64xf32, #tpu.memory_space<vmem>>) dst(%dma_wait3A_155 : memref<10240x64xf32, #tpu.memory_space<vmem_shared>>)
      %dma_wait3A_156 = arith.constant 2 : i32
      %dma_wait3A_157 = arith.constant 0 : i32
      %dma_wait3A_158 = tpu.memref_slice %arg13[%dma_wait3A_156, %dma_wait3A_157] : memref<4x128xi32, #tpu.memory_space<vmem>> -> memref<1x128xi32, #tpu.memory_space<vmem>>
      %dma_wait3A_159 = tpu.memref_squeeze %dma_wait3A_158 : memref<1x128xi32, #tpu.memory_space<vmem>> -> memref<128xi32, #tpu.memory_space<vmem>>
      %dma_wait3A_160 = arith.constant 0 : i32
      %dma_wait3A_161 = arith.constant 0 : i32
      %dma_wait3A_162 = tpu.memref_slice %arg7[%dma_wait3A_160, %dma_wait3A_161] : memref<10240x64xf32, #tpu.memory_space<vmem_shared>> -> memref<10240x64xf32, #tpu.memory_space<vmem_shared>>
      tpu.wait_indirect_dma semaphore(%arg15 : memref<!tpu.dma_semaphore, #tpu.memory_space<semaphore_mem>>) src(%arg10 : memref<128x64xf32, #tpu.memory_space<vmem>>) dst(%dma_wait3A_162 : memref<10240x64xf32, #tpu.memory_space<vmem_shared>>)
      %dma_wait3A_163 = arith.constant 3 : i32
      %dma_wait3A_164 = arith.constant 0 : i32
      %dma_wait3A_165 = tpu.memref_slice %arg13[%dma_wait3A_163, %dma_wait3A_164] : memref<4x128xi32, #tpu.memory_space<vmem>> -> memref<1x128xi32, #tpu.memory_space<vmem>>
      %dma_wait3A_166 = tpu.memref_squeeze %dma_wait3A_165 : memref<1x128xi32, #tpu.memory_space<vmem>> -> memref<128xi32, #tpu.memory_space<vmem>>
      %dma_wait3A_167 = arith.constant 0 : i32
      %dma_wait3A_168 = arith.constant 0 : i32
      %dma_wait3A_169 = tpu.memref_slice %arg7[%dma_wait3A_167, %dma_wait3A_168] : memref<10240x64xf32, #tpu.memory_space<vmem_shared>> -> memref<10240x64xf32, #tpu.memory_space<vmem_shared>>
      tpu.wait_indirect_dma semaphore(%arg15 : memref<!tpu.dma_semaphore, #tpu.memory_space<semaphore_mem>>) src(%arg11 : memref<128x64xf32, #tpu.memory_space<vmem>>) dst(%dma_wait3A_169 : memref<10240x64xf32, #tpu.memory_space<vmem_shared>>)
      %scan3A_170 = arith.constant 0 : i32
      scf.yield %scan3A_170 : i32
    }
    %scan3A_32 = arith.constant 40 : i32
    %barrier3A_33 = arith.constant 0 : index
    tpu.barrier barrier_id(%barrier3A_33)
    %mul3A_34 = arith.constant 640 : i32
    %mul3A_35 = arith.muli %arg1, %mul3A_34 : i32
    %add3A = arith.constant 0 : i32
    %add3A_36 = arith.addi %mul3A_35, %add3A : i32
    "tpu.region"() ({
      %run_scoped3A = tpu.sem_alloc : memref<!tpu.dma_semaphore, #tpu.memory_space<semaphore_mem>>
      %dma_start3A_53 = arith.constant 0 : i32
      %dma_start3A_54 = tpu.memref_slice %arg5[%add3A_36, %arg0, %dma_start3A_53] : memref<10240x2x64xf32, #tpu.memory_space<hbm>> -> memref<128x1x64xf32, #tpu.memory_space<hbm>>
      %dma_start3A_55 = tpu.memref_squeeze %dma_start3A_54 : memref<128x1x64xf32, #tpu.memory_space<hbm>> -> memref<128x64xf32, #tpu.memory_space<hbm>>
      %dma_start3A_56 = arith.constant 0 : i32
      %dma_start3A_57 = tpu.memref_slice %arg7[%add3A_36, %dma_start3A_56] : memref<10240x64xf32, #tpu.memory_space<vmem_shared>> -> memref<128x64xf32, #tpu.memory_space<vmem_shared>>
      tpu.enqueue_dma source(%dma_start3A_57 : memref<128x64xf32, #tpu.memory_space<vmem_shared>>) target(%dma_start3A_55 : memref<128x64xf32, #tpu.memory_space<hbm>>) target_semaphore(%run_scoped3A : memref<!tpu.dma_semaphore, #tpu.memory_space<semaphore_mem>>)
      %dma_wait3A_58 = arith.constant 0 : i32
      %dma_wait3A_59 = tpu.memref_slice %arg5[%add3A_36, %arg0, %dma_wait3A_58] : memref<10240x2x64xf32, #tpu.memory_space<hbm>> -> memref<128x1x64xf32, #tpu.memory_space<hbm>>
      %dma_wait3A_60 = tpu.memref_squeeze %dma_wait3A_59 : memref<128x1x64xf32, #tpu.memory_space<hbm>> -> memref<128x64xf32, #tpu.memory_space<hbm>>
      %dma_wait3A_61 = arith.constant 0 : i32
      %dma_wait3A_62 = tpu.memref_slice %arg7[%add3A_36, %dma_wait3A_61] : memref<10240x64xf32, #tpu.memory_space<vmem_shared>> -> memref<128x64xf32, #tpu.memory_space<vmem_shared>>
      tpu.wait_dma2 semaphore(%run_scoped3A : memref<!tpu.dma_semaphore, #tpu.memory_space<semaphore_mem>>) src(%dma_wait3A_62 : memref<128x64xf32, #tpu.memory_space<vmem_shared>>) dst(%dma_wait3A_60 : memref<128x64xf32, #tpu.memory_space<hbm>>)
      tpu.yield
    }) : () -> ()
    %mul3A_37 = arith.constant 640 : i32
    %mul3A_38 = arith.muli %arg1, %mul3A_37 : i32
    %add3A_39 = arith.constant 128 : i32
    %add3A_40 = arith.addi %mul3A_38, %add3A_39 : i32
    "tpu.region"() ({
      %run_scoped3A = tpu.sem_alloc : memref<!tpu.dma_semaphore, #tpu.memory_space<semaphore_mem>>
      %dma_start3A_53 = arith.constant 0 : i32
      %dma_start3A_54 = tpu.memref_slice %arg5[%add3A_40, %arg0, %dma_start3A_53] : memref<10240x2x64xf32, #tpu.memory_space<hbm>> -> memref<128x1x64xf32, #tpu.memory_space<hbm>>
      %dma_start3A_55 = tpu.memref_squeeze %dma_start3A_54 : memref<128x1x64xf32, #tpu.memory_space<hbm>> -> memref<128x64xf32, #tpu.memory_space<hbm>>
      %dma_start3A_56 = arith.constant 0 : i32
      %dma_start3A_57 = tpu.memref_slice %arg7[%add3A_40, %dma_start3A_56] : memref<10240x64xf32, #tpu.memory_space<vmem_shared>> -> memref<128x64xf32, #tpu.memory_space<vmem_shared>>
      tpu.enqueue_dma source(%dma_start3A_57 : memref<128x64xf32, #tpu.memory_space<vmem_shared>>) target(%dma_start3A_55 : memref<128x64xf32, #tpu.memory_space<hbm>>) target_semaphore(%run_scoped3A : memref<!tpu.dma_semaphore, #tpu.memory_space<semaphore_mem>>)
      %dma_wait3A_58 = arith.constant 0 : i32
      %dma_wait3A_59 = tpu.memref_slice %arg5[%add3A_40, %arg0, %dma_wait3A_58] : memref<10240x2x64xf32, #tpu.memory_space<hbm>> -> memref<128x1x64xf32, #tpu.memory_space<hbm>>
      %dma_wait3A_60 = tpu.memref_squeeze %dma_wait3A_59 : memref<128x1x64xf32, #tpu.memory_space<hbm>> -> memref<128x64xf32, #tpu.memory_space<hbm>>
      %dma_wait3A_61 = arith.constant 0 : i32
      %dma_wait3A_62 = tpu.memref_slice %arg7[%add3A_40, %dma_wait3A_61] : memref<10240x64xf32, #tpu.memory_space<vmem_shared>> -> memref<128x64xf32, #tpu.memory_space<vmem_shared>>
      tpu.wait_dma2 semaphore(%run_scoped3A : memref<!tpu.dma_semaphore, #tpu.memory_space<semaphore_mem>>) src(%dma_wait3A_62 : memref<128x64xf32, #tpu.memory_space<vmem_shared>>) dst(%dma_wait3A_60 : memref<128x64xf32, #tpu.memory_space<hbm>>)
      tpu.yield
    }) : () -> ()
    %mul3A_41 = arith.constant 640 : i32
    %mul3A_42 = arith.muli %arg1, %mul3A_41 : i32
    %add3A_43 = arith.constant 256 : i32
    %add3A_44 = arith.addi %mul3A_42, %add3A_43 : i32
    "tpu.region"() ({
      %run_scoped3A = tpu.sem_alloc : memref<!tpu.dma_semaphore, #tpu.memory_space<semaphore_mem>>
      %dma_start3A_53 = arith.constant 0 : i32
      %dma_start3A_54 = tpu.memref_slice %arg5[%add3A_44, %arg0, %dma_start3A_53] : memref<10240x2x64xf32, #tpu.memory_space<hbm>> -> memref<128x1x64xf32, #tpu.memory_space<hbm>>
      %dma_start3A_55 = tpu.memref_squeeze %dma_start3A_54 : memref<128x1x64xf32, #tpu.memory_space<hbm>> -> memref<128x64xf32, #tpu.memory_space<hbm>>
      %dma_start3A_56 = arith.constant 0 : i32
      %dma_start3A_57 = tpu.memref_slice %arg7[%add3A_44, %dma_start3A_56] : memref<10240x64xf32, #tpu.memory_space<vmem_shared>> -> memref<128x64xf32, #tpu.memory_space<vmem_shared>>
      tpu.enqueue_dma source(%dma_start3A_57 : memref<128x64xf32, #tpu.memory_space<vmem_shared>>) target(%dma_start3A_55 : memref<128x64xf32, #tpu.memory_space<hbm>>) target_semaphore(%run_scoped3A : memref<!tpu.dma_semaphore, #tpu.memory_space<semaphore_mem>>)
      %dma_wait3A_58 = arith.constant 0 : i32
      %dma_wait3A_59 = tpu.memref_slice %arg5[%add3A_44, %arg0, %dma_wait3A_58] : memref<10240x2x64xf32, #tpu.memory_space<hbm>> -> memref<128x1x64xf32, #tpu.memory_space<hbm>>
      %dma_wait3A_60 = tpu.memref_squeeze %dma_wait3A_59 : memref<128x1x64xf32, #tpu.memory_space<hbm>> -> memref<128x64xf32, #tpu.memory_space<hbm>>
      %dma_wait3A_61 = arith.constant 0 : i32
      %dma_wait3A_62 = tpu.memref_slice %arg7[%add3A_44, %dma_wait3A_61] : memref<10240x64xf32, #tpu.memory_space<vmem_shared>> -> memref<128x64xf32, #tpu.memory_space<vmem_shared>>
      tpu.wait_dma2 semaphore(%run_scoped3A : memref<!tpu.dma_semaphore, #tpu.memory_space<semaphore_mem>>) src(%dma_wait3A_62 : memref<128x64xf32, #tpu.memory_space<vmem_shared>>) dst(%dma_wait3A_60 : memref<128x64xf32, #tpu.memory_space<hbm>>)
      tpu.yield
    }) : () -> ()
    %mul3A_45 = arith.constant 640 : i32
    %mul3A_46 = arith.muli %arg1, %mul3A_45 : i32
    %add3A_47 = arith.constant 384 : i32
    %add3A_48 = arith.addi %mul3A_46, %add3A_47 : i32
    "tpu.region"() ({
      %run_scoped3A = tpu.sem_alloc : memref<!tpu.dma_semaphore, #tpu.memory_space<semaphore_mem>>
      %dma_start3A_53 = arith.constant 0 : i32
      %dma_start3A_54 = tpu.memref_slice %arg5[%add3A_48, %arg0, %dma_start3A_53] : memref<10240x2x64xf32, #tpu.memory_space<hbm>> -> memref<128x1x64xf32, #tpu.memory_space<hbm>>
      %dma_start3A_55 = tpu.memref_squeeze %dma_start3A_54 : memref<128x1x64xf32, #tpu.memory_space<hbm>> -> memref<128x64xf32, #tpu.memory_space<hbm>>
      %dma_start3A_56 = arith.constant 0 : i32
      %dma_start3A_57 = tpu.memref_slice %arg7[%add3A_48, %dma_start3A_56] : memref<10240x64xf32, #tpu.memory_space<vmem_shared>> -> memref<128x64xf32, #tpu.memory_space<vmem_shared>>
      tpu.enqueue_dma source(%dma_start3A_57 : memref<128x64xf32, #tpu.memory_space<vmem_shared>>) target(%dma_start3A_55 : memref<128x64xf32, #tpu.memory_space<hbm>>) target_semaphore(%run_scoped3A : memref<!tpu.dma_semaphore, #tpu.memory_space<semaphore_mem>>)
      %dma_wait3A_58 = arith.constant 0 : i32
      %dma_wait3A_59 = tpu.memref_slice %arg5[%add3A_48, %arg0, %dma_wait3A_58] : memref<10240x2x64xf32, #tpu.memory_space<hbm>> -> memref<128x1x64xf32, #tpu.memory_space<hbm>>
      %dma_wait3A_60 = tpu.memref_squeeze %dma_wait3A_59 : memref<128x1x64xf32, #tpu.memory_space<hbm>> -> memref<128x64xf32, #tpu.memory_space<hbm>>
      %dma_wait3A_61 = arith.constant 0 : i32
      %dma_wait3A_62 = tpu.memref_slice %arg7[%add3A_48, %dma_wait3A_61] : memref<10240x64xf32, #tpu.memory_space<vmem_shared>> -> memref<128x64xf32, #tpu.memory_space<vmem_shared>>
      tpu.wait_dma2 semaphore(%run_scoped3A : memref<!tpu.dma_semaphore, #tpu.memory_space<semaphore_mem>>) src(%dma_wait3A_62 : memref<128x64xf32, #tpu.memory_space<vmem_shared>>) dst(%dma_wait3A_60 : memref<128x64xf32, #tpu.memory_space<hbm>>)
      tpu.yield
    }) : () -> ()
    %mul3A_49 = arith.constant 640 : i32
    %mul3A_50 = arith.muli %arg1, %mul3A_49 : i32
    %add3A_51 = arith.constant 512 : i32
    %add3A_52 = arith.addi %mul3A_50, %add3A_51 : i32
    "tpu.region"() ({
      %run_scoped3A = tpu.sem_alloc : memref<!tpu.dma_semaphore, #tpu.memory_space<semaphore_mem>>
      %dma_start3A_53 = arith.constant 0 : i32
      %dma_start3A_54 = tpu.memref_slice %arg5[%add3A_52, %arg0, %dma_start3A_53] : memref<10240x2x64xf32, #tpu.memory_space<hbm>> -> memref<128x1x64xf32, #tpu.memory_space<hbm>>
      %dma_start3A_55 = tpu.memref_squeeze %dma_start3A_54 : memref<128x1x64xf32, #tpu.memory_space<hbm>> -> memref<128x64xf32, #tpu.memory_space<hbm>>
      %dma_start3A_56 = arith.constant 0 : i32
      %dma_start3A_57 = tpu.memref_slice %arg7[%add3A_52, %dma_start3A_56] : memref<10240x64xf32, #tpu.memory_space<vmem_shared>> -> memref<128x64xf32, #tpu.memory_space<vmem_shared>>
      tpu.enqueue_dma source(%dma_start3A_57 : memref<128x64xf32, #tpu.memory_space<vmem_shared>>) target(%dma_start3A_55 : memref<128x64xf32, #tpu.memory_space<hbm>>) target_semaphore(%run_scoped3A : memref<!tpu.dma_semaphore, #tpu.memory_space<semaphore_mem>>)
      %dma_wait3A_58 = arith.constant 0 : i32
      %dma_wait3A_59 = tpu.memref_slice %arg5[%add3A_52, %arg0, %dma_wait3A_58] : memref<10240x2x64xf32, #tpu.memory_space<hbm>> -> memref<128x1x64xf32, #tpu.memory_space<hbm>>
      %dma_wait3A_60 = tpu.memref_squeeze %dma_wait3A_59 : memref<128x1x64xf32, #tpu.memory_space<hbm>> -> memref<128x64xf32, #tpu.memory_space<hbm>>
      %dma_wait3A_61 = arith.constant 0 : i32
      %dma_wait3A_62 = tpu.memref_slice %arg7[%add3A_52, %dma_wait3A_61] : memref<10240x64xf32, #tpu.memory_space<vmem_shared>> -> memref<128x64xf32, #tpu.memory_space<vmem_shared>>
      tpu.wait_dma2 semaphore(%run_scoped3A : memref<!tpu.dma_semaphore, #tpu.memory_space<semaphore_mem>>) src(%dma_wait3A_62 : memref<128x64xf32, #tpu.memory_space<vmem_shared>>) dst(%dma_wait3A_60 : memref<128x64xf32, #tpu.memory_space<hbm>>)
      tpu.yield
    }) : () -> ()
    return
  }
}

#map = affine_map<(d0, d1) -> (0, 0, 0)>
#map1 = affine_map<(d0, d1) -> (0, 0)>
module attributes {stable_mosaic.version = 14 : i64} {
  func.func @_scat_body(%arg0: i32, %arg1: i32, %arg2: memref<2x10000x64xf32, #tpu.memory_space<hbm>>, %arg3: memref<2560x128xi32, #tpu.memory_space<hbm>>, %arg4: memref<2560x128xi32, #tpu.memory_space<hbm>>, %arg5: memref<10240x2x64xf32, #tpu.memory_space<hbm>>, %arg6: memref<10000x64xf32, #tpu.memory_space<vmem_shared>>, %arg7: memref<10240x64xf32, #tpu.memory_space<vmem_shared>>, %arg8: memref<128x64xf32, #tpu.memory_space<vmem>>, %arg9: memref<128x64xf32, #tpu.memory_space<vmem>>, %arg10: memref<128x64xf32, #tpu.memory_space<vmem>>, %arg11: memref<128x64xf32, #tpu.memory_space<vmem>>, %arg12: memref<4x128xi32, #tpu.memory_space<vmem>>, %arg13: memref<4x128xi32, #tpu.memory_space<vmem>>, %arg14: memref<!tpu.dma_semaphore, #tpu.memory_space<semaphore_mem>>, %arg15: memref<!tpu.dma_semaphore, #tpu.memory_space<semaphore_mem>>) attributes {dimension_semantics = [#tpu.dimension_semantics<core_parallel>, #tpu.dimension_semantics<subcore_parallel>], iteration_bounds = array<i64: 2, 16>, scalar_prefetch = 0 : i64, scratch_operands = 10 : i64, tpu.core_type = #tpu.core_type<sc_vector_subcore>, window_params = [{transform_indices = #map}, {transform_indices = #map1}, {transform_indices = #map1}, {transform_indices = #map}]} {
    %mul3A = arith.constant 625 : i32
    %mul3A_0 = arith.muli %arg1, %mul3A : i32
    %mul3A_1 = arith.constant 625 : i32
    %mul3A_2 = arith.muli %arg1, %mul3A_1 : i32
    %dma_start3A = arith.constant 0 : i32
    %dma_start3A_3 = tpu.memref_slice %arg6[%mul3A_2, %dma_start3A] : memref<10000x64xf32, #tpu.memory_space<vmem_shared>> -> memref<625x64xf32, #tpu.memory_space<vmem_shared>>
    %dma_start3A_4 = arith.constant 0 : i32
    %dma_start3A_5 = tpu.memref_slice %arg2[%arg0, %mul3A_0, %dma_start3A_4] : memref<2x10000x64xf32, #tpu.memory_space<hbm>> -> memref<1x625x64xf32, #tpu.memory_space<hbm>>
    %dma_start3A_6 = tpu.memref_squeeze %dma_start3A_5 : memref<1x625x64xf32, #tpu.memory_space<hbm>> -> memref<625x64xf32, #tpu.memory_space<hbm>>
    tpu.enqueue_dma source(%dma_start3A_6 : memref<625x64xf32, #tpu.memory_space<hbm>>) target(%dma_start3A_3 : memref<625x64xf32, #tpu.memory_space<vmem_shared>>) target_semaphore(%arg14 : memref<!tpu.dma_semaphore, #tpu.memory_space<semaphore_mem>>)
    %mul3A_7 = arith.constant 625 : i32
    %mul3A_8 = arith.muli %arg1, %mul3A_7 : i32
    %mul3A_9 = arith.constant 625 : i32
    %mul3A_10 = arith.muli %arg1, %mul3A_9 : i32
    %dma_start3A_11 = arith.constant 0 : i32
    %dma_start3A_12 = tpu.memref_slice %arg7[%mul3A_10, %dma_start3A_11] : memref<10240x64xf32, #tpu.memory_space<vmem_shared>> -> memref<625x64xf32, #tpu.memory_space<vmem_shared>>
    %dma_start3A_13 = arith.constant 0 : i32
    %dma_start3A_14 = tpu.memref_slice %arg2[%arg0, %mul3A_8, %dma_start3A_13] : memref<2x10000x64xf32, #tpu.memory_space<hbm>> -> memref<1x625x64xf32, #tpu.memory_space<hbm>>
    %dma_start3A_15 = tpu.memref_squeeze %dma_start3A_14 : memref<1x625x64xf32, #tpu.memory_space<hbm>> -> memref<625x64xf32, #tpu.memory_space<hbm>>
    tpu.enqueue_dma source(%dma_start3A_15 : memref<625x64xf32, #tpu.memory_space<hbm>>) target(%dma_start3A_12 : memref<625x64xf32, #tpu.memory_space<vmem_shared>>) target_semaphore(%arg15 : memref<!tpu.dma_semaphore, #tpu.memory_space<semaphore_mem>>)
    %dma_wait3A = arith.constant 0 : i32
    %dma_wait3A_16 = tpu.memref_slice %arg6[%mul3A_2, %dma_wait3A] : memref<10000x64xf32, #tpu.memory_space<vmem_shared>> -> memref<625x64xf32, #tpu.memory_space<vmem_shared>>
    %dma_wait3A_17 = arith.constant 0 : i32
    %dma_wait3A_18 = tpu.memref_slice %arg2[%arg0, %mul3A_0, %dma_wait3A_17] : memref<2x10000x64xf32, #tpu.memory_space<hbm>> -> memref<1x625x64xf32, #tpu.memory_space<hbm>>
    %dma_wait3A_19 = tpu.memref_squeeze %dma_wait3A_18 : memref<1x625x64xf32, #tpu.memory_space<hbm>> -> memref<625x64xf32, #tpu.memory_space<hbm>>
    tpu.wait_dma2 semaphore(%arg14 : memref<!tpu.dma_semaphore, #tpu.memory_space<semaphore_mem>>) src(%dma_wait3A_19 : memref<625x64xf32, #tpu.memory_space<hbm>>) dst(%dma_wait3A_16 : memref<625x64xf32, #tpu.memory_space<vmem_shared>>)
    %dma_wait3A_20 = arith.constant 0 : i32
    %dma_wait3A_21 = tpu.memref_slice %arg7[%mul3A_10, %dma_wait3A_20] : memref<10240x64xf32, #tpu.memory_space<vmem_shared>> -> memref<625x64xf32, #tpu.memory_space<vmem_shared>>
    %dma_wait3A_22 = arith.constant 0 : i32
    %dma_wait3A_23 = tpu.memref_slice %arg2[%arg0, %mul3A_8, %dma_wait3A_22] : memref<2x10000x64xf32, #tpu.memory_space<hbm>> -> memref<1x625x64xf32, #tpu.memory_space<hbm>>
    %dma_wait3A_24 = tpu.memref_squeeze %dma_wait3A_23 : memref<1x625x64xf32, #tpu.memory_space<hbm>> -> memref<625x64xf32, #tpu.memory_space<hbm>>
    tpu.wait_dma2 semaphore(%arg15 : memref<!tpu.dma_semaphore, #tpu.memory_space<semaphore_mem>>) src(%dma_wait3A_24 : memref<625x64xf32, #tpu.memory_space<hbm>>) dst(%dma_wait3A_21 : memref<625x64xf32, #tpu.memory_space<vmem_shared>>)
    %barrier3A = arith.constant 0 : index
    tpu.barrier barrier_id(%barrier3A)
    %mul3A_25 = arith.constant 40 : i32
    %mul3A_26 = arith.muli %arg1, %mul3A_25 : i32
    %scan3A = arith.constant 0 : i32
    %scan3A_27 = arith.constant 0 : i32
    %scan3A_28 = arith.constant 40 : i32
    %scan3A_29 = arith.addi %scan3A_27, %scan3A_28 : i32
    %scan3A_30 = arith.constant 1 : i32
    %scan3A_31 = scf.for %scan3A_53 = %scan3A_27 to %scan3A_29 step %scan3A_30 iter_args(%scan3A_54 = %scan3A) -> (i32)  : i32 {
      %add3A_55 = arith.addi %mul3A_26, %scan3A_53 : i32
      %mul3A_56 = arith.constant 4 : i32
      %mul3A_57 = arith.muli %add3A_55, %mul3A_56 : i32
      "tpu.region"() ({
        %run_scoped3A = tpu.sem_alloc : memref<!tpu.dma_semaphore, #tpu.memory_space<semaphore_mem>>
        %dma_start3A_171 = arith.constant 0 : i32
        %dma_start3A_172 = tpu.memref_slice %arg3[%mul3A_57, %dma_start3A_171] : memref<2560x128xi32, #tpu.memory_space<hbm>> -> memref<4x128xi32, #tpu.memory_space<hbm>>
        %dma_start3A_173 = arith.constant 0 : i32
        %dma_start3A_174 = tpu.memref_slice %arg3[%mul3A_57, %dma_start3A_173] : memref<2560x128xi32, #tpu.memory_space<hbm>> -> memref<4x128xi32, #tpu.memory_space<hbm>>
        tpu.enqueue_dma source(%dma_start3A_174 : memref<4x128xi32, #tpu.memory_space<hbm>>) target(%arg12 : memref<4x128xi32, #tpu.memory_space<vmem>>) target_semaphore(%run_scoped3A : memref<!tpu.dma_semaphore, #tpu.memory_space<semaphore_mem>>)
        %dma_wait3A_175 = arith.constant 0 : i32
        %dma_wait3A_176 = tpu.memref_slice %arg3[%mul3A_57, %dma_wait3A_175] : memref<2560x128xi32, #tpu.memory_space<hbm>> -> memref<4x128xi32, #tpu.memory_space<hbm>>
        %dma_wait3A_177 = arith.constant 0 : i32
        %dma_wait3A_178 = tpu.memref_slice %arg3[%mul3A_57, %dma_wait3A_177] : memref<2560x128xi32, #tpu.memory_space<hbm>> -> memref<4x128xi32, #tpu.memory_space<hbm>>
        tpu.wait_dma2 semaphore(%run_scoped3A : memref<!tpu.dma_semaphore, #tpu.memory_space<semaphore_mem>>) src(%dma_wait3A_178 : memref<4x128xi32, #tpu.memory_space<hbm>>) dst(%arg12 : memref<4x128xi32, #tpu.memory_space<vmem>>)
        tpu.yield
      }) : () -> ()
      "tpu.region"() ({
        %run_scoped3A = tpu.sem_alloc : memref<!tpu.dma_semaphore, #tpu.memory_space<semaphore_mem>>
        %dma_start3A_171 = arith.constant 0 : i32
        %dma_start3A_172 = tpu.memref_slice %arg4[%mul3A_57, %dma_start3A_171] : memref<2560x128xi32, #tpu.memory_space<hbm>> -> memref<4x128xi32, #tpu.memory_space<hbm>>
        %dma_start3A_173 = arith.constant 0 : i32
        %dma_start3A_174 = tpu.memref_slice %arg4[%mul3A_57, %dma_start3A_173] : memref<2560x128xi32, #tpu.memory_space<hbm>> -> memref<4x128xi32, #tpu.memory_space<hbm>>
        tpu.enqueue_dma source(%dma_start3A_174 : memref<4x128xi32, #tpu.memory_space<hbm>>) target(%arg13 : memref<4x128xi32, #tpu.memory_space<vmem>>) target_semaphore(%run_scoped3A : memref<!tpu.dma_semaphore, #tpu.memory_space<semaphore_mem>>)
        %dma_wait3A_175 = arith.constant 0 : i32
        %dma_wait3A_176 = tpu.memref_slice %arg4[%mul3A_57, %dma_wait3A_175] : memref<2560x128xi32, #tpu.memory_space<hbm>> -> memref<4x128xi32, #tpu.memory_space<hbm>>
        %dma_wait3A_177 = arith.constant 0 : i32
        %dma_wait3A_178 = tpu.memref_slice %arg4[%mul3A_57, %dma_wait3A_177] : memref<2560x128xi32, #tpu.memory_space<hbm>> -> memref<4x128xi32, #tpu.memory_space<hbm>>
        tpu.wait_dma2 semaphore(%run_scoped3A : memref<!tpu.dma_semaphore, #tpu.memory_space<semaphore_mem>>) src(%dma_wait3A_178 : memref<4x128xi32, #tpu.memory_space<hbm>>) dst(%arg13 : memref<4x128xi32, #tpu.memory_space<vmem>>)
        tpu.yield
      }) : () -> ()
      %dma_start3A_58 = arith.constant 0 : i32
      %dma_start3A_59 = arith.constant 0 : i32
      %dma_start3A_60 = tpu.memref_slice %arg12[%dma_start3A_58, %dma_start3A_59] : memref<4x128xi32, #tpu.memory_space<vmem>> -> memref<1x128xi32, #tpu.memory_space<vmem>>
      %dma_start3A_61 = tpu.memref_squeeze %dma_start3A_60 : memref<1x128xi32, #tpu.memory_space<vmem>> -> memref<128xi32, #tpu.memory_space<vmem>>
      %dma_start3A_62 = arith.constant 0 : i32
      %dma_start3A_63 = arith.constant 0 : i32
      %dma_start3A_64 = tpu.memref_slice %arg6[%dma_start3A_62, %dma_start3A_63] : memref<10000x64xf32, #tpu.memory_space<vmem_shared>> -> memref<10000x64xf32, #tpu.memory_space<vmem_shared>>
      tpu.enqueue_indirect_dma source(%dma_start3A_64 : memref<10000x64xf32, #tpu.memory_space<vmem_shared>>) target(%arg8 : memref<128x64xf32, #tpu.memory_space<vmem>>) offsets(%dma_start3A_61 : memref<128xi32, #tpu.memory_space<vmem>>) semaphore(%arg14 : memref<!tpu.dma_semaphore, #tpu.memory_space<semaphore_mem>>)
      %dma_start3A_65 = arith.constant 1 : i32
      %dma_start3A_66 = arith.constant 0 : i32
      %dma_start3A_67 = tpu.memref_slice %arg12[%dma_start3A_65, %dma_start3A_66] : memref<4x128xi32, #tpu.memory_space<vmem>> -> memref<1x128xi32, #tpu.memory_space<vmem>>
      %dma_start3A_68 = tpu.memref_squeeze %dma_start3A_67 : memref<1x128xi32, #tpu.memory_space<vmem>> -> memref<128xi32, #tpu.memory_space<vmem>>
      %dma_start3A_69 = arith.constant 0 : i32
      %dma_start3A_70 = arith.constant 0 : i32
      %dma_start3A_71 = tpu.memref_slice %arg6[%dma_start3A_69, %dma_start3A_70] : memref<10000x64xf32, #tpu.memory_space<vmem_shared>> -> memref<10000x64xf32, #tpu.memory_space<vmem_shared>>
      tpu.enqueue_indirect_dma source(%dma_start3A_71 : memref<10000x64xf32, #tpu.memory_space<vmem_shared>>) target(%arg9 : memref<128x64xf32, #tpu.memory_space<vmem>>) offsets(%dma_start3A_68 : memref<128xi32, #tpu.memory_space<vmem>>) semaphore(%arg14 : memref<!tpu.dma_semaphore, #tpu.memory_space<semaphore_mem>>)
      %dma_start3A_72 = arith.constant 2 : i32
      %dma_start3A_73 = arith.constant 0 : i32
      %dma_start3A_74 = tpu.memref_slice %arg12[%dma_start3A_72, %dma_start3A_73] : memref<4x128xi32, #tpu.memory_space<vmem>> -> memref<1x128xi32, #tpu.memory_space<vmem>>
      %dma_start3A_75 = tpu.memref_squeeze %dma_start3A_74 : memref<1x128xi32, #tpu.memory_space<vmem>> -> memref<128xi32, #tpu.memory_space<vmem>>
      %dma_start3A_76 = arith.constant 0 : i32
      %dma_start3A_77 = arith.constant 0 : i32
      %dma_start3A_78 = tpu.memref_slice %arg6[%dma_start3A_76, %dma_start3A_77] : memref<10000x64xf32, #tpu.memory_space<vmem_shared>> -> memref<10000x64xf32, #tpu.memory_space<vmem_shared>>
      tpu.enqueue_indirect_dma source(%dma_start3A_78 : memref<10000x64xf32, #tpu.memory_space<vmem_shared>>) target(%arg10 : memref<128x64xf32, #tpu.memory_space<vmem>>) offsets(%dma_start3A_75 : memref<128xi32, #tpu.memory_space<vmem>>) semaphore(%arg14 : memref<!tpu.dma_semaphore, #tpu.memory_space<semaphore_mem>>)
      %dma_start3A_79 = arith.constant 3 : i32
      %dma_start3A_80 = arith.constant 0 : i32
      %dma_start3A_81 = tpu.memref_slice %arg12[%dma_start3A_79, %dma_start3A_80] : memref<4x128xi32, #tpu.memory_space<vmem>> -> memref<1x128xi32, #tpu.memory_space<vmem>>
      %dma_start3A_82 = tpu.memref_squeeze %dma_start3A_81 : memref<1x128xi32, #tpu.memory_space<vmem>> -> memref<128xi32, #tpu.memory_space<vmem>>
      %dma_start3A_83 = arith.constant 0 : i32
      %dma_start3A_84 = arith.constant 0 : i32
      %dma_start3A_85 = tpu.memref_slice %arg6[%dma_start3A_83, %dma_start3A_84] : memref<10000x64xf32, #tpu.memory_space<vmem_shared>> -> memref<10000x64xf32, #tpu.memory_space<vmem_shared>>
      tpu.enqueue_indirect_dma source(%dma_start3A_85 : memref<10000x64xf32, #tpu.memory_space<vmem_shared>>) target(%arg11 : memref<128x64xf32, #tpu.memory_space<vmem>>) offsets(%dma_start3A_82 : memref<128xi32, #tpu.memory_space<vmem>>) semaphore(%arg14 : memref<!tpu.dma_semaphore, #tpu.memory_space<semaphore_mem>>)
      %dma_wait3A_86 = arith.constant 0 : i32
      %dma_wait3A_87 = arith.constant 0 : i32
      %dma_wait3A_88 = tpu.memref_slice %arg12[%dma_wait3A_86, %dma_wait3A_87] : memref<4x128xi32, #tpu.memory_space<vmem>> -> memref<1x128xi32, #tpu.memory_space<vmem>>
      %dma_wait3A_89 = tpu.memref_squeeze %dma_wait3A_88 : memref<1x128xi32, #tpu.memory_space<vmem>> -> memref<128xi32, #tpu.memory_space<vmem>>
      %dma_wait3A_90 = arith.constant 0 : i32
      %dma_wait3A_91 = arith.constant 0 : i32
      %dma_wait3A_92 = tpu.memref_slice %arg6[%dma_wait3A_90, %dma_wait3A_91] : memref<10000x64xf32, #tpu.memory_space<vmem_shared>> -> memref<10000x64xf32, #tpu.memory_space<vmem_shared>>
      tpu.wait_indirect_dma semaphore(%arg14 : memref<!tpu.dma_semaphore, #tpu.memory_space<semaphore_mem>>) src(%dma_wait3A_92 : memref<10000x64xf32, #tpu.memory_space<vmem_shared>>) dst(%arg8 : memref<128x64xf32, #tpu.memory_space<vmem>>)
      %dma_start3A_93 = arith.constant 0 : i32
      %dma_start3A_94 = arith.constant 0 : i32
      %dma_start3A_95 = tpu.memref_slice %arg13[%dma_start3A_93, %dma_start3A_94] : memref<4x128xi32, #tpu.memory_space<vmem>> -> memref<1x128xi32, #tpu.memory_space<vmem>>
      %dma_start3A_96 = tpu.memref_squeeze %dma_start3A_95 : memref<1x128xi32, #tpu.memory_space<vmem>> -> memref<128xi32, #tpu.memory_space<vmem>>
      %dma_start3A_97 = arith.constant 0 : i32
      %dma_start3A_98 = arith.constant 0 : i32
      %dma_start3A_99 = tpu.memref_slice %arg7[%dma_start3A_97, %dma_start3A_98] : memref<10240x64xf32, #tpu.memory_space<vmem_shared>> -> memref<10240x64xf32, #tpu.memory_space<vmem_shared>>
      tpu.enqueue_indirect_dma source(%arg8 : memref<128x64xf32, #tpu.memory_space<vmem>>) target(%dma_start3A_99 : memref<10240x64xf32, #tpu.memory_space<vmem_shared>>) offsets(%dma_start3A_96 : memref<128xi32, #tpu.memory_space<vmem>>) semaphore(%arg15 : memref<!tpu.dma_semaphore, #tpu.memory_space<semaphore_mem>>) {add = true}
      %dma_wait3A_100 = arith.constant 1 : i32
      %dma_wait3A_101 = arith.constant 0 : i32
      %dma_wait3A_102 = tpu.memref_slice %arg12[%dma_wait3A_100, %dma_wait3A_101] : memref<4x128xi32, #tpu.memory_space<vmem>> -> memref<1x128xi32, #tpu.memory_space<vmem>>
      %dma_wait3A_103 = tpu.memref_squeeze %dma_wait3A_102 : memref<1x128xi32, #tpu.memory_space<vmem>> -> memref<128xi32, #tpu.memory_space<vmem>>
      %dma_wait3A_104 = arith.constant 0 : i32
      %dma_wait3A_105 = arith.constant 0 : i32
      %dma_wait3A_106 = tpu.memref_slice %arg6[%dma_wait3A_104, %dma_wait3A_105] : memref<10000x64xf32, #tpu.memory_space<vmem_shared>> -> memref<10000x64xf32, #tpu.memory_space<vmem_shared>>
      tpu.wait_indirect_dma semaphore(%arg14 : memref<!tpu.dma_semaphore, #tpu.memory_space<semaphore_mem>>) src(%dma_wait3A_106 : memref<10000x64xf32, #tpu.memory_space<vmem_shared>>) dst(%arg9 : memref<128x64xf32, #tpu.memory_space<vmem>>)
      %dma_start3A_107 = arith.constant 1 : i32
      %dma_start3A_108 = arith.constant 0 : i32
      %dma_start3A_109 = tpu.memref_slice %arg13[%dma_start3A_107, %dma_start3A_108] : memref<4x128xi32, #tpu.memory_space<vmem>> -> memref<1x128xi32, #tpu.memory_space<vmem>>
      %dma_start3A_110 = tpu.memref_squeeze %dma_start3A_109 : memref<1x128xi32, #tpu.memory_space<vmem>> -> memref<128xi32, #tpu.memory_space<vmem>>
      %dma_start3A_111 = arith.constant 0 : i32
      %dma_start3A_112 = arith.constant 0 : i32
      %dma_start3A_113 = tpu.memref_slice %arg7[%dma_start3A_111, %dma_start3A_112] : memref<10240x64xf32, #tpu.memory_space<vmem_shared>> -> memref<10240x64xf32, #tpu.memory_space<vmem_shared>>
      tpu.enqueue_indirect_dma source(%arg9 : memref<128x64xf32, #tpu.memory_space<vmem>>) target(%dma_start3A_113 : memref<10240x64xf32, #tpu.memory_space<vmem_shared>>) offsets(%dma_start3A_110 : memref<128xi32, #tpu.memory_space<vmem>>) semaphore(%arg15 : memref<!tpu.dma_semaphore, #tpu.memory_space<semaphore_mem>>) {add = true}
      %dma_wait3A_114 = arith.constant 2 : i32
      %dma_wait3A_115 = arith.constant 0 : i32
      %dma_wait3A_116 = tpu.memref_slice %arg12[%dma_wait3A_114, %dma_wait3A_115] : memref<4x128xi32, #tpu.memory_space<vmem>> -> memref<1x128xi32, #tpu.memory_space<vmem>>
      %dma_wait3A_117 = tpu.memref_squeeze %dma_wait3A_116 : memref<1x128xi32, #tpu.memory_space<vmem>> -> memref<128xi32, #tpu.memory_space<vmem>>
      %dma_wait3A_118 = arith.constant 0 : i32
      %dma_wait3A_119 = arith.constant 0 : i32
      %dma_wait3A_120 = tpu.memref_slice %arg6[%dma_wait3A_118, %dma_wait3A_119] : memref<10000x64xf32, #tpu.memory_space<vmem_shared>> -> memref<10000x64xf32, #tpu.memory_space<vmem_shared>>
      tpu.wait_indirect_dma semaphore(%arg14 : memref<!tpu.dma_semaphore, #tpu.memory_space<semaphore_mem>>) src(%dma_wait3A_120 : memref<10000x64xf32, #tpu.memory_space<vmem_shared>>) dst(%arg10 : memref<128x64xf32, #tpu.memory_space<vmem>>)
      %dma_start3A_121 = arith.constant 2 : i32
      %dma_start3A_122 = arith.constant 0 : i32
      %dma_start3A_123 = tpu.memref_slice %arg13[%dma_start3A_121, %dma_start3A_122] : memref<4x128xi32, #tpu.memory_space<vmem>> -> memref<1x128xi32, #tpu.memory_space<vmem>>
      %dma_start3A_124 = tpu.memref_squeeze %dma_start3A_123 : memref<1x128xi32, #tpu.memory_space<vmem>> -> memref<128xi32, #tpu.memory_space<vmem>>
      %dma_start3A_125 = arith.constant 0 : i32
      %dma_start3A_126 = arith.constant 0 : i32
      %dma_start3A_127 = tpu.memref_slice %arg7[%dma_start3A_125, %dma_start3A_126] : memref<10240x64xf32, #tpu.memory_space<vmem_shared>> -> memref<10240x64xf32, #tpu.memory_space<vmem_shared>>
      tpu.enqueue_indirect_dma source(%arg10 : memref<128x64xf32, #tpu.memory_space<vmem>>) target(%dma_start3A_127 : memref<10240x64xf32, #tpu.memory_space<vmem_shared>>) offsets(%dma_start3A_124 : memref<128xi32, #tpu.memory_space<vmem>>) semaphore(%arg15 : memref<!tpu.dma_semaphore, #tpu.memory_space<semaphore_mem>>) {add = true}
      %dma_wait3A_128 = arith.constant 3 : i32
      %dma_wait3A_129 = arith.constant 0 : i32
      %dma_wait3A_130 = tpu.memref_slice %arg12[%dma_wait3A_128, %dma_wait3A_129] : memref<4x128xi32, #tpu.memory_space<vmem>> -> memref<1x128xi32, #tpu.memory_space<vmem>>
      %dma_wait3A_131 = tpu.memref_squeeze %dma_wait3A_130 : memref<1x128xi32, #tpu.memory_space<vmem>> -> memref<128xi32, #tpu.memory_space<vmem>>
      %dma_wait3A_132 = arith.constant 0 : i32
      %dma_wait3A_133 = arith.constant 0 : i32
      %dma_wait3A_134 = tpu.memref_slice %arg6[%dma_wait3A_132, %dma_wait3A_133] : memref<10000x64xf32, #tpu.memory_space<vmem_shared>> -> memref<10000x64xf32, #tpu.memory_space<vmem_shared>>
      tpu.wait_indirect_dma semaphore(%arg14 : memref<!tpu.dma_semaphore, #tpu.memory_space<semaphore_mem>>) src(%dma_wait3A_134 : memref<10000x64xf32, #tpu.memory_space<vmem_shared>>) dst(%arg11 : memref<128x64xf32, #tpu.memory_space<vmem>>)
      %dma_start3A_135 = arith.constant 3 : i32
      %dma_start3A_136 = arith.constant 0 : i32
      %dma_start3A_137 = tpu.memref_slice %arg13[%dma_start3A_135, %dma_start3A_136] : memref<4x128xi32, #tpu.memory_space<vmem>> -> memref<1x128xi32, #tpu.memory_space<vmem>>
      %dma_start3A_138 = tpu.memref_squeeze %dma_start3A_137 : memref<1x128xi32, #tpu.memory_space<vmem>> -> memref<128xi32, #tpu.memory_space<vmem>>
      %dma_start3A_139 = arith.constant 0 : i32
      %dma_start3A_140 = arith.constant 0 : i32
      %dma_start3A_141 = tpu.memref_slice %arg7[%dma_start3A_139, %dma_start3A_140] : memref<10240x64xf32, #tpu.memory_space<vmem_shared>> -> memref<10240x64xf32, #tpu.memory_space<vmem_shared>>
      tpu.enqueue_indirect_dma source(%arg11 : memref<128x64xf32, #tpu.memory_space<vmem>>) target(%dma_start3A_141 : memref<10240x64xf32, #tpu.memory_space<vmem_shared>>) offsets(%dma_start3A_138 : memref<128xi32, #tpu.memory_space<vmem>>) semaphore(%arg15 : memref<!tpu.dma_semaphore, #tpu.memory_space<semaphore_mem>>) {add = true}
      %dma_wait3A_142 = arith.constant 0 : i32
      %dma_wait3A_143 = arith.constant 0 : i32
      %dma_wait3A_144 = tpu.memref_slice %arg13[%dma_wait3A_142, %dma_wait3A_143] : memref<4x128xi32, #tpu.memory_space<vmem>> -> memref<1x128xi32, #tpu.memory_space<vmem>>
      %dma_wait3A_145 = tpu.memref_squeeze %dma_wait3A_144 : memref<1x128xi32, #tpu.memory_space<vmem>> -> memref<128xi32, #tpu.memory_space<vmem>>
      %dma_wait3A_146 = arith.constant 0 : i32
      %dma_wait3A_147 = arith.constant 0 : i32
      %dma_wait3A_148 = tpu.memref_slice %arg7[%dma_wait3A_146, %dma_wait3A_147] : memref<10240x64xf32, #tpu.memory_space<vmem_shared>> -> memref<10240x64xf32, #tpu.memory_space<vmem_shared>>
      tpu.wait_indirect_dma semaphore(%arg15 : memref<!tpu.dma_semaphore, #tpu.memory_space<semaphore_mem>>) src(%arg8 : memref<128x64xf32, #tpu.memory_space<vmem>>) dst(%dma_wait3A_148 : memref<10240x64xf32, #tpu.memory_space<vmem_shared>>)
      %dma_wait3A_149 = arith.constant 1 : i32
      %dma_wait3A_150 = arith.constant 0 : i32
      %dma_wait3A_151 = tpu.memref_slice %arg13[%dma_wait3A_149, %dma_wait3A_150] : memref<4x128xi32, #tpu.memory_space<vmem>> -> memref<1x128xi32, #tpu.memory_space<vmem>>
      %dma_wait3A_152 = tpu.memref_squeeze %dma_wait3A_151 : memref<1x128xi32, #tpu.memory_space<vmem>> -> memref<128xi32, #tpu.memory_space<vmem>>
      %dma_wait3A_153 = arith.constant 0 : i32
      %dma_wait3A_154 = arith.constant 0 : i32
      %dma_wait3A_155 = tpu.memref_slice %arg7[%dma_wait3A_153, %dma_wait3A_154] : memref<10240x64xf32, #tpu.memory_space<vmem_shared>> -> memref<10240x64xf32, #tpu.memory_space<vmem_shared>>
      tpu.wait_indirect_dma semaphore(%arg15 : memref<!tpu.dma_semaphore, #tpu.memory_space<semaphore_mem>>) src(%arg9 : memref<128x64xf32, #tpu.memory_space<vmem>>) dst(%dma_wait3A_155 : memref<10240x64xf32, #tpu.memory_space<vmem_shared>>)
      %dma_wait3A_156 = arith.constant 2 : i32
      %dma_wait3A_157 = arith.constant 0 : i32
      %dma_wait3A_158 = tpu.memref_slice %arg13[%dma_wait3A_156, %dma_wait3A_157] : memref<4x128xi32, #tpu.memory_space<vmem>> -> memref<1x128xi32, #tpu.memory_space<vmem>>
      %dma_wait3A_159 = tpu.memref_squeeze %dma_wait3A_158 : memref<1x128xi32, #tpu.memory_space<vmem>> -> memref<128xi32, #tpu.memory_space<vmem>>
      %dma_wait3A_160 = arith.constant 0 : i32
      %dma_wait3A_161 = arith.constant 0 : i32
      %dma_wait3A_162 = tpu.memref_slice %arg7[%dma_wait3A_160, %dma_wait3A_161] : memref<10240x64xf32, #tpu.memory_space<vmem_shared>> -> memref<10240x64xf32, #tpu.memory_space<vmem_shared>>
      tpu.wait_indirect_dma semaphore(%arg15 : memref<!tpu.dma_semaphore, #tpu.memory_space<semaphore_mem>>) src(%arg10 : memref<128x64xf32, #tpu.memory_space<vmem>>) dst(%dma_wait3A_162 : memref<10240x64xf32, #tpu.memory_space<vmem_shared>>)
      %dma_wait3A_163 = arith.constant 3 : i32
      %dma_wait3A_164 = arith.constant 0 : i32
      %dma_wait3A_165 = tpu.memref_slice %arg13[%dma_wait3A_163, %dma_wait3A_164] : memref<4x128xi32, #tpu.memory_space<vmem>> -> memref<1x128xi32, #tpu.memory_space<vmem>>
      %dma_wait3A_166 = tpu.memref_squeeze %dma_wait3A_165 : memref<1x128xi32, #tpu.memory_space<vmem>> -> memref<128xi32, #tpu.memory_space<vmem>>
      %dma_wait3A_167 = arith.constant 0 : i32
      %dma_wait3A_168 = arith.constant 0 : i32
      %dma_wait3A_169 = tpu.memref_slice %arg7[%dma_wait3A_167, %dma_wait3A_168] : memref<10240x64xf32, #tpu.memory_space<vmem_shared>> -> memref<10240x64xf32, #tpu.memory_space<vmem_shared>>
      tpu.wait_indirect_dma semaphore(%arg15 : memref<!tpu.dma_semaphore, #tpu.memory_space<semaphore_mem>>) src(%arg11 : memref<128x64xf32, #tpu.memory_space<vmem>>) dst(%dma_wait3A_169 : memref<10240x64xf32, #tpu.memory_space<vmem_shared>>)
      %scan3A_170 = arith.constant 0 : i32
      scf.yield %scan3A_170 : i32
    }
    %scan3A_32 = arith.constant 40 : i32
    %barrier3A_33 = arith.constant 0 : index
    tpu.barrier barrier_id(%barrier3A_33)
    %mul3A_34 = arith.constant 640 : i32
    %mul3A_35 = arith.muli %arg1, %mul3A_34 : i32
    %add3A = arith.constant 0 : i32
    %add3A_36 = arith.addi %mul3A_35, %add3A : i32
    "tpu.region"() ({
      %run_scoped3A = tpu.sem_alloc : memref<!tpu.dma_semaphore, #tpu.memory_space<semaphore_mem>>
      %dma_start3A_53 = arith.constant 0 : i32
      %dma_start3A_54 = tpu.memref_slice %arg5[%add3A_36, %arg0, %dma_start3A_53] : memref<10240x2x64xf32, #tpu.memory_space<hbm>> -> memref<128x1x64xf32, #tpu.memory_space<hbm>>
      %dma_start3A_55 = tpu.memref_squeeze %dma_start3A_54 : memref<128x1x64xf32, #tpu.memory_space<hbm>> -> memref<128x64xf32, #tpu.memory_space<hbm>>
      %dma_start3A_56 = arith.constant 0 : i32
      %dma_start3A_57 = tpu.memref_slice %arg7[%add3A_36, %dma_start3A_56] : memref<10240x64xf32, #tpu.memory_space<vmem_shared>> -> memref<128x64xf32, #tpu.memory_space<vmem_shared>>
      tpu.enqueue_dma source(%dma_start3A_57 : memref<128x64xf32, #tpu.memory_space<vmem_shared>>) target(%dma_start3A_55 : memref<128x64xf32, #tpu.memory_space<hbm>>) target_semaphore(%run_scoped3A : memref<!tpu.dma_semaphore, #tpu.memory_space<semaphore_mem>>)
      %dma_wait3A_58 = arith.constant 0 : i32
      %dma_wait3A_59 = tpu.memref_slice %arg5[%add3A_36, %arg0, %dma_wait3A_58] : memref<10240x2x64xf32, #tpu.memory_space<hbm>> -> memref<128x1x64xf32, #tpu.memory_space<hbm>>
      %dma_wait3A_60 = tpu.memref_squeeze %dma_wait3A_59 : memref<128x1x64xf32, #tpu.memory_space<hbm>> -> memref<128x64xf32, #tpu.memory_space<hbm>>
      %dma_wait3A_61 = arith.constant 0 : i32
      %dma_wait3A_62 = tpu.memref_slice %arg7[%add3A_36, %dma_wait3A_61] : memref<10240x64xf32, #tpu.memory_space<vmem_shared>> -> memref<128x64xf32, #tpu.memory_space<vmem_shared>>
      tpu.wait_dma2 semaphore(%run_scoped3A : memref<!tpu.dma_semaphore, #tpu.memory_space<semaphore_mem>>) src(%dma_wait3A_62 : memref<128x64xf32, #tpu.memory_space<vmem_shared>>) dst(%dma_wait3A_60 : memref<128x64xf32, #tpu.memory_space<hbm>>)
      tpu.yield
    }) : () -> ()
    %mul3A_37 = arith.constant 640 : i32
    %mul3A_38 = arith.muli %arg1, %mul3A_37 : i32
    %add3A_39 = arith.constant 128 : i32
    %add3A_40 = arith.addi %mul3A_38, %add3A_39 : i32
    "tpu.region"() ({
      %run_scoped3A = tpu.sem_alloc : memref<!tpu.dma_semaphore, #tpu.memory_space<semaphore_mem>>
      %dma_start3A_53 = arith.constant 0 : i32
      %dma_start3A_54 = tpu.memref_slice %arg5[%add3A_40, %arg0, %dma_start3A_53] : memref<10240x2x64xf32, #tpu.memory_space<hbm>> -> memref<128x1x64xf32, #tpu.memory_space<hbm>>
      %dma_start3A_55 = tpu.memref_squeeze %dma_start3A_54 : memref<128x1x64xf32, #tpu.memory_space<hbm>> -> memref<128x64xf32, #tpu.memory_space<hbm>>
      %dma_start3A_56 = arith.constant 0 : i32
      %dma_start3A_57 = tpu.memref_slice %arg7[%add3A_40, %dma_start3A_56] : memref<10240x64xf32, #tpu.memory_space<vmem_shared>> -> memref<128x64xf32, #tpu.memory_space<vmem_shared>>
      tpu.enqueue_dma source(%dma_start3A_57 : memref<128x64xf32, #tpu.memory_space<vmem_shared>>) target(%dma_start3A_55 : memref<128x64xf32, #tpu.memory_space<hbm>>) target_semaphore(%run_scoped3A : memref<!tpu.dma_semaphore, #tpu.memory_space<semaphore_mem>>)
      %dma_wait3A_58 = arith.constant 0 : i32
      %dma_wait3A_59 = tpu.memref_slice %arg5[%add3A_40, %arg0, %dma_wait3A_58] : memref<10240x2x64xf32, #tpu.memory_space<hbm>> -> memref<128x1x64xf32, #tpu.memory_space<hbm>>
      %dma_wait3A_60 = tpu.memref_squeeze %dma_wait3A_59 : memref<128x1x64xf32, #tpu.memory_space<hbm>> -> memref<128x64xf32, #tpu.memory_space<hbm>>
      %dma_wait3A_61 = arith.constant 0 : i32
      %dma_wait3A_62 = tpu.memref_slice %arg7[%add3A_40, %dma_wait3A_61] : memref<10240x64xf32, #tpu.memory_space<vmem_shared>> -> memref<128x64xf32, #tpu.memory_space<vmem_shared>>
      tpu.wait_dma2 semaphore(%run_scoped3A : memref<!tpu.dma_semaphore, #tpu.memory_space<semaphore_mem>>) src(%dma_wait3A_62 : memref<128x64xf32, #tpu.memory_space<vmem_shared>>) dst(%dma_wait3A_60 : memref<128x64xf32, #tpu.memory_space<hbm>>)
      tpu.yield
    }) : () -> ()
    %mul3A_41 = arith.constant 640 : i32
    %mul3A_42 = arith.muli %arg1, %mul3A_41 : i32
    %add3A_43 = arith.constant 256 : i32
    %add3A_44 = arith.addi %mul3A_42, %add3A_43 : i32
    "tpu.region"() ({
      %run_scoped3A = tpu.sem_alloc : memref<!tpu.dma_semaphore, #tpu.memory_space<semaphore_mem>>
      %dma_start3A_53 = arith.constant 0 : i32
      %dma_start3A_54 = tpu.memref_slice %arg5[%add3A_44, %arg0, %dma_start3A_53] : memref<10240x2x64xf32, #tpu.memory_space<hbm>> -> memref<128x1x64xf32, #tpu.memory_space<hbm>>
      %dma_start3A_55 = tpu.memref_squeeze %dma_start3A_54 : memref<128x1x64xf32, #tpu.memory_space<hbm>> -> memref<128x64xf32, #tpu.memory_space<hbm>>
      %dma_start3A_56 = arith.constant 0 : i32
      %dma_start3A_57 = tpu.memref_slice %arg7[%add3A_44, %dma_start3A_56] : memref<10240x64xf32, #tpu.memory_space<vmem_shared>> -> memref<128x64xf32, #tpu.memory_space<vmem_shared>>
      tpu.enqueue_dma source(%dma_start3A_57 : memref<128x64xf32, #tpu.memory_space<vmem_shared>>) target(%dma_start3A_55 : memref<128x64xf32, #tpu.memory_space<hbm>>) target_semaphore(%run_scoped3A : memref<!tpu.dma_semaphore, #tpu.memory_space<semaphore_mem>>)
      %dma_wait3A_58 = arith.constant 0 : i32
      %dma_wait3A_59 = tpu.memref_slice %arg5[%add3A_44, %arg0, %dma_wait3A_58] : memref<10240x2x64xf32, #tpu.memory_space<hbm>> -> memref<128x1x64xf32, #tpu.memory_space<hbm>>
      %dma_wait3A_60 = tpu.memref_squeeze %dma_wait3A_59 : memref<128x1x64xf32, #tpu.memory_space<hbm>> -> memref<128x64xf32, #tpu.memory_space<hbm>>
      %dma_wait3A_61 = arith.constant 0 : i32
      %dma_wait3A_62 = tpu.memref_slice %arg7[%add3A_44, %dma_wait3A_61] : memref<10240x64xf32, #tpu.memory_space<vmem_shared>> -> memref<128x64xf32, #tpu.memory_space<vmem_shared>>
      tpu.wait_dma2 semaphore(%run_scoped3A : memref<!tpu.dma_semaphore, #tpu.memory_space<semaphore_mem>>) src(%dma_wait3A_62 : memref<128x64xf32, #tpu.memory_space<vmem_shared>>) dst(%dma_wait3A_60 : memref<128x64xf32, #tpu.memory_space<hbm>>)
      tpu.yield
    }) : () -> ()
    %mul3A_45 = arith.constant 640 : i32
    %mul3A_46 = arith.muli %arg1, %mul3A_45 : i32
    %add3A_47 = arith.constant 384 : i32
    %add3A_48 = arith.addi %mul3A_46, %add3A_47 : i32
    "tpu.region"() ({
      %run_scoped3A = tpu.sem_alloc : memref<!tpu.dma_semaphore, #tpu.memory_space<semaphore_mem>>
      %dma_start3A_53 = arith.constant 0 : i32
      %dma_start3A_54 = tpu.memref_slice %arg5[%add3A_48, %arg0, %dma_start3A_53] : memref<10240x2x64xf32, #tpu.memory_space<hbm>> -> memref<128x1x64xf32, #tpu.memory_space<hbm>>
      %dma_start3A_55 = tpu.memref_squeeze %dma_start3A_54 : memref<128x1x64xf32, #tpu.memory_space<hbm>> -> memref<128x64xf32, #tpu.memory_space<hbm>>
      %dma_start3A_56 = arith.constant 0 : i32
      %dma_start3A_57 = tpu.memref_slice %arg7[%add3A_48, %dma_start3A_56] : memref<10240x64xf32, #tpu.memory_space<vmem_shared>> -> memref<128x64xf32, #tpu.memory_space<vmem_shared>>
      tpu.enqueue_dma source(%dma_start3A_57 : memref<128x64xf32, #tpu.memory_space<vmem_shared>>) target(%dma_start3A_55 : memref<128x64xf32, #tpu.memory_space<hbm>>) target_semaphore(%run_scoped3A : memref<!tpu.dma_semaphore, #tpu.memory_space<semaphore_mem>>)
      %dma_wait3A_58 = arith.constant 0 : i32
      %dma_wait3A_59 = tpu.memref_slice %arg5[%add3A_48, %arg0, %dma_wait3A_58] : memref<10240x2x64xf32, #tpu.memory_space<hbm>> -> memref<128x1x64xf32, #tpu.memory_space<hbm>>
      %dma_wait3A_60 = tpu.memref_squeeze %dma_wait3A_59 : memref<128x1x64xf32, #tpu.memory_space<hbm>> -> memref<128x64xf32, #tpu.memory_space<hbm>>
      %dma_wait3A_61 = arith.constant 0 : i32
      %dma_wait3A_62 = tpu.memref_slice %arg7[%add3A_48, %dma_wait3A_61] : memref<10240x64xf32, #tpu.memory_space<vmem_shared>> -> memref<128x64xf32, #tpu.memory_space<vmem_shared>>
      tpu.wait_dma2 semaphore(%run_scoped3A : memref<!tpu.dma_semaphore, #tpu.memory_space<semaphore_mem>>) src(%dma_wait3A_62 : memref<128x64xf32, #tpu.memory_space<vmem_shared>>) dst(%dma_wait3A_60 : memref<128x64xf32, #tpu.memory_space<hbm>>)
      tpu.yield
    }) : () -> ()
    %mul3A_49 = arith.constant 640 : i32
    %mul3A_50 = arith.muli %arg1, %mul3A_49 : i32
    %add3A_51 = arith.constant 512 : i32
    %add3A_52 = arith.addi %mul3A_50, %add3A_51 : i32
    "tpu.region"() ({
      %run_scoped3A = tpu.sem_alloc : memref<!tpu.dma_semaphore, #tpu.memory_space<semaphore_mem>>
      %dma_start3A_53 = arith.constant 0 : i32
      %dma_start3A_54 = tpu.memref_slice %arg5[%add3A_52, %arg0, %dma_start3A_53] : memref<10240x2x64xf32, #tpu.memory_space<hbm>> -> memref<128x1x64xf32, #tpu.memory_space<hbm>>
      %dma_start3A_55 = tpu.memref_squeeze %dma_start3A_54 : memref<128x1x64xf32, #tpu.memory_space<hbm>> -> memref<128x64xf32, #tpu.memory_space<hbm>>
      %dma_start3A_56 = arith.constant 0 : i32
      %dma_start3A_57 = tpu.memref_slice %arg7[%add3A_52, %dma_start3A_56] : memref<10240x64xf32, #tpu.memory_space<vmem_shared>> -> memref<128x64xf32, #tpu.memory_space<vmem_shared>>
      tpu.enqueue_dma source(%dma_start3A_57 : memref<128x64xf32, #tpu.memory_space<vmem_shared>>) target(%dma_start3A_55 : memref<128x64xf32, #tpu.memory_space<hbm>>) target_semaphore(%run_scoped3A : memref<!tpu.dma_semaphore, #tpu.memory_space<semaphore_mem>>)
      %dma_wait3A_58 = arith.constant 0 : i32
      %dma_wait3A_59 = tpu.memref_slice %arg5[%add3A_52, %arg0, %dma_wait3A_58] : memref<10240x2x64xf32, #tpu.memory_space<hbm>> -> memref<128x1x64xf32, #tpu.memory_space<hbm>>
      %dma_wait3A_60 = tpu.memref_squeeze %dma_wait3A_59 : memref<128x1x64xf32, #tpu.memory_space<hbm>> -> memref<128x64xf32, #tpu.memory_space<hbm>>
      %dma_wait3A_61 = arith.constant 0 : i32
      %dma_wait3A_62 = tpu.memref_slice %arg7[%add3A_52, %dma_wait3A_61] : memref<10240x64xf32, #tpu.memory_space<vmem_shared>> -> memref<128x64xf32, #tpu.memory_space<vmem_shared>>
      tpu.wait_dma2 semaphore(%run_scoped3A : memref<!tpu.dma_semaphore, #tpu.memory_space<semaphore_mem>>) src(%dma_wait3A_62 : memref<128x64xf32, #tpu.memory_space<vmem_shared>>) dst(%dma_wait3A_60 : memref<128x64xf32, #tpu.memory_space<hbm>>)
      tpu.yield
    }) : () -> ()
    return
  }
}

#map = affine_map<(d0, d1) -> (0, 0, 0)>
#map1 = affine_map<(d0, d1) -> (0, 0)>
module attributes {stable_mosaic.version = 14 : i64} {
  func.func @_scat_body(%arg0: i32, %arg1: i32, %arg2: memref<2x10000x64xf32, #tpu.memory_space<hbm>>, %arg3: memref<2560x128xi32, #tpu.memory_space<hbm>>, %arg4: memref<2560x128xi32, #tpu.memory_space<hbm>>, %arg5: memref<10240x2x64xf32, #tpu.memory_space<hbm>>, %arg6: memref<10000x64xf32, #tpu.memory_space<vmem_shared>>, %arg7: memref<10240x64xf32, #tpu.memory_space<vmem_shared>>, %arg8: memref<128x64xf32, #tpu.memory_space<vmem>>, %arg9: memref<128x64xf32, #tpu.memory_space<vmem>>, %arg10: memref<128x64xf32, #tpu.memory_space<vmem>>, %arg11: memref<128x64xf32, #tpu.memory_space<vmem>>, %arg12: memref<4x128xi32, #tpu.memory_space<vmem>>, %arg13: memref<4x128xi32, #tpu.memory_space<vmem>>, %arg14: memref<!tpu.dma_semaphore, #tpu.memory_space<semaphore_mem>>, %arg15: memref<!tpu.dma_semaphore, #tpu.memory_space<semaphore_mem>>) attributes {dimension_semantics = [#tpu.dimension_semantics<core_parallel>, #tpu.dimension_semantics<subcore_parallel>], iteration_bounds = array<i64: 2, 16>, scalar_prefetch = 0 : i64, scratch_operands = 10 : i64, tpu.core_type = #tpu.core_type<sc_vector_subcore>, window_params = [{transform_indices = #map}, {transform_indices = #map1}, {transform_indices = #map1}, {transform_indices = #map}]} {
    %mul3A = arith.constant 625 : i32
    %mul3A_0 = arith.muli %arg1, %mul3A : i32
    %mul3A_1 = arith.constant 625 : i32
    %mul3A_2 = arith.muli %arg1, %mul3A_1 : i32
    %dma_start3A = arith.constant 0 : i32
    %dma_start3A_3 = tpu.memref_slice %arg6[%mul3A_2, %dma_start3A] : memref<10000x64xf32, #tpu.memory_space<vmem_shared>> -> memref<625x64xf32, #tpu.memory_space<vmem_shared>>
    %dma_start3A_4 = arith.constant 0 : i32
    %dma_start3A_5 = tpu.memref_slice %arg2[%arg0, %mul3A_0, %dma_start3A_4] : memref<2x10000x64xf32, #tpu.memory_space<hbm>> -> memref<1x625x64xf32, #tpu.memory_space<hbm>>
    %dma_start3A_6 = tpu.memref_squeeze %dma_start3A_5 : memref<1x625x64xf32, #tpu.memory_space<hbm>> -> memref<625x64xf32, #tpu.memory_space<hbm>>
    tpu.enqueue_dma source(%dma_start3A_6 : memref<625x64xf32, #tpu.memory_space<hbm>>) target(%dma_start3A_3 : memref<625x64xf32, #tpu.memory_space<vmem_shared>>) target_semaphore(%arg14 : memref<!tpu.dma_semaphore, #tpu.memory_space<semaphore_mem>>)
    %mul3A_7 = arith.constant 625 : i32
    %mul3A_8 = arith.muli %arg1, %mul3A_7 : i32
    %mul3A_9 = arith.constant 625 : i32
    %mul3A_10 = arith.muli %arg1, %mul3A_9 : i32
    %dma_start3A_11 = arith.constant 0 : i32
    %dma_start3A_12 = tpu.memref_slice %arg7[%mul3A_10, %dma_start3A_11] : memref<10240x64xf32, #tpu.memory_space<vmem_shared>> -> memref<625x64xf32, #tpu.memory_space<vmem_shared>>
    %dma_start3A_13 = arith.constant 0 : i32
    %dma_start3A_14 = tpu.memref_slice %arg2[%arg0, %mul3A_8, %dma_start3A_13] : memref<2x10000x64xf32, #tpu.memory_space<hbm>> -> memref<1x625x64xf32, #tpu.memory_space<hbm>>
    %dma_start3A_15 = tpu.memref_squeeze %dma_start3A_14 : memref<1x625x64xf32, #tpu.memory_space<hbm>> -> memref<625x64xf32, #tpu.memory_space<hbm>>
    tpu.enqueue_dma source(%dma_start3A_15 : memref<625x64xf32, #tpu.memory_space<hbm>>) target(%dma_start3A_12 : memref<625x64xf32, #tpu.memory_space<vmem_shared>>) target_semaphore(%arg15 : memref<!tpu.dma_semaphore, #tpu.memory_space<semaphore_mem>>)
    %dma_wait3A = arith.constant 0 : i32
    %dma_wait3A_16 = tpu.memref_slice %arg6[%mul3A_2, %dma_wait3A] : memref<10000x64xf32, #tpu.memory_space<vmem_shared>> -> memref<625x64xf32, #tpu.memory_space<vmem_shared>>
    %dma_wait3A_17 = arith.constant 0 : i32
    %dma_wait3A_18 = tpu.memref_slice %arg2[%arg0, %mul3A_0, %dma_wait3A_17] : memref<2x10000x64xf32, #tpu.memory_space<hbm>> -> memref<1x625x64xf32, #tpu.memory_space<hbm>>
    %dma_wait3A_19 = tpu.memref_squeeze %dma_wait3A_18 : memref<1x625x64xf32, #tpu.memory_space<hbm>> -> memref<625x64xf32, #tpu.memory_space<hbm>>
    tpu.wait_dma2 semaphore(%arg14 : memref<!tpu.dma_semaphore, #tpu.memory_space<semaphore_mem>>) src(%dma_wait3A_19 : memref<625x64xf32, #tpu.memory_space<hbm>>) dst(%dma_wait3A_16 : memref<625x64xf32, #tpu.memory_space<vmem_shared>>)
    %dma_wait3A_20 = arith.constant 0 : i32
    %dma_wait3A_21 = tpu.memref_slice %arg7[%mul3A_10, %dma_wait3A_20] : memref<10240x64xf32, #tpu.memory_space<vmem_shared>> -> memref<625x64xf32, #tpu.memory_space<vmem_shared>>
    %dma_wait3A_22 = arith.constant 0 : i32
    %dma_wait3A_23 = tpu.memref_slice %arg2[%arg0, %mul3A_8, %dma_wait3A_22] : memref<2x10000x64xf32, #tpu.memory_space<hbm>> -> memref<1x625x64xf32, #tpu.memory_space<hbm>>
    %dma_wait3A_24 = tpu.memref_squeeze %dma_wait3A_23 : memref<1x625x64xf32, #tpu.memory_space<hbm>> -> memref<625x64xf32, #tpu.memory_space<hbm>>
    tpu.wait_dma2 semaphore(%arg15 : memref<!tpu.dma_semaphore, #tpu.memory_space<semaphore_mem>>) src(%dma_wait3A_24 : memref<625x64xf32, #tpu.memory_space<hbm>>) dst(%dma_wait3A_21 : memref<625x64xf32, #tpu.memory_space<vmem_shared>>)
    %barrier3A = arith.constant 0 : index
    tpu.barrier barrier_id(%barrier3A)
    %mul3A_25 = arith.constant 40 : i32
    %mul3A_26 = arith.muli %arg1, %mul3A_25 : i32
    %scan3A = arith.constant 0 : i32
    %scan3A_27 = arith.constant 0 : i32
    %scan3A_28 = arith.constant 40 : i32
    %scan3A_29 = arith.addi %scan3A_27, %scan3A_28 : i32
    %scan3A_30 = arith.constant 1 : i32
    %scan3A_31 = scf.for %scan3A_53 = %scan3A_27 to %scan3A_29 step %scan3A_30 iter_args(%scan3A_54 = %scan3A) -> (i32)  : i32 {
      %add3A_55 = arith.addi %mul3A_26, %scan3A_53 : i32
      %mul3A_56 = arith.constant 4 : i32
      %mul3A_57 = arith.muli %add3A_55, %mul3A_56 : i32
      "tpu.region"() ({
        %run_scoped3A = tpu.sem_alloc : memref<!tpu.dma_semaphore, #tpu.memory_space<semaphore_mem>>
        %dma_start3A_171 = arith.constant 0 : i32
        %dma_start3A_172 = tpu.memref_slice %arg3[%mul3A_57, %dma_start3A_171] : memref<2560x128xi32, #tpu.memory_space<hbm>> -> memref<4x128xi32, #tpu.memory_space<hbm>>
        %dma_start3A_173 = arith.constant 0 : i32
        %dma_start3A_174 = tpu.memref_slice %arg3[%mul3A_57, %dma_start3A_173] : memref<2560x128xi32, #tpu.memory_space<hbm>> -> memref<4x128xi32, #tpu.memory_space<hbm>>
        tpu.enqueue_dma source(%dma_start3A_174 : memref<4x128xi32, #tpu.memory_space<hbm>>) target(%arg12 : memref<4x128xi32, #tpu.memory_space<vmem>>) target_semaphore(%run_scoped3A : memref<!tpu.dma_semaphore, #tpu.memory_space<semaphore_mem>>)
        %dma_wait3A_175 = arith.constant 0 : i32
        %dma_wait3A_176 = tpu.memref_slice %arg3[%mul3A_57, %dma_wait3A_175] : memref<2560x128xi32, #tpu.memory_space<hbm>> -> memref<4x128xi32, #tpu.memory_space<hbm>>
        %dma_wait3A_177 = arith.constant 0 : i32
        %dma_wait3A_178 = tpu.memref_slice %arg3[%mul3A_57, %dma_wait3A_177] : memref<2560x128xi32, #tpu.memory_space<hbm>> -> memref<4x128xi32, #tpu.memory_space<hbm>>
        tpu.wait_dma2 semaphore(%run_scoped3A : memref<!tpu.dma_semaphore, #tpu.memory_space<semaphore_mem>>) src(%dma_wait3A_178 : memref<4x128xi32, #tpu.memory_space<hbm>>) dst(%arg12 : memref<4x128xi32, #tpu.memory_space<vmem>>)
        tpu.yield
      }) : () -> ()
      "tpu.region"() ({
        %run_scoped3A = tpu.sem_alloc : memref<!tpu.dma_semaphore, #tpu.memory_space<semaphore_mem>>
        %dma_start3A_171 = arith.constant 0 : i32
        %dma_start3A_172 = tpu.memref_slice %arg4[%mul3A_57, %dma_start3A_171] : memref<2560x128xi32, #tpu.memory_space<hbm>> -> memref<4x128xi32, #tpu.memory_space<hbm>>
        %dma_start3A_173 = arith.constant 0 : i32
        %dma_start3A_174 = tpu.memref_slice %arg4[%mul3A_57, %dma_start3A_173] : memref<2560x128xi32, #tpu.memory_space<hbm>> -> memref<4x128xi32, #tpu.memory_space<hbm>>
        tpu.enqueue_dma source(%dma_start3A_174 : memref<4x128xi32, #tpu.memory_space<hbm>>) target(%arg13 : memref<4x128xi32, #tpu.memory_space<vmem>>) target_semaphore(%run_scoped3A : memref<!tpu.dma_semaphore, #tpu.memory_space<semaphore_mem>>)
        %dma_wait3A_175 = arith.constant 0 : i32
        %dma_wait3A_176 = tpu.memref_slice %arg4[%mul3A_57, %dma_wait3A_175] : memref<2560x128xi32, #tpu.memory_space<hbm>> -> memref<4x128xi32, #tpu.memory_space<hbm>>
        %dma_wait3A_177 = arith.constant 0 : i32
        %dma_wait3A_178 = tpu.memref_slice %arg4[%mul3A_57, %dma_wait3A_177] : memref<2560x128xi32, #tpu.memory_space<hbm>> -> memref<4x128xi32, #tpu.memory_space<hbm>>
        tpu.wait_dma2 semaphore(%run_scoped3A : memref<!tpu.dma_semaphore, #tpu.memory_space<semaphore_mem>>) src(%dma_wait3A_178 : memref<4x128xi32, #tpu.memory_space<hbm>>) dst(%arg13 : memref<4x128xi32, #tpu.memory_space<vmem>>)
        tpu.yield
      }) : () -> ()
      %dma_start3A_58 = arith.constant 0 : i32
      %dma_start3A_59 = arith.constant 0 : i32
      %dma_start3A_60 = tpu.memref_slice %arg12[%dma_start3A_58, %dma_start3A_59] : memref<4x128xi32, #tpu.memory_space<vmem>> -> memref<1x128xi32, #tpu.memory_space<vmem>>
      %dma_start3A_61 = tpu.memref_squeeze %dma_start3A_60 : memref<1x128xi32, #tpu.memory_space<vmem>> -> memref<128xi32, #tpu.memory_space<vmem>>
      %dma_start3A_62 = arith.constant 0 : i32
      %dma_start3A_63 = arith.constant 0 : i32
      %dma_start3A_64 = tpu.memref_slice %arg6[%dma_start3A_62, %dma_start3A_63] : memref<10000x64xf32, #tpu.memory_space<vmem_shared>> -> memref<10000x64xf32, #tpu.memory_space<vmem_shared>>
      tpu.enqueue_indirect_dma source(%dma_start3A_64 : memref<10000x64xf32, #tpu.memory_space<vmem_shared>>) target(%arg8 : memref<128x64xf32, #tpu.memory_space<vmem>>) offsets(%dma_start3A_61 : memref<128xi32, #tpu.memory_space<vmem>>) semaphore(%arg14 : memref<!tpu.dma_semaphore, #tpu.memory_space<semaphore_mem>>)
      %dma_start3A_65 = arith.constant 1 : i32
      %dma_start3A_66 = arith.constant 0 : i32
      %dma_start3A_67 = tpu.memref_slice %arg12[%dma_start3A_65, %dma_start3A_66] : memref<4x128xi32, #tpu.memory_space<vmem>> -> memref<1x128xi32, #tpu.memory_space<vmem>>
      %dma_start3A_68 = tpu.memref_squeeze %dma_start3A_67 : memref<1x128xi32, #tpu.memory_space<vmem>> -> memref<128xi32, #tpu.memory_space<vmem>>
      %dma_start3A_69 = arith.constant 0 : i32
      %dma_start3A_70 = arith.constant 0 : i32
      %dma_start3A_71 = tpu.memref_slice %arg6[%dma_start3A_69, %dma_start3A_70] : memref<10000x64xf32, #tpu.memory_space<vmem_shared>> -> memref<10000x64xf32, #tpu.memory_space<vmem_shared>>
      tpu.enqueue_indirect_dma source(%dma_start3A_71 : memref<10000x64xf32, #tpu.memory_space<vmem_shared>>) target(%arg9 : memref<128x64xf32, #tpu.memory_space<vmem>>) offsets(%dma_start3A_68 : memref<128xi32, #tpu.memory_space<vmem>>) semaphore(%arg14 : memref<!tpu.dma_semaphore, #tpu.memory_space<semaphore_mem>>)
      %dma_start3A_72 = arith.constant 2 : i32
      %dma_start3A_73 = arith.constant 0 : i32
      %dma_start3A_74 = tpu.memref_slice %arg12[%dma_start3A_72, %dma_start3A_73] : memref<4x128xi32, #tpu.memory_space<vmem>> -> memref<1x128xi32, #tpu.memory_space<vmem>>
      %dma_start3A_75 = tpu.memref_squeeze %dma_start3A_74 : memref<1x128xi32, #tpu.memory_space<vmem>> -> memref<128xi32, #tpu.memory_space<vmem>>
      %dma_start3A_76 = arith.constant 0 : i32
      %dma_start3A_77 = arith.constant 0 : i32
      %dma_start3A_78 = tpu.memref_slice %arg6[%dma_start3A_76, %dma_start3A_77] : memref<10000x64xf32, #tpu.memory_space<vmem_shared>> -> memref<10000x64xf32, #tpu.memory_space<vmem_shared>>
      tpu.enqueue_indirect_dma source(%dma_start3A_78 : memref<10000x64xf32, #tpu.memory_space<vmem_shared>>) target(%arg10 : memref<128x64xf32, #tpu.memory_space<vmem>>) offsets(%dma_start3A_75 : memref<128xi32, #tpu.memory_space<vmem>>) semaphore(%arg14 : memref<!tpu.dma_semaphore, #tpu.memory_space<semaphore_mem>>)
      %dma_start3A_79 = arith.constant 3 : i32
      %dma_start3A_80 = arith.constant 0 : i32
      %dma_start3A_81 = tpu.memref_slice %arg12[%dma_start3A_79, %dma_start3A_80] : memref<4x128xi32, #tpu.memory_space<vmem>> -> memref<1x128xi32, #tpu.memory_space<vmem>>
      %dma_start3A_82 = tpu.memref_squeeze %dma_start3A_81 : memref<1x128xi32, #tpu.memory_space<vmem>> -> memref<128xi32, #tpu.memory_space<vmem>>
      %dma_start3A_83 = arith.constant 0 : i32
      %dma_start3A_84 = arith.constant 0 : i32
      %dma_start3A_85 = tpu.memref_slice %arg6[%dma_start3A_83, %dma_start3A_84] : memref<10000x64xf32, #tpu.memory_space<vmem_shared>> -> memref<10000x64xf32, #tpu.memory_space<vmem_shared>>
      tpu.enqueue_indirect_dma source(%dma_start3A_85 : memref<10000x64xf32, #tpu.memory_space<vmem_shared>>) target(%arg11 : memref<128x64xf32, #tpu.memory_space<vmem>>) offsets(%dma_start3A_82 : memref<128xi32, #tpu.memory_space<vmem>>) semaphore(%arg14 : memref<!tpu.dma_semaphore, #tpu.memory_space<semaphore_mem>>)
      %dma_wait3A_86 = arith.constant 0 : i32
      %dma_wait3A_87 = arith.constant 0 : i32
      %dma_wait3A_88 = tpu.memref_slice %arg12[%dma_wait3A_86, %dma_wait3A_87] : memref<4x128xi32, #tpu.memory_space<vmem>> -> memref<1x128xi32, #tpu.memory_space<vmem>>
      %dma_wait3A_89 = tpu.memref_squeeze %dma_wait3A_88 : memref<1x128xi32, #tpu.memory_space<vmem>> -> memref<128xi32, #tpu.memory_space<vmem>>
      %dma_wait3A_90 = arith.constant 0 : i32
      %dma_wait3A_91 = arith.constant 0 : i32
      %dma_wait3A_92 = tpu.memref_slice %arg6[%dma_wait3A_90, %dma_wait3A_91] : memref<10000x64xf32, #tpu.memory_space<vmem_shared>> -> memref<10000x64xf32, #tpu.memory_space<vmem_shared>>
      tpu.wait_indirect_dma semaphore(%arg14 : memref<!tpu.dma_semaphore, #tpu.memory_space<semaphore_mem>>) src(%dma_wait3A_92 : memref<10000x64xf32, #tpu.memory_space<vmem_shared>>) dst(%arg8 : memref<128x64xf32, #tpu.memory_space<vmem>>)
      %dma_start3A_93 = arith.constant 0 : i32
      %dma_start3A_94 = arith.constant 0 : i32
      %dma_start3A_95 = tpu.memref_slice %arg13[%dma_start3A_93, %dma_start3A_94] : memref<4x128xi32, #tpu.memory_space<vmem>> -> memref<1x128xi32, #tpu.memory_space<vmem>>
      %dma_start3A_96 = tpu.memref_squeeze %dma_start3A_95 : memref<1x128xi32, #tpu.memory_space<vmem>> -> memref<128xi32, #tpu.memory_space<vmem>>
      %dma_start3A_97 = arith.constant 0 : i32
      %dma_start3A_98 = arith.constant 0 : i32
      %dma_start3A_99 = tpu.memref_slice %arg7[%dma_start3A_97, %dma_start3A_98] : memref<10240x64xf32, #tpu.memory_space<vmem_shared>> -> memref<10240x64xf32, #tpu.memory_space<vmem_shared>>
      tpu.enqueue_indirect_dma source(%arg8 : memref<128x64xf32, #tpu.memory_space<vmem>>) target(%dma_start3A_99 : memref<10240x64xf32, #tpu.memory_space<vmem_shared>>) offsets(%dma_start3A_96 : memref<128xi32, #tpu.memory_space<vmem>>) semaphore(%arg15 : memref<!tpu.dma_semaphore, #tpu.memory_space<semaphore_mem>>) {add = true}
      %dma_wait3A_100 = arith.constant 1 : i32
      %dma_wait3A_101 = arith.constant 0 : i32
      %dma_wait3A_102 = tpu.memref_slice %arg12[%dma_wait3A_100, %dma_wait3A_101] : memref<4x128xi32, #tpu.memory_space<vmem>> -> memref<1x128xi32, #tpu.memory_space<vmem>>
      %dma_wait3A_103 = tpu.memref_squeeze %dma_wait3A_102 : memref<1x128xi32, #tpu.memory_space<vmem>> -> memref<128xi32, #tpu.memory_space<vmem>>
      %dma_wait3A_104 = arith.constant 0 : i32
      %dma_wait3A_105 = arith.constant 0 : i32
      %dma_wait3A_106 = tpu.memref_slice %arg6[%dma_wait3A_104, %dma_wait3A_105] : memref<10000x64xf32, #tpu.memory_space<vmem_shared>> -> memref<10000x64xf32, #tpu.memory_space<vmem_shared>>
      tpu.wait_indirect_dma semaphore(%arg14 : memref<!tpu.dma_semaphore, #tpu.memory_space<semaphore_mem>>) src(%dma_wait3A_106 : memref<10000x64xf32, #tpu.memory_space<vmem_shared>>) dst(%arg9 : memref<128x64xf32, #tpu.memory_space<vmem>>)
      %dma_start3A_107 = arith.constant 1 : i32
      %dma_start3A_108 = arith.constant 0 : i32
      %dma_start3A_109 = tpu.memref_slice %arg13[%dma_start3A_107, %dma_start3A_108] : memref<4x128xi32, #tpu.memory_space<vmem>> -> memref<1x128xi32, #tpu.memory_space<vmem>>
      %dma_start3A_110 = tpu.memref_squeeze %dma_start3A_109 : memref<1x128xi32, #tpu.memory_space<vmem>> -> memref<128xi32, #tpu.memory_space<vmem>>
      %dma_start3A_111 = arith.constant 0 : i32
      %dma_start3A_112 = arith.constant 0 : i32
      %dma_start3A_113 = tpu.memref_slice %arg7[%dma_start3A_111, %dma_start3A_112] : memref<10240x64xf32, #tpu.memory_space<vmem_shared>> -> memref<10240x64xf32, #tpu.memory_space<vmem_shared>>
      tpu.enqueue_indirect_dma source(%arg9 : memref<128x64xf32, #tpu.memory_space<vmem>>) target(%dma_start3A_113 : memref<10240x64xf32, #tpu.memory_space<vmem_shared>>) offsets(%dma_start3A_110 : memref<128xi32, #tpu.memory_space<vmem>>) semaphore(%arg15 : memref<!tpu.dma_semaphore, #tpu.memory_space<semaphore_mem>>) {add = true}
      %dma_wait3A_114 = arith.constant 2 : i32
      %dma_wait3A_115 = arith.constant 0 : i32
      %dma_wait3A_116 = tpu.memref_slice %arg12[%dma_wait3A_114, %dma_wait3A_115] : memref<4x128xi32, #tpu.memory_space<vmem>> -> memref<1x128xi32, #tpu.memory_space<vmem>>
      %dma_wait3A_117 = tpu.memref_squeeze %dma_wait3A_116 : memref<1x128xi32, #tpu.memory_space<vmem>> -> memref<128xi32, #tpu.memory_space<vmem>>
      %dma_wait3A_118 = arith.constant 0 : i32
      %dma_wait3A_119 = arith.constant 0 : i32
      %dma_wait3A_120 = tpu.memref_slice %arg6[%dma_wait3A_118, %dma_wait3A_119] : memref<10000x64xf32, #tpu.memory_space<vmem_shared>> -> memref<10000x64xf32, #tpu.memory_space<vmem_shared>>
      tpu.wait_indirect_dma semaphore(%arg14 : memref<!tpu.dma_semaphore, #tpu.memory_space<semaphore_mem>>) src(%dma_wait3A_120 : memref<10000x64xf32, #tpu.memory_space<vmem_shared>>) dst(%arg10 : memref<128x64xf32, #tpu.memory_space<vmem>>)
      %dma_start3A_121 = arith.constant 2 : i32
      %dma_start3A_122 = arith.constant 0 : i32
      %dma_start3A_123 = tpu.memref_slice %arg13[%dma_start3A_121, %dma_start3A_122] : memref<4x128xi32, #tpu.memory_space<vmem>> -> memref<1x128xi32, #tpu.memory_space<vmem>>
      %dma_start3A_124 = tpu.memref_squeeze %dma_start3A_123 : memref<1x128xi32, #tpu.memory_space<vmem>> -> memref<128xi32, #tpu.memory_space<vmem>>
      %dma_start3A_125 = arith.constant 0 : i32
      %dma_start3A_126 = arith.constant 0 : i32
      %dma_start3A_127 = tpu.memref_slice %arg7[%dma_start3A_125, %dma_start3A_126] : memref<10240x64xf32, #tpu.memory_space<vmem_shared>> -> memref<10240x64xf32, #tpu.memory_space<vmem_shared>>
      tpu.enqueue_indirect_dma source(%arg10 : memref<128x64xf32, #tpu.memory_space<vmem>>) target(%dma_start3A_127 : memref<10240x64xf32, #tpu.memory_space<vmem_shared>>) offsets(%dma_start3A_124 : memref<128xi32, #tpu.memory_space<vmem>>) semaphore(%arg15 : memref<!tpu.dma_semaphore, #tpu.memory_space<semaphore_mem>>) {add = true}
      %dma_wait3A_128 = arith.constant 3 : i32
      %dma_wait3A_129 = arith.constant 0 : i32
      %dma_wait3A_130 = tpu.memref_slice %arg12[%dma_wait3A_128, %dma_wait3A_129] : memref<4x128xi32, #tpu.memory_space<vmem>> -> memref<1x128xi32, #tpu.memory_space<vmem>>
      %dma_wait3A_131 = tpu.memref_squeeze %dma_wait3A_130 : memref<1x128xi32, #tpu.memory_space<vmem>> -> memref<128xi32, #tpu.memory_space<vmem>>
      %dma_wait3A_132 = arith.constant 0 : i32
      %dma_wait3A_133 = arith.constant 0 : i32
      %dma_wait3A_134 = tpu.memref_slice %arg6[%dma_wait3A_132, %dma_wait3A_133] : memref<10000x64xf32, #tpu.memory_space<vmem_shared>> -> memref<10000x64xf32, #tpu.memory_space<vmem_shared>>
      tpu.wait_indirect_dma semaphore(%arg14 : memref<!tpu.dma_semaphore, #tpu.memory_space<semaphore_mem>>) src(%dma_wait3A_134 : memref<10000x64xf32, #tpu.memory_space<vmem_shared>>) dst(%arg11 : memref<128x64xf32, #tpu.memory_space<vmem>>)
      %dma_start3A_135 = arith.constant 3 : i32
      %dma_start3A_136 = arith.constant 0 : i32
      %dma_start3A_137 = tpu.memref_slice %arg13[%dma_start3A_135, %dma_start3A_136] : memref<4x128xi32, #tpu.memory_space<vmem>> -> memref<1x128xi32, #tpu.memory_space<vmem>>
      %dma_start3A_138 = tpu.memref_squeeze %dma_start3A_137 : memref<1x128xi32, #tpu.memory_space<vmem>> -> memref<128xi32, #tpu.memory_space<vmem>>
      %dma_start3A_139 = arith.constant 0 : i32
      %dma_start3A_140 = arith.constant 0 : i32
      %dma_start3A_141 = tpu.memref_slice %arg7[%dma_start3A_139, %dma_start3A_140] : memref<10240x64xf32, #tpu.memory_space<vmem_shared>> -> memref<10240x64xf32, #tpu.memory_space<vmem_shared>>
      tpu.enqueue_indirect_dma source(%arg11 : memref<128x64xf32, #tpu.memory_space<vmem>>) target(%dma_start3A_141 : memref<10240x64xf32, #tpu.memory_space<vmem_shared>>) offsets(%dma_start3A_138 : memref<128xi32, #tpu.memory_space<vmem>>) semaphore(%arg15 : memref<!tpu.dma_semaphore, #tpu.memory_space<semaphore_mem>>) {add = true}
      %dma_wait3A_142 = arith.constant 0 : i32
      %dma_wait3A_143 = arith.constant 0 : i32
      %dma_wait3A_144 = tpu.memref_slice %arg13[%dma_wait3A_142, %dma_wait3A_143] : memref<4x128xi32, #tpu.memory_space<vmem>> -> memref<1x128xi32, #tpu.memory_space<vmem>>
      %dma_wait3A_145 = tpu.memref_squeeze %dma_wait3A_144 : memref<1x128xi32, #tpu.memory_space<vmem>> -> memref<128xi32, #tpu.memory_space<vmem>>
      %dma_wait3A_146 = arith.constant 0 : i32
      %dma_wait3A_147 = arith.constant 0 : i32
      %dma_wait3A_148 = tpu.memref_slice %arg7[%dma_wait3A_146, %dma_wait3A_147] : memref<10240x64xf32, #tpu.memory_space<vmem_shared>> -> memref<10240x64xf32, #tpu.memory_space<vmem_shared>>
      tpu.wait_indirect_dma semaphore(%arg15 : memref<!tpu.dma_semaphore, #tpu.memory_space<semaphore_mem>>) src(%arg8 : memref<128x64xf32, #tpu.memory_space<vmem>>) dst(%dma_wait3A_148 : memref<10240x64xf32, #tpu.memory_space<vmem_shared>>)
      %dma_wait3A_149 = arith.constant 1 : i32
      %dma_wait3A_150 = arith.constant 0 : i32
      %dma_wait3A_151 = tpu.memref_slice %arg13[%dma_wait3A_149, %dma_wait3A_150] : memref<4x128xi32, #tpu.memory_space<vmem>> -> memref<1x128xi32, #tpu.memory_space<vmem>>
      %dma_wait3A_152 = tpu.memref_squeeze %dma_wait3A_151 : memref<1x128xi32, #tpu.memory_space<vmem>> -> memref<128xi32, #tpu.memory_space<vmem>>
      %dma_wait3A_153 = arith.constant 0 : i32
      %dma_wait3A_154 = arith.constant 0 : i32
      %dma_wait3A_155 = tpu.memref_slice %arg7[%dma_wait3A_153, %dma_wait3A_154] : memref<10240x64xf32, #tpu.memory_space<vmem_shared>> -> memref<10240x64xf32, #tpu.memory_space<vmem_shared>>
      tpu.wait_indirect_dma semaphore(%arg15 : memref<!tpu.dma_semaphore, #tpu.memory_space<semaphore_mem>>) src(%arg9 : memref<128x64xf32, #tpu.memory_space<vmem>>) dst(%dma_wait3A_155 : memref<10240x64xf32, #tpu.memory_space<vmem_shared>>)
      %dma_wait3A_156 = arith.constant 2 : i32
      %dma_wait3A_157 = arith.constant 0 : i32
      %dma_wait3A_158 = tpu.memref_slice %arg13[%dma_wait3A_156, %dma_wait3A_157] : memref<4x128xi32, #tpu.memory_space<vmem>> -> memref<1x128xi32, #tpu.memory_space<vmem>>
      %dma_wait3A_159 = tpu.memref_squeeze %dma_wait3A_158 : memref<1x128xi32, #tpu.memory_space<vmem>> -> memref<128xi32, #tpu.memory_space<vmem>>
      %dma_wait3A_160 = arith.constant 0 : i32
      %dma_wait3A_161 = arith.constant 0 : i32
      %dma_wait3A_162 = tpu.memref_slice %arg7[%dma_wait3A_160, %dma_wait3A_161] : memref<10240x64xf32, #tpu.memory_space<vmem_shared>> -> memref<10240x64xf32, #tpu.memory_space<vmem_shared>>
      tpu.wait_indirect_dma semaphore(%arg15 : memref<!tpu.dma_semaphore, #tpu.memory_space<semaphore_mem>>) src(%arg10 : memref<128x64xf32, #tpu.memory_space<vmem>>) dst(%dma_wait3A_162 : memref<10240x64xf32, #tpu.memory_space<vmem_shared>>)
      %dma_wait3A_163 = arith.constant 3 : i32
      %dma_wait3A_164 = arith.constant 0 : i32
      %dma_wait3A_165 = tpu.memref_slice %arg13[%dma_wait3A_163, %dma_wait3A_164] : memref<4x128xi32, #tpu.memory_space<vmem>> -> memref<1x128xi32, #tpu.memory_space<vmem>>
      %dma_wait3A_166 = tpu.memref_squeeze %dma_wait3A_165 : memref<1x128xi32, #tpu.memory_space<vmem>> -> memref<128xi32, #tpu.memory_space<vmem>>
      %dma_wait3A_167 = arith.constant 0 : i32
      %dma_wait3A_168 = arith.constant 0 : i32
      %dma_wait3A_169 = tpu.memref_slice %arg7[%dma_wait3A_167, %dma_wait3A_168] : memref<10240x64xf32, #tpu.memory_space<vmem_shared>> -> memref<10240x64xf32, #tpu.memory_space<vmem_shared>>
      tpu.wait_indirect_dma semaphore(%arg15 : memref<!tpu.dma_semaphore, #tpu.memory_space<semaphore_mem>>) src(%arg11 : memref<128x64xf32, #tpu.memory_space<vmem>>) dst(%dma_wait3A_169 : memref<10240x64xf32, #tpu.memory_space<vmem_shared>>)
      %scan3A_170 = arith.constant 0 : i32
      scf.yield %scan3A_170 : i32
    }
    %scan3A_32 = arith.constant 40 : i32
    %barrier3A_33 = arith.constant 0 : index
    tpu.barrier barrier_id(%barrier3A_33)
    %mul3A_34 = arith.constant 640 : i32
    %mul3A_35 = arith.muli %arg1, %mul3A_34 : i32
    %add3A = arith.constant 0 : i32
    %add3A_36 = arith.addi %mul3A_35, %add3A : i32
    "tpu.region"() ({
      %run_scoped3A = tpu.sem_alloc : memref<!tpu.dma_semaphore, #tpu.memory_space<semaphore_mem>>
      %dma_start3A_53 = arith.constant 0 : i32
      %dma_start3A_54 = tpu.memref_slice %arg5[%add3A_36, %arg0, %dma_start3A_53] : memref<10240x2x64xf32, #tpu.memory_space<hbm>> -> memref<128x1x64xf32, #tpu.memory_space<hbm>>
      %dma_start3A_55 = tpu.memref_squeeze %dma_start3A_54 : memref<128x1x64xf32, #tpu.memory_space<hbm>> -> memref<128x64xf32, #tpu.memory_space<hbm>>
      %dma_start3A_56 = arith.constant 0 : i32
      %dma_start3A_57 = tpu.memref_slice %arg7[%add3A_36, %dma_start3A_56] : memref<10240x64xf32, #tpu.memory_space<vmem_shared>> -> memref<128x64xf32, #tpu.memory_space<vmem_shared>>
      tpu.enqueue_dma source(%dma_start3A_57 : memref<128x64xf32, #tpu.memory_space<vmem_shared>>) target(%dma_start3A_55 : memref<128x64xf32, #tpu.memory_space<hbm>>) target_semaphore(%run_scoped3A : memref<!tpu.dma_semaphore, #tpu.memory_space<semaphore_mem>>)
      %dma_wait3A_58 = arith.constant 0 : i32
      %dma_wait3A_59 = tpu.memref_slice %arg5[%add3A_36, %arg0, %dma_wait3A_58] : memref<10240x2x64xf32, #tpu.memory_space<hbm>> -> memref<128x1x64xf32, #tpu.memory_space<hbm>>
      %dma_wait3A_60 = tpu.memref_squeeze %dma_wait3A_59 : memref<128x1x64xf32, #tpu.memory_space<hbm>> -> memref<128x64xf32, #tpu.memory_space<hbm>>
      %dma_wait3A_61 = arith.constant 0 : i32
      %dma_wait3A_62 = tpu.memref_slice %arg7[%add3A_36, %dma_wait3A_61] : memref<10240x64xf32, #tpu.memory_space<vmem_shared>> -> memref<128x64xf32, #tpu.memory_space<vmem_shared>>
      tpu.wait_dma2 semaphore(%run_scoped3A : memref<!tpu.dma_semaphore, #tpu.memory_space<semaphore_mem>>) src(%dma_wait3A_62 : memref<128x64xf32, #tpu.memory_space<vmem_shared>>) dst(%dma_wait3A_60 : memref<128x64xf32, #tpu.memory_space<hbm>>)
      tpu.yield
    }) : () -> ()
    %mul3A_37 = arith.constant 640 : i32
    %mul3A_38 = arith.muli %arg1, %mul3A_37 : i32
    %add3A_39 = arith.constant 128 : i32
    %add3A_40 = arith.addi %mul3A_38, %add3A_39 : i32
    "tpu.region"() ({
      %run_scoped3A = tpu.sem_alloc : memref<!tpu.dma_semaphore, #tpu.memory_space<semaphore_mem>>
      %dma_start3A_53 = arith.constant 0 : i32
      %dma_start3A_54 = tpu.memref_slice %arg5[%add3A_40, %arg0, %dma_start3A_53] : memref<10240x2x64xf32, #tpu.memory_space<hbm>> -> memref<128x1x64xf32, #tpu.memory_space<hbm>>
      %dma_start3A_55 = tpu.memref_squeeze %dma_start3A_54 : memref<128x1x64xf32, #tpu.memory_space<hbm>> -> memref<128x64xf32, #tpu.memory_space<hbm>>
      %dma_start3A_56 = arith.constant 0 : i32
      %dma_start3A_57 = tpu.memref_slice %arg7[%add3A_40, %dma_start3A_56] : memref<10240x64xf32, #tpu.memory_space<vmem_shared>> -> memref<128x64xf32, #tpu.memory_space<vmem_shared>>
      tpu.enqueue_dma source(%dma_start3A_57 : memref<128x64xf32, #tpu.memory_space<vmem_shared>>) target(%dma_start3A_55 : memref<128x64xf32, #tpu.memory_space<hbm>>) target_semaphore(%run_scoped3A : memref<!tpu.dma_semaphore, #tpu.memory_space<semaphore_mem>>)
      %dma_wait3A_58 = arith.constant 0 : i32
      %dma_wait3A_59 = tpu.memref_slice %arg5[%add3A_40, %arg0, %dma_wait3A_58] : memref<10240x2x64xf32, #tpu.memory_space<hbm>> -> memref<128x1x64xf32, #tpu.memory_space<hbm>>
      %dma_wait3A_60 = tpu.memref_squeeze %dma_wait3A_59 : memref<128x1x64xf32, #tpu.memory_space<hbm>> -> memref<128x64xf32, #tpu.memory_space<hbm>>
      %dma_wait3A_61 = arith.constant 0 : i32
      %dma_wait3A_62 = tpu.memref_slice %arg7[%add3A_40, %dma_wait3A_61] : memref<10240x64xf32, #tpu.memory_space<vmem_shared>> -> memref<128x64xf32, #tpu.memory_space<vmem_shared>>
      tpu.wait_dma2 semaphore(%run_scoped3A : memref<!tpu.dma_semaphore, #tpu.memory_space<semaphore_mem>>) src(%dma_wait3A_62 : memref<128x64xf32, #tpu.memory_space<vmem_shared>>) dst(%dma_wait3A_60 : memref<128x64xf32, #tpu.memory_space<hbm>>)
      tpu.yield
    }) : () -> ()
    %mul3A_41 = arith.constant 640 : i32
    %mul3A_42 = arith.muli %arg1, %mul3A_41 : i32
    %add3A_43 = arith.constant 256 : i32
    %add3A_44 = arith.addi %mul3A_42, %add3A_43 : i32
    "tpu.region"() ({
      %run_scoped3A = tpu.sem_alloc : memref<!tpu.dma_semaphore, #tpu.memory_space<semaphore_mem>>
      %dma_start3A_53 = arith.constant 0 : i32
      %dma_start3A_54 = tpu.memref_slice %arg5[%add3A_44, %arg0, %dma_start3A_53] : memref<10240x2x64xf32, #tpu.memory_space<hbm>> -> memref<128x1x64xf32, #tpu.memory_space<hbm>>
      %dma_start3A_55 = tpu.memref_squeeze %dma_start3A_54 : memref<128x1x64xf32, #tpu.memory_space<hbm>> -> memref<128x64xf32, #tpu.memory_space<hbm>>
      %dma_start3A_56 = arith.constant 0 : i32
      %dma_start3A_57 = tpu.memref_slice %arg7[%add3A_44, %dma_start3A_56] : memref<10240x64xf32, #tpu.memory_space<vmem_shared>> -> memref<128x64xf32, #tpu.memory_space<vmem_shared>>
      tpu.enqueue_dma source(%dma_start3A_57 : memref<128x64xf32, #tpu.memory_space<vmem_shared>>) target(%dma_start3A_55 : memref<128x64xf32, #tpu.memory_space<hbm>>) target_semaphore(%run_scoped3A : memref<!tpu.dma_semaphore, #tpu.memory_space<semaphore_mem>>)
      %dma_wait3A_58 = arith.constant 0 : i32
      %dma_wait3A_59 = tpu.memref_slice %arg5[%add3A_44, %arg0, %dma_wait3A_58] : memref<10240x2x64xf32, #tpu.memory_space<hbm>> -> memref<128x1x64xf32, #tpu.memory_space<hbm>>
      %dma_wait3A_60 = tpu.memref_squeeze %dma_wait3A_59 : memref<128x1x64xf32, #tpu.memory_space<hbm>> -> memref<128x64xf32, #tpu.memory_space<hbm>>
      %dma_wait3A_61 = arith.constant 0 : i32
      %dma_wait3A_62 = tpu.memref_slice %arg7[%add3A_44, %dma_wait3A_61] : memref<10240x64xf32, #tpu.memory_space<vmem_shared>> -> memref<128x64xf32, #tpu.memory_space<vmem_shared>>
      tpu.wait_dma2 semaphore(%run_scoped3A : memref<!tpu.dma_semaphore, #tpu.memory_space<semaphore_mem>>) src(%dma_wait3A_62 : memref<128x64xf32, #tpu.memory_space<vmem_shared>>) dst(%dma_wait3A_60 : memref<128x64xf32, #tpu.memory_space<hbm>>)
      tpu.yield
    }) : () -> ()
    %mul3A_45 = arith.constant 640 : i32
    %mul3A_46 = arith.muli %arg1, %mul3A_45 : i32
    %add3A_47 = arith.constant 384 : i32
    %add3A_48 = arith.addi %mul3A_46, %add3A_47 : i32
    "tpu.region"() ({
      %run_scoped3A = tpu.sem_alloc : memref<!tpu.dma_semaphore, #tpu.memory_space<semaphore_mem>>
      %dma_start3A_53 = arith.constant 0 : i32
      %dma_start3A_54 = tpu.memref_slice %arg5[%add3A_48, %arg0, %dma_start3A_53] : memref<10240x2x64xf32, #tpu.memory_space<hbm>> -> memref<128x1x64xf32, #tpu.memory_space<hbm>>
      %dma_start3A_55 = tpu.memref_squeeze %dma_start3A_54 : memref<128x1x64xf32, #tpu.memory_space<hbm>> -> memref<128x64xf32, #tpu.memory_space<hbm>>
      %dma_start3A_56 = arith.constant 0 : i32
      %dma_start3A_57 = tpu.memref_slice %arg7[%add3A_48, %dma_start3A_56] : memref<10240x64xf32, #tpu.memory_space<vmem_shared>> -> memref<128x64xf32, #tpu.memory_space<vmem_shared>>
      tpu.enqueue_dma source(%dma_start3A_57 : memref<128x64xf32, #tpu.memory_space<vmem_shared>>) target(%dma_start3A_55 : memref<128x64xf32, #tpu.memory_space<hbm>>) target_semaphore(%run_scoped3A : memref<!tpu.dma_semaphore, #tpu.memory_space<semaphore_mem>>)
      %dma_wait3A_58 = arith.constant 0 : i32
      %dma_wait3A_59 = tpu.memref_slice %arg5[%add3A_48, %arg0, %dma_wait3A_58] : memref<10240x2x64xf32, #tpu.memory_space<hbm>> -> memref<128x1x64xf32, #tpu.memory_space<hbm>>
      %dma_wait3A_60 = tpu.memref_squeeze %dma_wait3A_59 : memref<128x1x64xf32, #tpu.memory_space<hbm>> -> memref<128x64xf32, #tpu.memory_space<hbm>>
      %dma_wait3A_61 = arith.constant 0 : i32
      %dma_wait3A_62 = tpu.memref_slice %arg7[%add3A_48, %dma_wait3A_61] : memref<10240x64xf32, #tpu.memory_space<vmem_shared>> -> memref<128x64xf32, #tpu.memory_space<vmem_shared>>
      tpu.wait_dma2 semaphore(%run_scoped3A : memref<!tpu.dma_semaphore, #tpu.memory_space<semaphore_mem>>) src(%dma_wait3A_62 : memref<128x64xf32, #tpu.memory_space<vmem_shared>>) dst(%dma_wait3A_60 : memref<128x64xf32, #tpu.memory_space<hbm>>)
      tpu.yield
    }) : () -> ()
    %mul3A_49 = arith.constant 640 : i32
    %mul3A_50 = arith.muli %arg1, %mul3A_49 : i32
    %add3A_51 = arith.constant 512 : i32
    %add3A_52 = arith.addi %mul3A_50, %add3A_51 : i32
    "tpu.region"() ({
      %run_scoped3A = tpu.sem_alloc : memref<!tpu.dma_semaphore, #tpu.memory_space<semaphore_mem>>
      %dma_start3A_53 = arith.constant 0 : i32
      %dma_start3A_54 = tpu.memref_slice %arg5[%add3A_52, %arg0, %dma_start3A_53] : memref<10240x2x64xf32, #tpu.memory_space<hbm>> -> memref<128x1x64xf32, #tpu.memory_space<hbm>>
      %dma_start3A_55 = tpu.memref_squeeze %dma_start3A_54 : memref<128x1x64xf32, #tpu.memory_space<hbm>> -> memref<128x64xf32, #tpu.memory_space<hbm>>
      %dma_start3A_56 = arith.constant 0 : i32
      %dma_start3A_57 = tpu.memref_slice %arg7[%add3A_52, %dma_start3A_56] : memref<10240x64xf32, #tpu.memory_space<vmem_shared>> -> memref<128x64xf32, #tpu.memory_space<vmem_shared>>
      tpu.enqueue_dma source(%dma_start3A_57 : memref<128x64xf32, #tpu.memory_space<vmem_shared>>) target(%dma_start3A_55 : memref<128x64xf32, #tpu.memory_space<hbm>>) target_semaphore(%run_scoped3A : memref<!tpu.dma_semaphore, #tpu.memory_space<semaphore_mem>>)
      %dma_wait3A_58 = arith.constant 0 : i32
      %dma_wait3A_59 = tpu.memref_slice %arg5[%add3A_52, %arg0, %dma_wait3A_58] : memref<10240x2x64xf32, #tpu.memory_space<hbm>> -> memref<128x1x64xf32, #tpu.memory_space<hbm>>
      %dma_wait3A_60 = tpu.memref_squeeze %dma_wait3A_59 : memref<128x1x64xf32, #tpu.memory_space<hbm>> -> memref<128x64xf32, #tpu.memory_space<hbm>>
      %dma_wait3A_61 = arith.constant 0 : i32
      %dma_wait3A_62 = tpu.memref_slice %arg7[%add3A_52, %dma_wait3A_61] : memref<10240x64xf32, #tpu.memory_space<vmem_shared>> -> memref<128x64xf32, #tpu.memory_space<vmem_shared>>
      tpu.wait_dma2 semaphore(%run_scoped3A : memref<!tpu.dma_semaphore, #tpu.memory_space<semaphore_mem>>) src(%dma_wait3A_62 : memref<128x64xf32, #tpu.memory_space<vmem_shared>>) dst(%dma_wait3A_60 : memref<128x64xf32, #tpu.memory_space<hbm>>)
      tpu.yield
    }) : () -> ()
    return
  }
}

module attributes {stable_mosaic.version = 14 : i64} {
  func.func @_mm1_body(%arg0: i32, %arg1: memref<128x128xf32, #tpu.memory_space<vmem>>, %arg2: memref<128x128xf32, #tpu.memory_space<vmem>>, %arg3: memref<2x128xf32, #tpu.memory_space<vmem>>, %arg4: memref<2x128x64xf32, #tpu.memory_space<vmem>>, %arg5: memref<128x128xf32, #tpu.memory_space<vmem>>) attributes {dimension_semantics = [#tpu.dimension_semantics<arbitrary>], iteration_bounds = array<i64: 79>, scalar_prefetch = 0 : i64, scratch_operands = 0 : i64, tpu.core_type = #tpu.core_type<tc>, window_params = [{transform_indices = @transform_0, window_bounds = array<i64: 128, 128>}, {pipeline_mode = #tpu.pipeline_mode<synchronous>, transform_indices = @transform_1, window_bounds = array<i64: 128, 128>}, {transform_indices = @transform_2, window_bounds = array<i64: 2, 128>}, {transform_indices = @transform_3, window_bounds = array<i64: 2, 128, 64>}, {transform_indices = @transform_4, window_bounds = array<i64: 128, 128>}]} {
    %get3A = arith.constant 0 : index
    %get3A_0 = arith.constant 0 : index
    %get3A_1 = vector.load %arg3[%get3A, %get3A_0] : memref<2x128xf32, #tpu.memory_space<vmem>>, vector<2x128xf32>
    %slice3A = vector.extract_strided_slice %get3A_1 {offsets = [0, 0], sizes = [1, 128], strides = [1, 1]} : vector<2x128xf32> to vector<1x128xf32>
    %slice3A_2 = vector.extract_strided_slice %get3A_1 {offsets = [1, 0], sizes = [1, 128], strides = [1, 1]} : vector<2x128xf32> to vector<1x128xf32>
    %add3A = arith.addf %slice3A, %slice3A_2 : vector<1x128xf32>
    %add3A_3 = arith.constant 1.000000e+00 : f32
    %add3A_4 = vector.broadcast %add3A_3 : f32 to vector<1x128xf32>
    %add3A_5 = arith.addf %add3A, %add3A_4 : vector<1x128xf32>
    %rsqrt3A = math.rsqrt %add3A_5 : vector<1x128xf32>
    %broadcast_in_dim3A = vector.shape_cast %rsqrt3A : vector<1x128xf32> to vector<1x128xf32>
    %broadcast_in_dim3A_6 = vector.broadcast %broadcast_in_dim3A : vector<1x128xf32> to vector<128x128xf32>
    %transpose3A = tpu.transpose %broadcast_in_dim3A_6, [1, 0] : vector<128x128xf32> -> vector<128x128xf32>
    %swap3A = arith.constant 0 : index
    %swap3A_7 = arith.constant 0 : index
    %swap3A_8 = vector.load %arg5[%swap3A, %swap3A_7] : memref<128x128xf32, #tpu.memory_space<vmem>>, vector<128x128xf32>
    tpu.vector_store %arg5[%swap3A, %swap3A_7], %transpose3A {strides = array<i32>} : memref<128x128xf32, #tpu.memory_space<vmem>>, vector<128x128xf32>,
    %get3A_9 = arith.constant 0 : index
    %get3A_10 = arith.constant 0 : index
    %get3A_11 = vector.load %arg1[%get3A_9, %get3A_10] : memref<128x128xf32, #tpu.memory_space<vmem>>, vector<128x128xf32>
    %get3A_12 = arith.constant 0 : index
    %get3A_13 = arith.constant 0 : index
    %get3A_14 = vector.load %arg2[%get3A_12, %get3A_13] : memref<128x128xf32, #tpu.memory_space<vmem>>, vector<128x128xf32>
    %dot_general3A = arith.constant dense<0.000000e+00> : vector<128x128xf32>
    %dot_general3A_15 = tpu.matmul %get3A_11, %get3A_14, %dot_general3A {dimension_numbers = #tpu.dot_dimension_numbers<[1], [0], [0], [1], [0, 0, 1, 1], [], []>, transpose_lhs_hint = false} : vector<128x128xf32>, vector<128x128xf32>, vector<128x128xf32> -> vector<128x128xf32>
    %mul3A = arith.mulf %transpose3A, %dot_general3A_15 : vector<128x128xf32>
    %slice3A_16 = vector.extract_strided_slice %mul3A {offsets = [0, 0], sizes = [128, 64], strides = [1, 1]} : vector<128x128xf32> to vector<128x64xf32>
    %swap3A_17 = arith.constant 0 : index
    %swap3A_18 = arith.constant 0 : index
    %swap3A_19 = arith.constant 0 : index
    %swap3A_20 = vector.load %arg4[%swap3A_17, %swap3A_18, %swap3A_19] : memref<2x128x64xf32, #tpu.memory_space<vmem>>, vector<1x128x64xf32>
    %swap3A_21 = vector.shape_cast %swap3A_20 : vector<1x128x64xf32> to vector<128x64xf32>
    %swap3A_22 = vector.shape_cast %slice3A_16 : vector<128x64xf32> to vector<1x128x64xf32>
    tpu.vector_store %arg4[%swap3A_17, %swap3A_18, %swap3A_19], %swap3A_22 {strides = array<i32>} : memref<2x128x64xf32, #tpu.memory_space<vmem>>, vector<1x128x64xf32>,
    %slice3A_23 = vector.extract_strided_slice %mul3A {offsets = [0, 64], sizes = [128, 64], strides = [1, 1]} : vector<128x128xf32> to vector<128x64xf32>
    %swap3A_24 = arith.constant 1 : index
    %swap3A_25 = arith.constant 0 : index
    %swap3A_26 = arith.constant 0 : index
    %swap3A_27 = vector.load %arg4[%swap3A_24, %swap3A_25, %swap3A_26] : memref<2x128x64xf32, #tpu.memory_space<vmem>>, vector<1x128x64xf32>
    %swap3A_28 = vector.shape_cast %swap3A_27 : vector<1x128x64xf32> to vector<128x64xf32>
    %swap3A_29 = vector.shape_cast %slice3A_23 : vector<128x64xf32> to vector<1x128x64xf32>
    tpu.vector_store %arg4[%swap3A_24, %swap3A_25, %swap3A_26], %swap3A_29 {strides = array<i32>} : memref<2x128x64xf32, #tpu.memory_space<vmem>>, vector<1x128x64xf32>,
    return
  }
  func.func @transform_0(%arg0: i32) -> (i32, i32) {
    %c0_i32 = arith.constant 0 : i32
    %c0_i32_0 = arith.constant 0 : i32
    return %arg0, %c0_i32 : i32, i32
  }
  func.func @transform_1(%arg0: i32) -> (i32, i32) {
    %c0_i32 = arith.constant 0 : i32
    %c0_i32_0 = arith.constant 0 : i32
    %c0_i32_1 = arith.constant 0 : i32
    return %c0_i32, %c0_i32_0 : i32, i32
  }
  func.func @transform_2(%arg0: i32) -> (i32, i32) {
    %c0_i32 = arith.constant 0 : i32
    %c0_i32_0 = arith.constant 0 : i32
    return %c0_i32, %arg0 : i32, i32
  }
  func.func @transform_3(%arg0: i32) -> (i32, i32, i32) {
    %c0_i32 = arith.constant 0 : i32
    %c0_i32_0 = arith.constant 0 : i32
    %c0_i32_1 = arith.constant 0 : i32
    return %c0_i32, %arg0, %c0_i32_0 : i32, i32, i32
  }
  func.func @transform_4(%arg0: i32) -> (i32, i32) {
    %c0_i32 = arith.constant 0 : i32
    %c0_i32_0 = arith.constant 0 : i32
    return %arg0, %c0_i32 : i32, i32
  }
}

module attributes {stable_mosaic.version = 14 : i64} {
  func.func @_mid_body(%arg0: i32, %arg1: memref<1000x128xf32, #tpu.memory_space<vmem>>, %arg2: memref<1000x128xf32, #tpu.memory_space<vmem>>, %arg3: memref<1x128xf32, #tpu.memory_space<vmem>>, %arg4: memref<1x128xf32, #tpu.memory_space<vmem>>, %arg5: memref<1x128xf32, #tpu.memory_space<vmem>>, %arg6: memref<128x128xf32, #tpu.memory_space<vmem>>, %arg7: memref<2x1000x64xf32, #tpu.memory_space<vmem>>) attributes {dimension_semantics = [#tpu.dimension_semantics<arbitrary>], iteration_bounds = array<i64: 10>, scalar_prefetch = 0 : i64, scratch_operands = 0 : i64, tpu.core_type = #tpu.core_type<tc>, window_params = [{transform_indices = @transform_0, window_bounds = array<i64: 1000, 128>}, {transform_indices = @transform_1, window_bounds = array<i64: 1000, 128>}, {pipeline_mode = #tpu.pipeline_mode<synchronous>, transform_indices = @transform_2, window_bounds = array<i64: 1, 128>}, {pipeline_mode = #tpu.pipeline_mode<synchronous>, transform_indices = @transform_3, window_bounds = array<i64: 1, 128>}, {pipeline_mode = #tpu.pipeline_mode<synchronous>, transform_indices = @transform_4, window_bounds = array<i64: 1, 128>}, {pipeline_mode = #tpu.pipeline_mode<synchronous>, transform_indices = @transform_5, window_bounds = array<i64: 128, 128>}, {transform_indices = @transform_6, window_bounds = array<i64: 2, 1000, 64>}]} {
    %get3A = arith.constant 0 : index
    %get3A_0 = arith.constant 0 : index
    %get3A_1 = vector.load %arg2[%get3A, %get3A_0] : memref<1000x128xf32, #tpu.memory_space<vmem>>, vector<1000x128xf32>
    %get3A_2 = arith.constant 0 : index
    %get3A_3 = arith.constant 0 : index
    %get3A_4 = vector.load %arg1[%get3A_2, %get3A_3] : memref<1000x128xf32, #tpu.memory_space<vmem>>, vector<1000x128xf32>
    %mul3A = arith.mulf %get3A_4, %get3A_1 : vector<1000x128xf32>
    %get3A_5 = arith.constant 0 : index
    %get3A_6 = arith.constant 0 : index
    %get3A_7 = vector.load %arg3[%get3A_5, %get3A_6] : memref<1x128xf32, #tpu.memory_space<vmem>>, vector<1x128xf32>
    %add3A = vector.broadcast %get3A_7 : vector<1x128xf32> to vector<1000x128xf32>
    %add3A_8 = arith.addf %mul3A, %add3A : vector<1000x128xf32>
    %max3A = arith.constant 0.000000e+00 : f32
    %max3A_9 = vector.broadcast %max3A : f32 to vector<1000x128xf32>
    %max3A_10 = arith.maximumf %add3A_8, %max3A_9 : vector<1000x128xf32>
    %get3A_11 = arith.constant 0 : index
    %get3A_12 = arith.constant 0 : index
    %get3A_13 = vector.load %arg4[%get3A_11, %get3A_12] : memref<1x128xf32, #tpu.memory_space<vmem>>, vector<1x128xf32>
    %mul3A_14 = vector.broadcast %get3A_13 : vector<1x128xf32> to vector<1000x128xf32>
    %mul3A_15 = arith.mulf %max3A_10, %mul3A_14 : vector<1000x128xf32>
    %get3A_16 = arith.constant 0 : index
    %get3A_17 = arith.constant 0 : index
    %get3A_18 = vector.load %arg5[%get3A_16, %get3A_17] : memref<1x128xf32, #tpu.memory_space<vmem>>, vector<1x128xf32>
    %add3A_19 = vector.broadcast %get3A_18 : vector<1x128xf32> to vector<1000x128xf32>
    %add3A_20 = arith.addf %mul3A_15, %add3A_19 : vector<1000x128xf32>
    %get3A_21 = arith.constant 0 : index
    %get3A_22 = arith.constant 0 : index
    %get3A_23 = vector.load %arg6[%get3A_21, %get3A_22] : memref<128x128xf32, #tpu.memory_space<vmem>>, vector<128x128xf32>
    %dot_general3A = arith.constant dense<0.000000e+00> : vector<1000x128xf32>
    %dot_general3A_24 = tpu.matmul %add3A_20, %get3A_23, %dot_general3A {dimension_numbers = #tpu.dot_dimension_numbers<[1], [0], [0], [1], [0, 0, 1, 1], [], []>, transpose_lhs_hint = false} : vector<1000x128xf32>, vector<128x128xf32>, vector<1000x128xf32> -> vector<1000x128xf32>
    %mul3A_25 = arith.mulf %get3A_1, %dot_general3A_24 : vector<1000x128xf32>
    %slice3A = vector.extract_strided_slice %mul3A_25 {offsets = [0, 0], sizes = [1000, 64], strides = [1, 1]} : vector<1000x128xf32> to vector<1000x64xf32>
    %swap3A = arith.constant 0 : index
    %swap3A_26 = arith.constant 0 : index
    %swap3A_27 = arith.constant 0 : index
    %swap3A_28 = vector.load %arg7[%swap3A, %swap3A_26, %swap3A_27] : memref<2x1000x64xf32, #tpu.memory_space<vmem>>, vector<1x1000x64xf32>
    %swap3A_29 = vector.shape_cast %swap3A_28 : vector<1x1000x64xf32> to vector<1000x64xf32>
    %swap3A_30 = vector.shape_cast %slice3A : vector<1000x64xf32> to vector<1x1000x64xf32>
    tpu.vector_store %arg7[%swap3A, %swap3A_26, %swap3A_27], %swap3A_30 {strides = array<i32>} : memref<2x1000x64xf32, #tpu.memory_space<vmem>>, vector<1x1000x64xf32>,
    %slice3A_31 = vector.extract_strided_slice %mul3A_25 {offsets = [0, 64], sizes = [1000, 64], strides = [1, 1]} : vector<1000x128xf32> to vector<1000x64xf32>
    %swap3A_32 = arith.constant 1 : index
    %swap3A_33 = arith.constant 0 : index
    %swap3A_34 = arith.constant 0 : index
    %swap3A_35 = vector.load %arg7[%swap3A_32, %swap3A_33, %swap3A_34] : memref<2x1000x64xf32, #tpu.memory_space<vmem>>, vector<1x1000x64xf32>
    %swap3A_36 = vector.shape_cast %swap3A_35 : vector<1x1000x64xf32> to vector<1000x64xf32>
    %swap3A_37 = vector.shape_cast %slice3A_31 : vector<1000x64xf32> to vector<1x1000x64xf32>
    tpu.vector_store %arg7[%swap3A_32, %swap3A_33, %swap3A_34], %swap3A_37 {strides = array<i32>} : memref<2x1000x64xf32, #tpu.memory_space<vmem>>, vector<1x1000x64xf32>,
    return
  }
  func.func @transform_0(%arg0: i32) -> (i32, i32) {
    %c0_i32 = arith.constant 0 : i32
    %c0_i32_0 = arith.constant 0 : i32
    return %arg0, %c0_i32 : i32, i32
  }
  func.func @transform_1(%arg0: i32) -> (i32, i32) {
    %c0_i32 = arith.constant 0 : i32
    %c0_i32_0 = arith.constant 0 : i32
    return %arg0, %c0_i32 : i32, i32
  }
  func.func @transform_2(%arg0: i32) -> (i32, i32) {
    %c0_i32 = arith.constant 0 : i32
    %c0_i32_0 = arith.constant 0 : i32
    %c0_i32_1 = arith.constant 0 : i32
    return %c0_i32, %c0_i32_0 : i32, i32
  }
  func.func @transform_3(%arg0: i32) -> (i32, i32) {
    %c0_i32 = arith.constant 0 : i32
    %c0_i32_0 = arith.constant 0 : i32
    %c0_i32_1 = arith.constant 0 : i32
    return %c0_i32, %c0_i32_0 : i32, i32
  }
  func.func @transform_4(%arg0: i32) -> (i32, i32) {
    %c0_i32 = arith.constant 0 : i32
    %c0_i32_0 = arith.constant 0 : i32
    %c0_i32_1 = arith.constant 0 : i32
    return %c0_i32, %c0_i32_0 : i32, i32
  }
  func.func @transform_5(%arg0: i32) -> (i32, i32) {
    %c0_i32 = arith.constant 0 : i32
    %c0_i32_0 = arith.constant 0 : i32
    %c0_i32_1 = arith.constant 0 : i32
    return %c0_i32, %c0_i32_0 : i32, i32
  }
  func.func @transform_6(%arg0: i32) -> (i32, i32, i32) {
    %c0_i32 = arith.constant 0 : i32
    %c0_i32_0 = arith.constant 0 : i32
    %c0_i32_1 = arith.constant 0 : i32
    return %c0_i32, %arg0, %c0_i32_0 : i32, i32, i32
  }
}

module attributes {stable_mosaic.version = 14 : i64} {
  func.func @_final_body(%arg0: i32, %arg1: memref<1000x128xf32, #tpu.memory_space<vmem>>, %arg2: memref<1000x128xf32, #tpu.memory_space<vmem>>, %arg3: memref<1x128xf32, #tpu.memory_space<vmem>>, %arg4: memref<1x128xf32, #tpu.memory_space<vmem>>, %arg5: memref<1x128xf32, #tpu.memory_space<vmem>>, %arg6: memref<1000x128xf32, #tpu.memory_space<vmem>>) attributes {dimension_semantics = [#tpu.dimension_semantics<arbitrary>], iteration_bounds = array<i64: 10>, scalar_prefetch = 0 : i64, scratch_operands = 0 : i64, tpu.core_type = #tpu.core_type<tc>, window_params = [{transform_indices = @transform_0, window_bounds = array<i64: 1000, 128>}, {transform_indices = @transform_1, window_bounds = array<i64: 1000, 128>}, {pipeline_mode = #tpu.pipeline_mode<synchronous>, transform_indices = @transform_2, window_bounds = array<i64: 1, 128>}, {pipeline_mode = #tpu.pipeline_mode<synchronous>, transform_indices = @transform_3, window_bounds = array<i64: 1, 128>}, {pipeline_mode = #tpu.pipeline_mode<synchronous>, transform_indices = @transform_4, window_bounds = array<i64: 1, 128>}, {transform_indices = @transform_5, window_bounds = array<i64: 1000, 128>}]} {
    %get3A = arith.constant 0 : index
    %get3A_0 = arith.constant 0 : index
    %get3A_1 = vector.load %arg1[%get3A, %get3A_0] : memref<1000x128xf32, #tpu.memory_space<vmem>>, vector<1000x128xf32>
    %get3A_2 = arith.constant 0 : index
    %get3A_3 = arith.constant 0 : index
    %get3A_4 = vector.load %arg2[%get3A_2, %get3A_3] : memref<1000x128xf32, #tpu.memory_space<vmem>>, vector<1000x128xf32>
    %mul3A = arith.mulf %get3A_1, %get3A_4 : vector<1000x128xf32>
    %get3A_5 = arith.constant 0 : index
    %get3A_6 = arith.constant 0 : index
    %get3A_7 = vector.load %arg3[%get3A_5, %get3A_6] : memref<1x128xf32, #tpu.memory_space<vmem>>, vector<1x128xf32>
    %add3A = vector.broadcast %get3A_7 : vector<1x128xf32> to vector<1000x128xf32>
    %add3A_8 = arith.addf %mul3A, %add3A : vector<1000x128xf32>
    %max3A = arith.constant 0.000000e+00 : f32
    %max3A_9 = vector.broadcast %max3A : f32 to vector<1000x128xf32>
    %max3A_10 = arith.maximumf %add3A_8, %max3A_9 : vector<1000x128xf32>
    %get3A_11 = arith.constant 0 : index
    %get3A_12 = arith.constant 0 : index
    %get3A_13 = vector.load %arg4[%get3A_11, %get3A_12] : memref<1x128xf32, #tpu.memory_space<vmem>>, vector<1x128xf32>
    %mul3A_14 = vector.broadcast %get3A_13 : vector<1x128xf32> to vector<1000x128xf32>
    %mul3A_15 = arith.mulf %max3A_10, %mul3A_14 : vector<1000x128xf32>
    %get3A_16 = arith.constant 0 : index
    %get3A_17 = arith.constant 0 : index
    %get3A_18 = vector.load %arg5[%get3A_16, %get3A_17] : memref<1x128xf32, #tpu.memory_space<vmem>>, vector<1x128xf32>
    %add3A_19 = vector.broadcast %get3A_18 : vector<1x128xf32> to vector<1000x128xf32>
    %add3A_20 = arith.addf %mul3A_15, %add3A_19 : vector<1000x128xf32>
    %swap3A = arith.constant 0 : index
    %swap3A_21 = arith.constant 0 : index
    %swap3A_22 = vector.load %arg6[%swap3A, %swap3A_21] : memref<1000x128xf32, #tpu.memory_space<vmem>>, vector<1000x128xf32>
    tpu.vector_store %arg6[%swap3A, %swap3A_21], %add3A_20 {strides = array<i32>} : memref<1000x128xf32, #tpu.memory_space<vmem>>, vector<1000x128xf32>,
    return
  }
  func.func @transform_0(%arg0: i32) -> (i32, i32) {
    %c0_i32 = arith.constant 0 : i32
    %c0_i32_0 = arith.constant 0 : i32
    return %arg0, %c0_i32 : i32, i32
  }
  func.func @transform_1(%arg0: i32) -> (i32, i32) {
    %c0_i32 = arith.constant 0 : i32
    %c0_i32_0 = arith.constant 0 : i32
    return %arg0, %c0_i32 : i32, i32
  }
  func.func @transform_2(%arg0: i32) -> (i32, i32) {
    %c0_i32 = arith.constant 0 : i32
    %c0_i32_0 = arith.constant 0 : i32
    %c0_i32_1 = arith.constant 0 : i32
    return %c0_i32, %c0_i32_0 : i32, i32
  }
  func.func @transform_3(%arg0: i32) -> (i32, i32) {
    %c0_i32 = arith.constant 0 : i32
    %c0_i32_0 = arith.constant 0 : i32
    %c0_i32_1 = arith.constant 0 : i32
    return %c0_i32, %c0_i32_0 : i32, i32
  }
  func.func @transform_4(%arg0: i32) -> (i32, i32) {
    %c0_i32 = arith.constant 0 : i32
    %c0_i32_0 = arith.constant 0 : i32
    %c0_i32_1 = arith.constant 0 : i32
    return %c0_i32, %c0_i32_0 : i32, i32
  }
  func.func @transform_5(%arg0: i32) -> (i32, i32) {
    %c0_i32 = arith.constant 0 : i32
    %c0_i32_0 = arith.constant 0 : i32
    return %arg0, %c0_i32 : i32, i32
  }
}

</mosaic_0001>

<sc_bundles>
// kernel: kernel.10.cloned.1.call-start
scs
__scs_entry_jumppad:
0x0: {  	(pc) =	sbr.rel $0x88, $3  }
0x1: {  	(tag) =	ssettag $0x0;
	lr =	simm.s32 $0x1  }
0x2: {  	[smem:$0x3F93] =	sst lr;
	_ =	strace $0xD0000000  }
0x3: {  	_ = 	snop  }
0x4: {  	_ = 	snop  }
0x5: {  	_ = 	snop  }
0x6: {  	_ = 	snop  }
0x7: {  	_ = 	snop  }
__scs_overlays_trampoline_lowered:
0x8: {  	[smem:$0x3FA2] =	sst s0  }
0x9: {  	[smem:$0x3FA3] =	sst s1  }
0xa: {  	[smem:$0x3FA4] =	sst s2  }
0xb: {  	[smem:$0x3FA5] =	sst s3  }
0xc: {  	[smem:$0x3FA6] =	sst s4  }
0xd: {  	[smem:$0x3FA7] =	sst s5  }
0xe: {  	[smem:$0x3FA8] =	sst s6  }
0xf: {  	[smem:$0x3FA9] =	sst s7  }
0x10: {  	[smem:$0x3FAA] =	sst s8  }
0x11: {  	[smem:$0x3FAB] =	sst s9;
	s0 =	simm.s32 @!p0 $0x0  }
0x12: {  	s1 =	sld [smem:$0x3F91];
	s0 =	simm.s32 @p0 $0x1  }
0x13: {  	[smem:$0x3FAC] =	sst s0;
	s0 =	simm.s32 @!p1 $0x0  }
0x14: {  	s2 =	sld [smem:$0x3F90];
	s0 =	simm.s32 @p1 $0x1  }
0x15: {  	[smem:$0x3FAD] =	sst s0;
	s0 =	simm.s32 @!p2 $0x0  }
0x16: {  	s3 =	sld [smem:$0x3FDB];
	s0 =	simm.s32 @p2 $0x1  }
0x17: {  	s4 =	simm.s32 $0x1BF5;
	[smem:$0x3FAF] =	sst s0  }
0x18: {  	s0 =	sld [smem:$0x3F92];
	_ =	swait.ge [sflag:s4], $0x0  }
0x19: {  	s7 =	sld [smem:$0x3F93]  }
0x1a: {  	s8 =	sadd.s32 $0xFFFFE003, lr  }
0x1b: {  	s9 =	sadd.s32 $0xFFFFFEF7, lr;
	s5 =	simm.s32 $0xFFFFFFFF;
	p2 =	slt.u32 s8, $0xFFFFF086  }
0x1c: {  	p1 =	slt.u32 s9, $0xF7A;
	s5 =	simm.s32 @!p2 $0x0  }
0x1d: {  	s5 =	simm.s32 @p1 $0x1;
	p0 =	seq.s32 s7, s2  }
0x1e: {  	s7 =	smul.u32 @!p0 $0xF7A, s2;
	p2 =	seq.s32 @!p0 s5, $0x0  }
0x1f: {  	s9 =	smul.u32 $0xF7A, s1;
	s8 =	simm.s32 @!p0 $0x1BF5;
	p2 =	por !p2, p0  }
0x20: {  	[sflag:s8] =	ssyncset.s32 @!p0 $0xFFFFF086;
	s6 =	sadd.s32 @!p0 s3, s7;
	s7 =	simm.s32 @!p0 $0x108  }
0x21: {  	s3 =	sadd.s32 s3, s9;
	s6 =	sadd.s32 @!p0 $0x88, s6;
	s7 =	simm.s32 @p2 $0x1082  }
0x22: {  	[simem:s7], [sflag:s8] =	dma.local @!p0 [hbm:s6], $0xF7A  }
0x23: {  	s9 =	sor.u32 $0xD0000000, s2;
	s6 =	simm.s32 $0x108;
	_ =	swait.ge @!p0 [sflag:s8], $0x0  }
0x24: {  	s3 =	sadd.s32 $0x88, s3;
	s6 =	simm.s32 @!p1 $0x1082;
	[sflag:s4] =	ssyncset.s32 $0xFFFFF086  }
0x25: {  	[simem:s6], [sflag:s4] =	dma.local [hbm:s3], $0xF7A  }
0x26: {  	[smem:$0x3F93] =	sst s1;
	(tag) =	ssettag s2;
	_ =	strace s9  }
0x27: {  	s1 =	sld [smem:$0x3FA3]  }
0x28: {  	s2 =	sld [smem:$0x3FA4]  }
0x29: {  	s4 =	sld [smem:$0x3FA6]  }
0x2a: {  	p0 =	seq.s32 s5, $0x0;
	s5 =	sld [smem:$0x3FA7]  }
0x2b: {  	s6 =	sld [smem:$0x3FA8]  }
0x2c: {  	s7 =	sld [smem:$0x3FA9]  }
0x2d: {  	s3 =	simm.s32 $0x108;
	s8 =	sld [smem:$0x3FAA]  }
0x2e: {  	s3 =	simm.s32 @!p0 $0x1082;
	s9 =	sld [smem:$0x3FAB]  }
0x2f: {  	lr =	sadd.s32 s0, s3;
	s0 =	sld [smem:$0x3FA2]  }
0x30: {  	s3 =	sld [smem:$0x3FA5]  }
0x31: {  	[smem:$0x3FAE] =	sst s10  }
0x32: {  	s10 =	sld [smem:$0x3FAC];
	_ =	sdelay $0x3  }
0x33: {  	p0 =	seq.s32 s10, $0x1;
	s10 =	sld [smem:$0x3FAE];
	_ =	sdelay $0x3  }
0x34: {  	[smem:$0x3FAE] =	sst s10  }
0x35: {  	s10 =	sld [smem:$0x3FAD];
	_ =	sdelay $0x3  }
0x36: {  	p1 =	seq.s32 s10, $0x1;
	s10 =	sld [smem:$0x3FAE];
	_ =	sdelay $0x3  }
0x37: {  	[smem:$0x3FAE] =	sst s10  }
0x38: {  	s10 =	sld [smem:$0x3FAF]  }
0x39: {  	_ = 	snop;
	(pc) =	sbr.ind lr, $3  }
0x3a: {  	_ = 	snop  }
0x3b: {  	_ = 	snop  }
0x3c: {  	p2 =	seq.s32 s10, $0x1;
	s10 =	sld [smem:$0x3FAE]  }
0x3d: {  	_ =	shalt  }
0x3e: {  	_ =	shalt  }
0x3f: {  	_ =	shalt  }
0x40: {  	_ =	shalt  }
0x41: {  	_ =	shalt  }
0x42: {  	_ =	shalt  }
0x43: {  	_ =	shalt  }
0x44: {  	_ =	shalt  }
0x45: {  	_ =	shalt  }
0x46: {  	_ =	shalt  }
0x47: {  	_ =	shalt  }
0x48: {  	_ =	shalt  }
0x49: {  	_ =	shalt  }
0x4a: {  	_ =	shalt  }
0x4b: {  	_ =	shalt  }
0x4c: {  	_ =	shalt  }
0x4d: {  	_ =	shalt  }
0x4e: {  	_ =	shalt  }
0x4f: {  	_ =	shalt  }
0x50: {  	_ =	shalt  }
0x51: {  	_ =	shalt  }
0x52: {  	_ =	shalt  }
0x53: {  	_ =	shalt  }
0x54: {  	_ =	shalt  }
0x55: {  	_ =	shalt  }
0x56: {  	_ =	shalt  }
0x57: {  	_ =	shalt  }
0x58: {  	_ =	shalt  }
0x59: {  	_ =	shalt  }
0x5a: {  	_ =	shalt  }
0x5b: {  	_ =	shalt  }
0x5c: {  	_ =	shalt  }
0x5d: {  	_ =	shalt  }
0x5e: {  	_ =	shalt  }
0x5f: {  	_ =	shalt  }
0x60: {  	_ =	shalt  }
0x61: {  	_ =	shalt  }
0x62: {  	_ =	shalt  }
0x63: {  	_ =	shalt  }
0x64: {  	_ =	shalt  }
0x65: {  	_ =	shalt  }
0x66: {  	_ =	shalt  }
0x67: {  	_ =	shalt  }
0x68: {  	_ =	shalt  }
0x69: {  	_ =	shalt  }
0x6a: {  	_ =	shalt  }
0x6b: {  	_ =	shalt  }
0x6c: {  	_ =	shalt  }
0x6d: {  	_ =	shalt  }
0x6e: {  	_ =	shalt  }
0x6f: {  	_ =	shalt  }
0x70: {  	_ =	shalt  }
0x71: {  	_ =	shalt  }
0x72: {  	_ =	shalt  }
0x73: {  	_ =	shalt  }
0x74: {  	_ =	shalt  }
0x75: {  	_ =	shalt  }
0x76: {  	_ =	shalt  }
0x77: {  	_ =	shalt  }
0x78: {  	_ =	shalt  }
0x79: {  	_ =	shalt  }
0x7a: {  	_ =	shalt  }
0x7b: {  	_ =	shalt  }
0x7c: {  	_ =	shalt  }
0x7d: {  	_ =	shalt  }
0x7e: {  	_ =	shalt  }
0x7f: {  	_ =	shalt  }
0x80: {  	_ =	shalt  }
0x81: {  	_ =	shalt  }
0x82: {  	_ =	shalt  }
0x83: {  	_ =	shalt  }
0x84: {  	_ =	shalt  }
0x85: {  	_ =	shalt  }
0x86: {  	_ =	shalt  }
0x87: {  	_ =	shalt  }
.Lfunc_end0:
.L_simem_size_0:
called_computation_lowered:
.L_overlay_start_0:
0x88: {  	s2 =	sld [smem:$0x3FD9]  }
0x89: {  	s3 =	sld [smem:$0x3FFE];
	_ =	sdelay $0x1  }
0x8a: {  	s1 =	srdreg.scid  }
0x8b: {  	s0 =	sand.u32 $0x1, s1  }
0x8c: {  	s17 =	sshll.u32 s0, $0xA;
	s2 =	sadd.s32 s3, s2  }
0x8d: {  	s2 =	sadd.s32 s2, s17  }
0x8e: {  	[smem:$0x3FBA] =	sst s2  }
0x8f: {  	_ = 	snop  }
0x90: {  	s2 =	sld [smem:$0x3FD0];
	(tm) =	ssettm $0x1  }
0x91: {  	s18 =	sld [smem:$0x3FFB];
	_ =	sdelay $0x3  }
0x92: {  	_ =	strace s18  }
0x93: {  	s3 =	sld [smem:$0x3FFC];
	_ =	sdelay $0x3  }
0x94: {  	_ =	strace s3  }
0x95: {  	s3 =	sld [smem:$0x3FFD];
	_ =	sdelay $0x3  }
0x96: {  	_ =	strace s3  }
0x97: {  	_ =	strace $0x8FFFFFFF  }
0x98: {  	s19 =	sld [smem:$0x3FDB];
	_ =	sdelay $0x1  }
0x99: {  	s4 =	simm.s32 $_scs_section_size  }
0x9a: {  	s5 =	simm.s32 $_size__tile_overlayer_lowered;
	s6 =	simm.s32 $_tile_overlayer_lowered  }
0x9b: {  	s22 =	simm.s32 $0x1BFF;
	s21 =	sshll.u32 s6, $0x1;
	s3 =	sadd.s32 s4, s19  }
0x9c: {  	s7 =	simm.s32 $0x0;
	s20 =	sshll.u32 s5, $0x1;
	s5 =	sadd.s32 s21, s3  }
0x9d: {  	[timem:s7], [sflag:s22] =	dma.local [hbm:s5], s20  }
0x9e: {  	_ =	swait.ge [sflag:s22], s20  }
0x9f: {  	s4 =	ssub.s32 $0x0, s20;
	[sflag:s22] =	ssyncset.done $0x0  }
0xa0: {  	[sflag:s22] =	ssyncadd.s32 s4;
	_ =	sdelay $0x1  }
0xa1: {  	s23 =	simm.s32 $0x1B8B  }
0xa2: {  	_ =	swait.ge [sflag:s23], $0x1  }
0xa3: {  	[sflag:s23] =	ssyncset.done $0x0  }
0xa4: {  	s25 =	simm.s32 $0x1B8E;
	s24 =	sld [smem:$0x3FFE];
	[sflag:s23] =	ssyncadd.s32 $0xFFFFFFFF  }
0xa5: {  	s26 =	simm.s32 $execute0_lowered;
	[smem:$0x3FD2] =	sst s25  }
0xa6: {  	s5 =	sshll.u32 s26, $0x1;
	_ =	strace $0x80000046;
	[dreg:$0x1] =	wrdreg $0xFFFFFFFF  }
0xa7: {  	s28 =	simm.s32 $_size_execute0_lowered;
	s3 =	sadd.s32 s3, s5;
	[dreg:$0x0] =	wrdreg $0x0  }
0xa8: {  	s5 =	sshll.u32 s28, $0x1;
	[dreg:$0x2] =	wrdreg s3  }
0xa9: {  	[dreg:$0x3] =	wrdreg s5  }
0xaa: {  	[dreg:$0x4] =	wrdreg $0xC0  }
0xab: {  	_ =	task [dreg:s7], $0x5FFFF  }
0xac: {  	[dreg:$0x1] =	wrdreg $0xFFFFFFFF  }
0xad: {  	[dreg:$0x0] =	wrdreg $0x60  }
0xae: {  	[dreg:$0x2] =	wrdreg s2  }
0xaf: {  	[dreg:$0x3] =	wrdreg s24  }
0xb0: {  	[dreg:$0x4] =	wrdreg $0x0  }
0xb1: {  	[dreg:$0x5] =	wrdreg $0x9  }
0xb2: {  	_ =	task.clear_ibuf [dreg:s7], $0x6FFFF;
	_ =	strace $0x90000046  }
0xb3: {  	s29 =	simm.s32 $0x9;
	_ =	strace $0x80000048  }
0xb4: {  	_ =	swait.ge [sflag:s29], $0x1  }
0xb5: {  	[sflag:s29] =	ssyncadd.s32 $0xFFFFFFFF  }
0xb6: {  	_ =	strace $0x90000048  }
0xb7: {  	_ =	sfence  }
0xb8: {  	s30 =	sld [smem:$0x0];
	_ =	sdelay $0x2  }
0xb9: {  	s31 =	sshll.u32 s1, $0xD;
	s1 =	sshrl.u32 s1, $0x2  }
0xba: {  	s3 =	sand.u32 $0x4000, s31;
	s1 =	sadd.s32 s1, s30  }
0xbb: {  	s0 =	sor.u32 s3, s0;
	s1 =	sshll.u32 s1, $0x11  }
0xbc: {  	s0 =	sor.u32 s1, s0  }
0xbd: {  	s0 =	sadd.s32 $0x8F2B, s0  }
0xbe: {  	[sflag:s0] =	ssyncadd.remote.s32 $0x1  }
0xbf: {  	_ =	sfence.sel $0xFFFF  }
0xc0: {  	[dreg:$0x0] =	wrdreg $0xFFFFFFFF;
	(pc) =	sbr.abs _section_cstart, $3  }
0xc1: {  	[dreg:$0x1] =	wrdreg $0xFFFFFFFF  }
0xc2: {  	_ =	task.clear_ibuf [dreg:s7], $0x2FFFF;
	_ =	strace $0x9FFFFFFF  }
0xc3: {  	(tm) =	ssettm $0x7FFFFFFF  }
tec
execute0_lowered:
.L_overlay_start_1:
0x0: {  	(tag) =	ssettag $0x1  }
0x1: {  	s1 =	rddreg [dreg:$0x0]  }
0x2: {  	s5 =	rddreg [dreg:$0x1];
	s2 =	srdreg.scid  }
0x3: {  	s0 =	stileid.u32;
	s3 =	rddreg [dreg:$0x2];
	s4 =	simm.s32 $0x0  }
0x4: {  	s11 =	simm.s32 $0x580;
	s12 =	simm.s32 $0x80;
	s13 =	simm.s32 $0x500  }
0x5: {  	s14 =	simm.s32 $0x600;
	s15 =	simm.s32 $0x680;
	s16 =	simm.s32 $0x700  }
0x6: {  	s19 =	simm.s32 $0x20;
	s20 =	simm.s32 $0x10;
	s21 =	simm.s32 $0x0  }
0x7: {  	s6 =	sand.u32 $0x1, s2;
	s8 =	smul.u32 $0x500, s0;
	s2 =	rddreg [dreg:$0x3]  }
0x8: {  	[smem:$0x7FF] =	sst s4;
	s10 =	smul.u32 $0xA00, s0;
	s17 =	sshll.u32 s0, $0x6  }
0x9: {  	s7 =	sshll.u32 s6, $0x7;
	s9 =	ssub.s32 $0x2, s6;
	_ =	strace $0x80000047  }
0xa: {  	s31 =	smul.u32 $0x5000, s6;
	s17 =	sor.u32 $0x1C01, s17;
	s7 =	sor.u32 s7, s8  }
0xb: {  	s29 =	sshrl.u32 s9, $0x1;
	s30 =	sshrl.u32 s10, $0x2;
	s7 =	sshrl.u32 s7, $0x3  }
0xc: {  	s10 =	simm.s32 $0x1;
	s9 =	ssub.s32 s9, s29;
	s7 =	sadd.s32 s7, s5  }
0xd: {  	s8 =	sadd.s32 s8, s31;
	s5 =	sadd.s32 s30, s3;
	s6 =	sadd.s32 $0xCE00, s7  }
0xe: {  	v0 =	vimm.f32 $0.0e+00;
	v1 =	vimm.f32 $1.000000000e+00;
	s7 =	smax.u32 s9, $0x1;
	s9 =	simm.s32 $0x280;
	s18 =	sshrl.u32 s5, $0x3  }
.LBB2_1:
0xf: {  	[tilespmem:$0x280] =	vst v0  }
0x10: {  	[tilespmem:$0x290] =	vst v0  }
0x11: {  	[tilespmem:$0x2A0] =	vst v0  }
0x12: {  	[tilespmem:$0x2B0] =	vst v0  }
0x13: {  	[tilespmem:$0x2C0] =	vst v0  }
0x14: {  	[tilespmem:$0x2D0] =	vst v0  }
0x15: {  	[tilespmem:$0x2E0] =	vst v0  }
0x16: {  	[tilespmem:$0x2F0] =	vst v0  }
0x17: {  	[tilespmem:$0x300] =	vst v0  }
0x18: {  	[tilespmem:$0x310] =	vst v0  }
0x19: {  	[tilespmem:$0x320] =	vst v0  }
0x1a: {  	[tilespmem:$0x330] =	vst v0  }
0x1b: {  	[tilespmem:$0x340] =	vst v0  }
0x1c: {  	[tilespmem:$0x350] =	vst v0  }
0x1d: {  	[tilespmem:$0x360] =	vst v0  }
0x1e: {  	[tilespmem:$0x370] =	vst v0  }
0x1f: {  	[tilespmem:$0x380] =	vst v0  }
0x20: {  	[tilespmem:$0x390] =	vst v0  }
0x21: {  	[tilespmem:$0x3A0] =	vst v0  }
0x22: {  	[tilespmem:$0x3B0] =	vst v0  }
0x23: {  	[tilespmem:$0x3C0] =	vst v0  }
0x24: {  	[tilespmem:$0x3D0] =	vst v0  }
0x25: {  	[tilespmem:$0x3E0] =	vst v0  }
0x26: {  	[tilespmem:$0x3F0] =	vst v0  }
0x27: {  	[tilespmem:$0x400] =	vst v0  }
0x28: {  	[tilespmem:$0x410] =	vst v0  }
0x29: {  	[tilespmem:$0x420] =	vst v0  }
0x2a: {  	[tilespmem:$0x430] =	vst v0  }
0x2b: {  	[tilespmem:$0x440] =	vst v0  }
0x2c: {  	[tilespmem:$0x450] =	vst v0  }
0x2d: {  	[tilespmem:$0x460] =	vst v0  }
0x2e: {  	[tilespmem:$0x470] =	vst v0  }
0x2f: {  	[tilespmem:$0x480] =	vst v0  }
0x30: {  	[tilespmem:$0x490] =	vst v0  }
0x31: {  	[tilespmem:$0x4A0] =	vst v0  }
0x32: {  	[tilespmem:$0x4B0] =	vst v0  }
0x33: {  	[tilespmem:$0x4C0] =	vst v0  }
0x34: {  	[tilespmem:$0x4D0] =	vst v0  }
0x35: {  	[tilespmem:$0x4E0] =	vst v0  }
0x36: {  	[tilespmem:$0x4F0] =	vst v0  }
0x37: {  	[tilespmem:$0x500] =	vst v1  }
0x38: {  	[tilespmem:$0x510] =	vst v1  }
0x39: {  	[tilespmem:$0x520] =	vst v1  }
0x3a: {  	[tilespmem:$0x530] =	vst v1  }
0x3b: {  	[tilespmem:$0x540] =	vst v1  }
0x3c: {  	[tilespmem:$0x550] =	vst v1  }
0x3d: {  	[tilespmem:$0x560] =	vst v1  }
0x3e: {  	[tilespmem:$0x570] =	vst v1  }
0x3f: {  	[spmem:s5] =	stream.linear.scatter [tilespmem:s9], [sflag:$0x1], $0x280, $0x38;
	[tilespmem:$0x780] =	vst v63  }
0x40: {  	_ =	swait.ge [sflag:s10], $0x280  }
0x41: {  	s22 =	sadd.s32 $0x0, s8;
	s23 =	sand.u32 $0x40, s4;
	[sflag:s10] =	ssyncset.done $0x0  }
0x42: {  	s22 =	sand.u32 $0xFFFFF80, s22;
	s23 =	sadd.s32 s1, s23;
	[sflag:s10] =	ssyncadd.s32 $0xFFFFFD80  }
0x43: {  	s22 =	sadd.s32 s22, s23;
	[bflag:$0x0] =	sbarrier.arrive $0xFFFF  }
0x44: {  	[tilespmem:s11], [sflag:$0x1] =	stream.linear.gather [hbm4b:s22+s4], $0x200, $0x38;
	[tilespmem:$0x780] =	vst v63  }
0x45: {  	_ =	swait.ge [sflag:s10], $0x200  }
0x46: {  	[sflag:s10] =	ssyncset.done $0x0  }
0x47: {  	[sflag:s10] =	ssyncadd.s32 $0xFFFFFE00  }
0x48: {  	[spmem:s3] =	stream.indirect.scatter.add.f32 [tilespmem:s13], [sflag:$0x1], $0x1, s11, s12, $0xb8;
	[tilespmem:$0x780] =	vst v63  }
0x49: {  	_ =	swait.ge [sflag:s10], $0x80  }
0x4a: {  	[sflag:s10] =	ssyncset.done $0x0  }
0x4b: {  	[sflag:s10] =	ssyncadd.s32 $0xFFFFFF80  }
0x4c: {  	[spmem:s3] =	stream.indirect.scatter.add.f32 [tilespmem:s13], [sflag:$0x1], $0x1, s14, s12, $0xb8;
	[tilespmem:$0x780] =	vst v63  }
0x4d: {  	_ =	swait.ge [sflag:s10], $0x80  }
0x4e: {  	[sflag:s10] =	ssyncset.done $0x0  }
0x4f: {  	[sflag:s10] =	ssyncadd.s32 $0xFFFFFF80  }
0x50: {  	[spmem:s3] =	stream.indirect.scatter.add.f32 [tilespmem:s13], [sflag:$0x1], $0x1, s15, s12, $0xb8;
	[tilespmem:$0x780] =	vst v63  }
0x51: {  	_ =	swait.ge [sflag:s10], $0x80  }
0x52: {  	[sflag:s10] =	ssyncset.done $0x0  }
0x53: {  	s31 =	simm.s32 $0x40;
	s24 =	sadd.s32 $0x40, s8;
	[sflag:s10] =	ssyncadd.s32 $0xFFFFFF80  }
0x54: {  	[spmem:s3] =	stream.indirect.scatter.add.f32 [tilespmem:s13], [sflag:$0x1], $0x1, s16, s12, $0xb8;
	[tilespmem:$0x780] =	vst v63  }
0x55: {  	s25 =	sand.u32 $0x40, s31;
	s23 =	sand.u32 $0xFFFFF80, s24;
	_ =	swait.ge [sflag:s10], $0x80  }
0x56: {  	s24 =	sadd.s32 s1, s25;
	s22 =	simm.s32 $0x80;
	[sflag:s10] =	ssyncset.done $0x0  }
.LBB2_2:
0x57: {  	s23 =	sadd.s32 s23, s24  }
0x58: {  	[sflag:s10] =	ssyncadd.s32 $0xFFFFFF80;
	s24 =	smov.u32 s22;
	s25 =	sadd.s32 $0x40, s22  }
0x59: {  	[tilespmem:s11], [sflag:$0x1] =	stream.linear.gather [hbm4b:s23+s4], $0x200, $0x38;
	[tilespmem:$0x780] =	vst v63  }
0x5a: {  	p0 =	sne.s32 s22, $0x4C0;
	_ =	swait.ge [sflag:s10], $0x200  }
0x5b: {  	[sflag:s10] =	ssyncset.done $0x0  }
0x5c: {  	[sflag:s10] =	ssyncadd.s32 $0xFFFFFE00  }
0x5d: {  	[spmem:s3] =	stream.indirect.scatter.add.f32 [tilespmem:s13], [sflag:$0x1], $0x1, s11, s12, $0xb8;
	[tilespmem:$0x780] =	vst v63  }
0x5e: {  	_ =	swait.ge [sflag:s10], $0x80  }
0x5f: {  	[sflag:s10] =	ssyncset.done $0x0  }
0x60: {  	[sflag:s10] =	ssyncadd.s32 $0xFFFFFF80  }
0x61: {  	[spmem:s3] =	stream.indirect.scatter.add.f32 [tilespmem:s13], [sflag:$0x1], $0x1, s14, s12, $0xb8;
	[tilespmem:$0x780] =	vst v63  }
0x62: {  	_ =	swait.ge [sflag:s10], $0x80  }
0x63: {  	[sflag:s10] =	ssyncset.done $0x0  }
0x64: {  	[sflag:s10] =	ssyncadd.s32 $0xFFFFFF80  }
0x65: {  	[spmem:s3] =	stream.indirect.scatter.add.f32 [tilespmem:s13], [sflag:$0x1], $0x1, s15, s12, $0xb8;
	[tilespmem:$0x780] =	vst v63  }
0x66: {  	_ =	swait.ge [sflag:s10], $0x80  }
.Ltmp0:
0x67: {  	[sflag:s10] =	ssyncset.done $0x0;
	(pc) =	sbr.rel @p0 .LBB2_2-.Ltmp0, $4  }
0x68: {  	s22 =	sadd.s32 s24, s8;
	[sflag:s10] =	ssyncadd.s32 $0xFFFFFF80  }
0x69: {  	[spmem:s3] =	stream.indirect.scatter.add.f32 [tilespmem:s13], [sflag:$0x1], $0x1, s16, s12, $0xb8;
	[tilespmem:$0x780] =	vst v63  }
0x6a: {  	s24 =	sand.u32 $0x40, s24;
	s23 =	sand.u32 $0xFFFFF80, s22;
	_ =	swait.ge [sflag:s10], $0x80  }
0x6b: {  	s24 =	sadd.s32 s1, s24;
	s22 =	smov.u32 s25;
	[sflag:s10] =	ssyncset.done $0x0  }
0x6c: {  	s22 =	sadd.s32 s23, s24;
	[sflag:s10] =	ssyncadd.s32 $0xFFFFFF80  }
0x6d: {  	[tilespmem:s11], [sflag:$0x1] =	stream.linear.gather [hbm4b:s22+s4], $0x200, $0x38;
	[tilespmem:$0x780] =	vst v63  }
0x6e: {  	_ =	swait.ge [sflag:s10], $0x200  }
0x6f: {  	[sflag:s10] =	ssyncset.done $0x0  }
0x70: {  	[sflag:s10] =	ssyncadd.s32 $0xFFFFFE00  }
0x71: {  	[spmem:s3] =	stream.indirect.scatter.add.f32 [tilespmem:s13], [sflag:$0x1], $0x1, s11, s12, $0xb8;
	[tilespmem:$0x780] =	vst v63  }
0x72: {  	_ =	swait.ge [sflag:s10], $0x80  }
0x73: {  	[sflag:s10] =	ssyncset.done $0x0  }
0x74: {  	[sflag:s10] =	ssyncadd.s32 $0xFFFFFF80  }
0x75: {  	[spmem:s3] =	stream.indirect.scatter.add.f32 [tilespmem:s13], [sflag:$0x1], $0x1, s14, s12, $0xb8;
	[tilespmem:$0x780] =	vst v63  }
0x76: {  	_ =	swait.ge [sflag:s10], $0x80  }
0x77: {  	[sflag:s10] =	ssyncset.done $0x0  }
0x78: {  	[sflag:s10] =	ssyncadd.s32 $0xFFFFFF80  }
0x79: {  	[spmem:s3] =	stream.indirect.scatter.add.f32 [tilespmem:s13], [sflag:$0x1], $0x1, s15, s12, $0xb8;
	[tilespmem:$0x780] =	vst v63  }
0x7a: {  	_ =	swait.ge [sflag:s10], $0x80  }
0x7b: {  	[sflag:s10] =	ssyncset.done $0x0  }
0x7c: {  	[sflag:s10] =	ssyncadd.s32 $0xFFFFFF80  }
0x7d: {  	[spmem:s3] =	stream.indirect.scatter.add.f32 [tilespmem:s13], [sflag:$0x1], $0x1, s16, s12, $0xb8;
	[tilespmem:$0x780] =	vst v63  }
0x7e: {  	_ =	swait.ge [sflag:s10], $0x80  }
0x7f: {  	s21 =	sadd.s32 $0x1, s21;
	[sflag:s10] =	ssyncset.done $0x0  }
0x80: {  	p0 =	sne.s32 s21, s7;
	[sflag:s10] =	ssyncadd.s32 $0xFFFFFF80  }
.Ltmp1:
0x81: {  	[bflag:$0x0] =	sbarrier.arrive $0xFFFF;
	(pc) =	sbr.rel @p0 .LBB2_1-.Ltmp1, $4  }
0x82: {  	[hbm:s6@s19], [sflag:s17] =	dma.strided [spmem:s18@s20], $0x50, s10, $0x10   }
0x83: {  	_ =	swait.ge [sflag:s10], $0x50  }
0x84: {  	[sflag:s10] =	ssyncset.done $0x0  }
0x85: {  	[sflag:s10] =	ssyncadd.s32 $0xFFFFFFB0  }
0x86: {  	_ =	sfence.sel $0x180000  }
0x87: {  	[bflag:$0x0] =	sbarrier.arrive $0xFFFF  }
0x88: {  	p0 =	sne.s32 s0, $0x0;
	_ =	strace $0x90000047  }
0x89: {  	s0 =	sadd.s32 @!p0 $0x100000, s2;
	[bflag:$0x2] =	sbarrier.arrive $0xFFFF  }
0x8a: {  	[sflag:s0] =	ssyncadd.tile.s32 @!p0 $0x1;
	_ =	shalt  }
.Lfunc_end2:
_tile_overlayer_lowered:
.L_overlay_start_2:
0x8b: {  	(tag) =	ssettag $0x2  }
0x8c: {  	s0 =	rddreg [dreg:$0x0];
	s2 =	stileid.u32  }
0x8d: {  	s1 =	rddreg [dreg:$0x1];
	p0 =	sne.s32 s2, $0x0  }
0x8e: {  	s3 =	rddreg [dreg:$0x2];
	[bflag:$0x3] =	sbarrier.arrive $0xFFFF;
	s2 =	simm.s32 @!p0 $0x1C01  }
0x8f: {  	[timem:s3], [sflag:s2] =	dma.local @!p0 [hbm:s0], s1  }
0x90: {  	s0 =	simm.s32 @!p0 $0x1  }
0x91: {  	_ =	swait.ge @!p0 [sflag:s0], s1  }
0x92: {  	s1 =	ssub.s32 @!p0 $0x0, s1;
	[sflag:s0] =	ssyncset.done @!p0 $0x0  }
0x93: {  	[sflag:s0] =	ssyncadd.s32 @!p0 s1  }
0x94: {  	[bflag:$0x3] =	sbarrier.arrive $0xFFFF  }
0x95: {  	_ =	shalt  }

// kernel: kernel.13.cloned.1.call-start
scs
__scs_entry_jumppad:
0x0: {  	(pc) =	sbr.rel $0x88, $3  }
0x1: {  	(tag) =	ssettag $0x0;
	lr =	simm.s32 $0x1  }
0x2: {  	[smem:$0x3F93] =	sst lr;
	_ =	strace $0xD0000000  }
0x3: {  	_ = 	snop  }
0x4: {  	_ = 	snop  }
0x5: {  	_ = 	snop  }
0x6: {  	_ = 	snop  }
0x7: {  	_ = 	snop  }
__scs_overlays_trampoline_lowered:
0x8: {  	[smem:$0x3FA2] =	sst s0  }
0x9: {  	[smem:$0x3FA3] =	sst s1  }
0xa: {  	[smem:$0x3FA4] =	sst s2  }
0xb: {  	[smem:$0x3FA5] =	sst s3  }
0xc: {  	[smem:$0x3FA6] =	sst s4  }
0xd: {  	[smem:$0x3FA7] =	sst s5  }
0xe: {  	[smem:$0x3FA8] =	sst s6  }
0xf: {  	[smem:$0x3FA9] =	sst s7  }
0x10: {  	[smem:$0x3FAA] =	sst s8  }
0x11: {  	[smem:$0x3FAB] =	sst s9;
	s0 =	simm.s32 @!p0 $0x0  }
0x12: {  	s1 =	sld [smem:$0x3F91];
	s0 =	simm.s32 @p0 $0x1  }
0x13: {  	[smem:$0x3FAC] =	sst s0;
	s0 =	simm.s32 @!p1 $0x0  }
0x14: {  	s2 =	sld [smem:$0x3F90];
	s0 =	simm.s32 @p1 $0x1  }
0x15: {  	[smem:$0x3FAD] =	sst s0;
	s0 =	simm.s32 @!p2 $0x0  }
0x16: {  	s3 =	sld [smem:$0x3FDB];
	s0 =	simm.s32 @p2 $0x1  }
0x17: {  	s4 =	simm.s32 $0x1BF5;
	[smem:$0x3FAF] =	sst s0  }
0x18: {  	s0 =	sld [smem:$0x3F92];
	_ =	swait.ge [sflag:s4], $0x0  }
0x19: {  	s7 =	sld [smem:$0x3F93]  }
0x1a: {  	s8 =	sadd.s32 $0xFFFFE003, lr  }
0x1b: {  	s9 =	sadd.s32 $0xFFFFFEF7, lr;
	s5 =	simm.s32 $0xFFFFFFFF;
	p2 =	slt.u32 s8, $0xFFFFF086  }
0x1c: {  	p1 =	slt.u32 s9, $0xF7A;
	s5 =	simm.s32 @!p2 $0x0  }
0x1d: {  	s5 =	simm.s32 @p1 $0x1;
	p0 =	seq.s32 s7, s2  }
0x1e: {  	s7 =	smul.u32 @!p0 $0xF7A, s2;
	p2 =	seq.s32 @!p0 s5, $0x0  }
0x1f: {  	s9 =	smul.u32 $0xF7A, s1;
	s8 =	simm.s32 @!p0 $0x1BF5;
	p2 =	por !p2, p0  }
0x20: {  	[sflag:s8] =	ssyncset.s32 @!p0 $0xFFFFF086;
	s6 =	sadd.s32 @!p0 s3, s7;
	s7 =	simm.s32 @!p0 $0x108  }
0x21: {  	s3 =	sadd.s32 s3, s9;
	s6 =	sadd.s32 @!p0 $0x88, s6;
	s7 =	simm.s32 @p2 $0x1082  }
0x22: {  	[simem:s7], [sflag:s8] =	dma.local @!p0 [hbm:s6], $0xF7A  }
0x23: {  	s9 =	sor.u32 $0xD0000000, s2;
	s6 =	simm.s32 $0x108;
	_ =	swait.ge @!p0 [sflag:s8], $0x0  }
0x24: {  	s3 =	sadd.s32 $0x88, s3;
	s6 =	simm.s32 @!p1 $0x1082;
	[sflag:s4] =	ssyncset.s32 $0xFFFFF086  }
0x25: {  	[simem:s6], [sflag:s4] =	dma.local [hbm:s3], $0xF7A  }
0x26: {  	[smem:$0x3F93] =	sst s1;
	(tag) =	ssettag s2;
	_ =	strace s9  }
0x27: {  	s1 =	sld [smem:$0x3FA3]  }
0x28: {  	s2 =	sld [smem:$0x3FA4]  }
0x29: {  	s4 =	sld [smem:$0x3FA6]  }
0x2a: {  	p0 =	seq.s32 s5, $0x0;
	s5 =	sld [smem:$0x3FA7]  }
0x2b: {  	s6 =	sld [smem:$0x3FA8]  }
0x2c: {  	s7 =	sld [smem:$0x3FA9]  }
0x2d: {  	s3 =	simm.s32 $0x108;
	s8 =	sld [smem:$0x3FAA]  }
0x2e: {  	s3 =	simm.s32 @!p0 $0x1082;
	s9 =	sld [smem:$0x3FAB]  }
0x2f: {  	lr =	sadd.s32 s0, s3;
	s0 =	sld [smem:$0x3FA2]  }
0x30: {  	s3 =	sld [smem:$0x3FA5]  }
0x31: {  	[smem:$0x3FAE] =	sst s10  }
0x32: {  	s10 =	sld [smem:$0x3FAC];
	_ =	sdelay $0x3  }
0x33: {  	p0 =	seq.s32 s10, $0x1;
	s10 =	sld [smem:$0x3FAE];
	_ =	sdelay $0x3  }
0x34: {  	[smem:$0x3FAE] =	sst s10  }
0x35: {  	s10 =	sld [smem:$0x3FAD];
	_ =	sdelay $0x3  }
0x36: {  	p1 =	seq.s32 s10, $0x1;
	s10 =	sld [smem:$0x3FAE];
	_ =	sdelay $0x3  }
0x37: {  	[smem:$0x3FAE] =	sst s10  }
0x38: {  	s10 =	sld [smem:$0x3FAF]  }
0x39: {  	_ = 	snop;
	(pc) =	sbr.ind lr, $3  }
0x3a: {  	_ = 	snop  }
0x3b: {  	_ = 	snop  }
0x3c: {  	p2 =	seq.s32 s10, $0x1;
	s10 =	sld [smem:$0x3FAE]  }
0x3d: {  	_ =	shalt  }
0x3e: {  	_ =	shalt  }
0x3f: {  	_ =	shalt  }
0x40: {  	_ =	shalt  }
0x41: {  	_ =	shalt  }
0x42: {  	_ =	shalt  }
0x43: {  	_ =	shalt  }
0x44: {  	_ =	shalt  }
0x45: {  	_ =	shalt  }
0x46: {  	_ =	shalt  }
0x47: {  	_ =	shalt  }
0x48: {  	_ =	shalt  }
0x49: {  	_ =	shalt  }
0x4a: {  	_ =	shalt  }
0x4b: {  	_ =	shalt  }
0x4c: {  	_ =	shalt  }
0x4d: {  	_ =	shalt  }
0x4e: {  	_ =	shalt  }
0x4f: {  	_ =	shalt  }
0x50: {  	_ =	shalt  }
0x51: {  	_ =	shalt  }
0x52: {  	_ =	shalt  }
0x53: {  	_ =	shalt  }
0x54: {  	_ =	shalt  }
0x55: {  	_ =	shalt  }
0x56: {  	_ =	shalt  }
0x57: {  	_ =	shalt  }
0x58: {  	_ =	shalt  }
0x59: {  	_ =	shalt  }
0x5a: {  	_ =	shalt  }
0x5b: {  	_ =	shalt  }
0x5c: {  	_ =	shalt  }
0x5d: {  	_ =	shalt  }
0x5e: {  	_ =	shalt  }
0x5f: {  	_ =	shalt  }
0x60: {  	_ =	shalt  }
0x61: {  	_ =	shalt  }
0x62: {  	_ =	shalt  }
0x63: {  	_ =	shalt  }
0x64: {  	_ =	shalt  }
0x65: {  	_ =	shalt  }
0x66: {  	_ =	shalt  }
0x67: {  	_ =	shalt  }
0x68: {  	_ =	shalt  }
0x69: {  	_ =	shalt  }
0x6a: {  	_ =	shalt  }
0x6b: {  	_ =	shalt  }
0x6c: {  	_ =	shalt  }
0x6d: {  	_ =	shalt  }
0x6e: {  	_ =	shalt  }
0x6f: {  	_ =	shalt  }
0x70: {  	_ =	shalt  }
0x71: {  	_ =	shalt  }
0x72: {  	_ =	shalt  }
0x73: {  	_ =	shalt  }
0x74: {  	_ =	shalt  }
0x75: {  	_ =	shalt  }
0x76: {  	_ =	shalt  }
0x77: {  	_ =	shalt  }
0x78: {  	_ =	shalt  }
0x79: {  	_ =	shalt  }
0x7a: {  	_ =	shalt  }
0x7b: {  	_ =	shalt  }
0x7c: {  	_ =	shalt  }
0x7d: {  	_ =	shalt  }
0x7e: {  	_ =	shalt  }
0x7f: {  	_ =	shalt  }
0x80: {  	_ =	shalt  }
0x81: {  	_ =	shalt  }
0x82: {  	_ =	shalt  }
0x83: {  	_ =	shalt  }
0x84: {  	_ =	shalt  }
0x85: {  	_ =	shalt  }
0x86: {  	_ =	shalt  }
0x87: {  	_ =	shalt  }
.Lfunc_end0:
.L_simem_size_0:
called_computation.1_lowered:
.L_overlay_start_0:
0x88: {  	s2 =	sld [smem:$0x3FD9]  }
0x89: {  	s3 =	sld [smem:$0x3FFE];
	_ =	sdelay $0x1  }
0x8a: {  	s1 =	srdreg.scid  }
0x8b: {  	s0 =	sand.u32 $0x1, s1  }
0x8c: {  	s17 =	sshll.u32 s0, $0xA;
	s2 =	sadd.s32 s3, s2  }
0x8d: {  	s2 =	sadd.s32 s2, s17  }
0x8e: {  	[smem:$0x3FBA] =	sst s2  }
0x8f: {  	_ = 	snop  }
0x90: {  	s2 =	sld [smem:$0x3FD0];
	(tm) =	ssettm $0x1  }
0x91: {  	s18 =	sld [smem:$0x3FFB];
	_ =	sdelay $0x3  }
0x92: {  	_ =	strace s18  }
0x93: {  	s3 =	sld [smem:$0x3FFC];
	_ =	sdelay $0x3  }
0x94: {  	_ =	strace s3  }
0x95: {  	s3 =	sld [smem:$0x3FFD];
	_ =	sdelay $0x3  }
0x96: {  	_ =	strace s3  }
0x97: {  	_ =	strace $0x8FFFFFFF  }
0x98: {  	s19 =	sld [smem:$0x3FDB];
	_ =	sdelay $0x1  }
0x99: {  	s4 =	simm.s32 $_scs_section_size  }
0x9a: {  	s5 =	simm.s32 $_size__tile_overlayer_lowered;
	s6 =	simm.s32 $_tile_overlayer_lowered  }
0x9b: {  	s22 =	simm.s32 $0x1BFF;
	s21 =	sshll.u32 s6, $0x1;
	s3 =	sadd.s32 s4, s19  }
0x9c: {  	s7 =	simm.s32 $0x0;
	s20 =	sshll.u32 s5, $0x1;
	s5 =	sadd.s32 s21, s3  }
0x9d: {  	[timem:s7], [sflag:s22] =	dma.local [hbm:s5], s20  }
0x9e: {  	_ =	swait.ge [sflag:s22], s20  }
0x9f: {  	s4 =	ssub.s32 $0x0, s20;
	[sflag:s22] =	ssyncset.done $0x0  }
0xa0: {  	[sflag:s22] =	ssyncadd.s32 s4;
	_ =	sdelay $0x1  }
0xa1: {  	s23 =	simm.s32 $0x1B8B  }
0xa2: {  	_ =	swait.ge [sflag:s23], $0x1  }
0xa3: {  	[sflag:s23] =	ssyncset.done $0x0  }
0xa4: {  	s25 =	simm.s32 $0x1B8E;
	s24 =	sld [smem:$0x3FFE];
	[sflag:s23] =	ssyncadd.s32 $0xFFFFFFFF  }
0xa5: {  	s26 =	simm.s32 $execute0_lowered;
	[smem:$0x3FD2] =	sst s25  }
0xa6: {  	s5 =	sshll.u32 s26, $0x1;
	_ =	strace $0x80000049;
	[dreg:$0x1] =	wrdreg $0xFFFFFFFF  }
0xa7: {  	s28 =	simm.s32 $_size_execute0_lowered;
	s3 =	sadd.s32 s3, s5;
	[dreg:$0x0] =	wrdreg $0x0  }
0xa8: {  	s5 =	sshll.u32 s28, $0x1;
	[dreg:$0x2] =	wrdreg s3  }
0xa9: {  	[dreg:$0x3] =	wrdreg s5  }
0xaa: {  	[dreg:$0x4] =	wrdreg $0xC0  }
0xab: {  	_ =	task [dreg:s7], $0x5FFFF  }
0xac: {  	[dreg:$0x1] =	wrdreg $0xFFFFFFFF  }
0xad: {  	[dreg:$0x0] =	wrdreg $0x60  }
0xae: {  	[dreg:$0x2] =	wrdreg s2  }
0xaf: {  	[dreg:$0x3] =	wrdreg s24  }
0xb0: {  	[dreg:$0x4] =	wrdreg $0x0  }
0xb1: {  	[dreg:$0x5] =	wrdreg $0x9C400  }
0xb2: {  	[dreg:$0x6] =	wrdreg $0x9  }
0xb3: {  	_ =	task.clear_ibuf [dreg:s7], $0x7FFFF;
	_ =	strace $0x90000049  }
0xb4: {  	s29 =	simm.s32 $0x9;
	_ =	strace $0x8000004B  }
0xb5: {  	_ =	swait.ge [sflag:s29], $0x1  }
0xb6: {  	[sflag:s29] =	ssyncadd.s32 $0xFFFFFFFF  }
0xb7: {  	_ =	strace $0x9000004B  }
0xb8: {  	_ =	sfence  }
0xb9: {  	s30 =	sld [smem:$0x0];
	_ =	sdelay $0x2  }
0xba: {  	s31 =	sshll.u32 s1, $0xD;
	s1 =	sshrl.u32 s1, $0x2  }
0xbb: {  	s3 =	sand.u32 $0x4000, s31;
	s1 =	sadd.s32 s1, s30  }
0xbc: {  	s0 =	sor.u32 s3, s0;
	s1 =	sshll.u32 s1, $0x11  }
0xbd: {  	s0 =	sor.u32 s1, s0  }
0xbe: {  	s0 =	sadd.s32 $0x8F2B, s0  }
0xbf: {  	[sflag:s0] =	ssyncadd.remote.s32 $0x1  }
0xc0: {  	_ =	sfence.sel $0xFFFF  }
0xc1: {  	[dreg:$0x0] =	wrdreg $0xFFFFFFFF;
	(pc) =	sbr.abs _section_cstart, $3  }
0xc2: {  	[dreg:$0x1] =	wrdreg $0xFFFFFFFF  }
0xc3: {  	_ =	task.clear_ibuf [dreg:s7], $0x2FFFF;
	_ =	strace $0x9FFFFFFF  }
0xc4: {  	(tm) =	ssettm $0x7FFFFFFF  }
0xc5: {  	_ =	shalt  }
tec
execute0_lowered:
.L_overlay_start_1:
0x0: {  	(tag) =	ssettag $0x1  }
0x1: {  	s0 =	rddreg [dreg:$0x0]  }
0x2: {  	s1 =	rddreg [dreg:$0x1];
	s15 =	stileid.u32  }
0x3: {  	s2 =	rddreg [dreg:$0x2];
	s5 =	smul.u32 $0xA00, s15  }
0x4: {  	s4 =	srdreg.scid;
	s9 =	smul.u32 $0x9C40, s15  }
0x5: {  	s3 =	rddreg [dreg:$0x3];
	s12 =	smul.u32 $0x14000, s15  }
0x6: {  	s28 =	simm.s32 $0x1BE40;
	s29 =	simm.s32 $0x80;
	s13 =	smul.u32 $0x280, s15  }
0x7: {  	s30 =	simm.s32 $0x13C40;
	s6 =	sand.u32 $0x1, s4;
	s20 =	smul.u32 $0x28000, s15  }
0x8: {  	s31 =	simm.s32 $0x1BCC0;
	s4 =	simm.s32 $0x0;
	s7 =	smul.u32 $0x9C400, s6  }
0x9: {  	[smem:$0x7FF] =	sst s4;
	s8 =	ssub.s32 $0x2, s6;
	s14 =	sshll.u32 s6, $0x6  }
0xa: {  	_ =	strace $0x8000004A;
	s10 =	sadd.s32 s5, s1;
	s16 =	sshrl.u32 s8, $0x1  }
0xb: {  	s1 =	sadd.s32 $0x17800, s1;
	s5 =	sshll.u32 s15, $0x6;
	s19 =	sor.u32 s14, s12  }
0xc: {  	s21 =	sadd.s32 $0x80, s13;
	s23 =	sadd.s32 $0x100, s13;
	s26 =	sadd.s32 $0x180, s13  }
0xd: {  	s13 =	sadd.s32 $0x200, s13;
	s8 =	ssub.s32 s8, s16;
	s17 =	sadd.s32 s9, s7  }
0xe: {  	s7 =	sadd.s32 s9, s2;
	s18 =	sor.u32 $0x1C01, s5;
	s9 =	sadd.s32 s9, s3  }
0xf: {  	s22 =	sshll.u32 s21, $0x7;
	s16 =	sshll.u32 s23, $0x7;
	s24 =	sshll.u32 s21, $0x6  }
0x10: {  	s15 =	sshll.u32 s23, $0x6;
	s11 =	sshrl.u32 s17, $0x3;
	[dreg:$0x5] =	wrdreg s18  }
0x11: {  	s25 =	sor.u32 s14, s16;
	s18 =	sshll.u32 s26, $0x7;
	s17 =	sshll.u32 s13, $0x7  }
0x12: {  	s21 =	sadd.s32 s15, s3;
	s8 =	smax.u32 s8, $0x1;
	s15 =	sadd.s32 $0xD800, s10  }
0x13: {  	s7 =	sshrl.u32 s7, $0x3;
	s16 =	simm.s32 $0x8;
	s6 =	sadd.s32 s0, s11  }
0x14: {  	s0 =	sshrl.u32 s19, $0x3;
	s11 =	sshrl.u32 s20, $0x2;
	s12 =	sshrl.u32 s25, $0x3  }
0x15: {  	s19 =	sshll.u32 s26, $0x6;
	s20 =	sshll.u32 s13, $0x6;
	[dreg:$0xb] =	wrdreg s8  }
0x16: {  	[dreg:$0xc] =	wrdreg s7;
	s7 =	simm.s32 $0x17C40;
	s8 =	simm.s32 $0x1BDC0  }
0x17: {  	s13 =	simm.s32 $0x10;
	s0 =	sadd.s32 s1, s0;
	s11 =	sadd.s32 s11, s3  }
0x18: {  	s12 =	sadd.s32 s1, s12;
	[dreg:$0x6] =	wrdreg s0;
	s0 =	sor.u32 s14, s22  }
0x19: {  	[dreg:$0x8] =	wrdreg s12;
	s12 =	sor.u32 s14, s18;
	s14 =	sor.u32 s14, s17  }
0x1a: {  	s22 =	sshrl.u32 s9, $0x3;
	s18 =	simm.s32 $0x1;
	s23 =	sshrl.u32 s11, $0x3  }
0x1b: {  	s9 =	simm.s32 $0x19C40;
	s11 =	simm.s32 $0x1BF40;
	s17 =	simm.s32 $0x0  }
0x1c: {  	s0 =	sshrl.u32 s0, $0x3;
	s12 =	sshrl.u32 s12, $0x3;
	[dreg:$0xd] =	wrdreg s22  }
0x1d: {  	s14 =	sshrl.u32 s14, $0x3;
	[dreg:$0xe] =	wrdreg s23;
	s0 =	sadd.s32 s1, s0  }
0x1e: {  	s12 =	sadd.s32 s1, s12;
	s1 =	sadd.s32 s1, s14;
	[dreg:$0x7] =	wrdreg s0  }
0x1f: {  	s14 =	sadd.s32 $0x2E00, s10;
	s10 =	simm.s32 $0x1BEC0;
	[dreg:$0x9] =	wrdreg s12  }
0x20: {  	s0 =	sadd.s32 s24, s3;
	s12 =	sadd.s32 s19, s3;
	[dreg:$0xa] =	wrdreg s1  }
0x21: {  	s1 =	sadd.s32 s20, s3;
	s19 =	simm.s32 $0x2;
	s24 =	sshrl.u32 s21, $0x3  }
0x22: {  	s20 =	simm.s32 $0x1BC40;
	s0 =	sshrl.u32 s0, $0x3;
	[dreg:$0x10] =	wrdreg s24  }
0x23: {  	s25 =	sshrl.u32 s12, $0x3;
	s26 =	sshrl.u32 s1, $0x3;
	[dreg:$0xf] =	wrdreg s0  }
0x24: {  	s1 =	simm.s32 $0x15C40;
	s12 =	simm.s32 $0x1BFC0;
	[dreg:$0x11] =	wrdreg s25  }
0x25: {  	[dreg:$0x12] =	wrdreg s26;
	s26 =	simm.s32 $0x3;
	s0 =	simm.s32 $0x1BD40  }
.LBB2_1:
0x26: {  	s21 =	rddreg [dreg:$0x5]  }
0x27: {  	s22 =	rddreg [dreg:$0xc]  }
0x28: {  	[spmem:s22], [sflag:s21] =	dma.local [hbm:s6], $0x1388  }
0x29: {  	s23 =	sor.u32 $0x1C02, s5;
	s22 =	rddreg [dreg:$0xd]  }
0x2a: {  	[spmem:s22], [sflag:s23] =	dma.local [hbm:s6], $0x1388  }
0x2b: {  	_ =	swait.ge [sflag:s18], $0x1388  }
0x2c: {  	[sflag:s18] =	ssyncset.done $0x0  }
0x2d: {  	[sflag:s18] =	ssyncadd.s32 $0xFFFFEC78  }
0x2e: {  	_ =	swait.ge [sflag:s19], $0x1388  }
0x2f: {  	[sflag:s19] =	ssyncset.done $0x0  }
0x30: {  	[sflag:s19] =	ssyncadd.s32 $0xFFFFEC78  }
0x31: {  	s24 =	sadd.s32 $0x0, s15;
	[bflag:$0x0] =	sbarrier.arrive $0xFFFF  }
0x32: {  	[tilespmem:s20], [sflag:$0x3] =	stream.linear.gather [hbm4b:s24+s4], $0x200, $0x38;
	[tilespmem:$0x1C040] =	vst v63  }
0x33: {  	_ =	swait.ge [sflag:s26], $0x200  }
0x34: {  	[sflag:s26] =	ssyncset.done $0x0  }
0x35: {  	s25 =	sadd.s32 $0x0, s14;
	[sflag:s26] =	ssyncadd.s32 $0xFFFFFE00  }
0x36: {  	[tilespmem:s28], [sflag:$0x3] =	stream.linear.gather [hbm4b:s25+s4], $0x200, $0x38;
	[tilespmem:$0x1C040] =	vst v63  }
0x37: {  	_ =	swait.ge [sflag:s26], $0x200  }
0x38: {  	[sflag:s26] =	ssyncset.done $0x0  }
0x39: {  	[sflag:s26] =	ssyncadd.s32 $0xFFFFFE00  }
0x3a: {  	[tilespmem:s30], [sflag:$0x1] =	stream.indirect.gather [spmem:s2], $0x40, s20, s29, $0xb8;
	[tilespmem:$0x1C040] =	vst v63  }
0x3b: {  	_ = 	snop  }
0x3c: {  	[tilespmem:s1], [sflag:$0x1] =	stream.indirect.gather [spmem:s2], $0x40, s31, s29, $0xb8;
	[tilespmem:$0x1C040] =	vst v63  }
0x3d: {  	_ = 	snop  }
0x3e: {  	[tilespmem:s7], [sflag:$0x1] =	stream.indirect.gather [spmem:s2], $0x40, s0, s29, $0xb8;
	[tilespmem:$0x1C040] =	vst v63  }
0x3f: {  	_ = 	snop  }
0x40: {  	[tilespmem:s9], [sflag:$0x1] =	stream.indirect.gather [spmem:s2], $0x40, s8, s29, $0xb8;
	[tilespmem:$0x1C040] =	vst v63  }
0x41: {  	_ =	swait.ge [sflag:s18], $0x2000  }
0x42: {  	[sflag:s18] =	ssyncset.done $0x0  }
0x43: {  	[sflag:s18] =	ssyncadd.s32 $0xFFFFE000  }
0x44: {  	[spmem:s3] =	stream.indirect.scatter.add.f32 [tilespmem:s30], [sflag:$0x2], $0x40, s28, s29, $0xb8;
	[tilespmem:$0x1C040] =	vst v63  }
0x45: {  	_ =	swait.ge [sflag:s18], $0x2000  }
0x46: {  	[sflag:s18] =	ssyncset.done $0x0  }
0x47: {  	[sflag:s18] =	ssyncadd.s32 $0xFFFFE000  }
0x48: {  	[spmem:s3] =	stream.indirect.scatter.add.f32 [tilespmem:s1], [sflag:$0x2], $0x40, s10, s29, $0xb8;
	[tilespmem:$0x1C040] =	vst v63  }
0x49: {  	_ =	swait.ge [sflag:s18], $0x2000  }
0x4a: {  	[sflag:s18] =	ssyncset.done $0x0  }
0x4b: {  	[sflag:s18] =	ssyncadd.s32 $0xFFFFE000  }
0x4c: {  	[spmem:s3] =	stream.indirect.scatter.add.f32 [tilespmem:s7], [sflag:$0x2], $0x40, s11, s29, $0xb8;
	[tilespmem:$0x1C040] =	vst v63  }
0x4d: {  	_ =	swait.ge [sflag:s18], $0x2000  }
0x4e: {  	[sflag:s18] =	ssyncset.done $0x0  }
0x4f: {  	[sflag:s18] =	ssyncadd.s32 $0xFFFFE000  }
0x50: {  	[spmem:s3] =	stream.indirect.scatter.add.f32 [tilespmem:s9], [sflag:$0x2], $0x40, s12, s29, $0xb8;
	[tilespmem:$0x1C040] =	vst v63  }
0x51: {  	_ =	swait.ge [sflag:s19], $0x2000  }
0x52: {  	[sflag:s19] =	ssyncset.done $0x0  }
0x53: {  	[sflag:s19] =	ssyncadd.s32 $0xFFFFE000  }
0x54: {  	_ =	swait.ge [sflag:s19], $0x2000  }
0x55: {  	[sflag:s19] =	ssyncset.done $0x0  }
0x56: {  	[sflag:s19] =	ssyncadd.s32 $0xFFFFE000  }
0x57: {  	_ =	swait.ge [sflag:s19], $0x2000  }
0x58: {  	[sflag:s19] =	ssyncset.done $0x0  }
0x59: {  	[sflag:s19] =	ssyncadd.s32 $0xFFFFE000  }
0x5a: {  	_ =	swait.ge [sflag:s19], $0x2000  }
0x5b: {  	s21 =	simm.s32 $0x40;
	s22 =	simm.s32 $0x80;
	[sflag:s19] =	ssyncset.done $0x0  }
.LBB2_2:
0x5c: {  	s24 =	sadd.s32 s21, s15  }
0x5d: {  	[sflag:s19] =	ssyncadd.s32 $0xFFFFE000;
	s25 =	smov.u32 s22;
	s23 =	sadd.s32 $0x40, s22  }
0x5e: {  	[tilespmem:s20], [sflag:$0x3] =	stream.linear.gather [hbm4b:s24+s4], $0x200, $0x38;
	[tilespmem:$0x1C040] =	vst v63  }
0x5f: {  	p0 =	sne.s32 s22, $0x9C0;
	_ =	swait.ge [sflag:s26], $0x200  }
0x60: {  	[sflag:s26] =	ssyncset.done $0x0  }
0x61: {  	s22 =	sadd.s32 s21, s14;
	s21 =	smov.u32 s25;
	[sflag:s26] =	ssyncadd.s32 $0xFFFFFE00  }
0x62: {  	[tilespmem:s28], [sflag:$0x3] =	stream.linear.gather [hbm4b:s22+s4], $0x200, $0x38;
	[tilespmem:$0x1C040] =	vst v63  }
0x63: {  	_ =	swait.ge [sflag:s26], $0x200  }
0x64: {  	[sflag:s26] =	ssyncset.done $0x0  }
0x65: {  	[sflag:s26] =	ssyncadd.s32 $0xFFFFFE00  }
0x66: {  	[tilespmem:s30], [sflag:$0x1] =	stream.indirect.gather [spmem:s2], $0x40, s20, s29, $0xb8;
	[tilespmem:$0x1C040] =	vst v63  }
0x67: {  	_ = 	snop  }
0x68: {  	[tilespmem:s1], [sflag:$0x1] =	stream.indirect.gather [spmem:s2], $0x40, s31, s29, $0xb8;
	[tilespmem:$0x1C040] =	vst v63  }
0x69: {  	_ = 	snop  }
0x6a: {  	[tilespmem:s7], [sflag:$0x1] =	stream.indirect.gather [spmem:s2], $0x40, s0, s29, $0xb8;
	[tilespmem:$0x1C040] =	vst v63  }
0x6b: {  	_ = 	snop  }
0x6c: {  	[tilespmem:s9], [sflag:$0x1] =	stream.indirect.gather [spmem:s2], $0x40, s8, s29, $0xb8;
	[tilespmem:$0x1C040] =	vst v63  }
0x6d: {  	_ =	swait.ge [sflag:s18], $0x2000  }
0x6e: {  	[sflag:s18] =	ssyncset.done $0x0  }
0x6f: {  	[sflag:s18] =	ssyncadd.s32 $0xFFFFE000  }
0x70: {  	[spmem:s3] =	stream.indirect.scatter.add.f32 [tilespmem:s30], [sflag:$0x2], $0x40, s28, s29, $0xb8;
	[tilespmem:$0x1C040] =	vst v63  }
0x71: {  	_ =	swait.ge [sflag:s18], $0x2000  }
0x72: {  	[sflag:s18] =	ssyncset.done $0x0  }
0x73: {  	[sflag:s18] =	ssyncadd.s32 $0xFFFFE000  }
0x74: {  	[spmem:s3] =	stream.indirect.scatter.add.f32 [tilespmem:s1], [sflag:$0x2], $0x40, s10, s29, $0xb8;
	[tilespmem:$0x1C040] =	vst v63  }
0x75: {  	_ =	swait.ge [sflag:s18], $0x2000  }
0x76: {  	[sflag:s18] =	ssyncset.done $0x0  }
0x77: {  	[sflag:s18] =	ssyncadd.s32 $0xFFFFE000  }
0x78: {  	[spmem:s3] =	stream.indirect.scatter.add.f32 [tilespmem:s7], [sflag:$0x2], $0x40, s11, s29, $0xb8;
	[tilespmem:$0x1C040] =	vst v63  }
0x79: {  	_ =	swait.ge [sflag:s18], $0x2000  }
0x7a: {  	[sflag:s18] =	ssyncset.done $0x0  }
0x7b: {  	[sflag:s18] =	ssyncadd.s32 $0xFFFFE000  }
0x7c: {  	[spmem:s3] =	stream.indirect.scatter.add.f32 [tilespmem:s9], [sflag:$0x2], $0x40, s12, s29, $0xb8;
	[tilespmem:$0x1C040] =	vst v63  }
0x7d: {  	_ =	swait.ge [sflag:s19], $0x2000  }
0x7e: {  	[sflag:s19] =	ssyncset.done $0x0  }
0x7f: {  	[sflag:s19] =	ssyncadd.s32 $0xFFFFE000  }
0x80: {  	_ =	swait.ge [sflag:s19], $0x2000  }
0x81: {  	[sflag:s19] =	ssyncset.done $0x0  }
0x82: {  	[sflag:s19] =	ssyncadd.s32 $0xFFFFE000  }
.Ltmp0:
0x83: {  	_ =	swait.ge [sflag:s19], $0x2000;
	(pc) =	sbr.rel @p0 .LBB2_2-.Ltmp0, $4  }
0x84: {  	[sflag:s19] =	ssyncset.done $0x0  }
0x85: {  	[sflag:s19] =	ssyncadd.s32 $0xFFFFE000  }
0x86: {  	_ =	swait.ge [sflag:s19], $0x2000  }
0x87: {  	s22 =	smov.u32 s23;
	[sflag:s19] =	ssyncset.done $0x0  }
0x88: {  	s22 =	sadd.s32 s21, s15;
	[sflag:s19] =	ssyncadd.s32 $0xFFFFE000  }
0x89: {  	[tilespmem:s20], [sflag:$0x3] =	stream.linear.gather [hbm4b:s22+s4], $0x200, $0x38;
	[tilespmem:$0x1C040] =	vst v63  }
0x8a: {  	_ =	swait.ge [sflag:s26], $0x200  }
0x8b: {  	[sflag:s26] =	ssyncset.done $0x0  }
0x8c: {  	s24 =	sadd.s32 s21, s14;
	[sflag:s26] =	ssyncadd.s32 $0xFFFFFE00  }
0x8d: {  	[tilespmem:s28], [sflag:$0x3] =	stream.linear.gather [hbm4b:s24+s4], $0x200, $0x38;
	[tilespmem:$0x1C040] =	vst v63  }
0x8e: {  	_ =	swait.ge [sflag:s26], $0x200  }
0x8f: {  	[sflag:s26] =	ssyncset.done $0x0  }
0x90: {  	[sflag:s26] =	ssyncadd.s32 $0xFFFFFE00  }
0x91: {  	[tilespmem:s30], [sflag:$0x1] =	stream.indirect.gather [spmem:s2], $0x40, s20, s29, $0xb8;
	[tilespmem:$0x1C040] =	vst v63  }
0x92: {  	_ = 	snop  }
0x93: {  	[tilespmem:s1], [sflag:$0x1] =	stream.indirect.gather [spmem:s2], $0x40, s31, s29, $0xb8;
	[tilespmem:$0x1C040] =	vst v63  }
0x94: {  	_ = 	snop  }
0x95: {  	[tilespmem:s7], [sflag:$0x1] =	stream.indirect.gather [spmem:s2], $0x40, s0, s29, $0xb8;
	[tilespmem:$0x1C040] =	vst v63  }
0x96: {  	_ = 	snop  }
0x97: {  	[tilespmem:s9], [sflag:$0x1] =	stream.indirect.gather [spmem:s2], $0x40, s8, s29, $0xb8;
	[tilespmem:$0x1C040] =	vst v63  }
0x98: {  	_ =	swait.ge [sflag:s18], $0x2000  }
0x99: {  	[sflag:s18] =	ssyncset.done $0x0  }
0x9a: {  	[sflag:s18] =	ssyncadd.s32 $0xFFFFE000  }
0x9b: {  	[spmem:s3] =	stream.indirect.scatter.add.f32 [tilespmem:s30], [sflag:$0x2], $0x40, s28, s29, $0xb8;
	[tilespmem:$0x1C040] =	vst v63  }
0x9c: {  	_ =	swait.ge [sflag:s18], $0x2000  }
0x9d: {  	[sflag:s18] =	ssyncset.done $0x0  }
0x9e: {  	[sflag:s18] =	ssyncadd.s32 $0xFFFFE000  }
0x9f: {  	[spmem:s3] =	stream.indirect.scatter.add.f32 [tilespmem:s1], [sflag:$0x2], $0x40, s10, s29, $0xb8;
	[tilespmem:$0x1C040] =	vst v63  }
0xa0: {  	_ =	swait.ge [sflag:s18], $0x2000  }
0xa1: {  	[sflag:s18] =	ssyncset.done $0x0  }
0xa2: {  	[sflag:s18] =	ssyncadd.s32 $0xFFFFE000  }
0xa3: {  	[spmem:s3] =	stream.indirect.scatter.add.f32 [tilespmem:s7], [sflag:$0x2], $0x40, s11, s29, $0xb8;
	[tilespmem:$0x1C040] =	vst v63  }
0xa4: {  	_ =	swait.ge [sflag:s18], $0x2000  }
0xa5: {  	[sflag:s18] =	ssyncset.done $0x0  }
0xa6: {  	[sflag:s18] =	ssyncadd.s32 $0xFFFFE000  }
0xa7: {  	[spmem:s3] =	stream.indirect.scatter.add.f32 [tilespmem:s9], [sflag:$0x2], $0x40, s12, s29, $0xb8;
	[tilespmem:$0x1C040] =	vst v63  }
0xa8: {  	_ =	swait.ge [sflag:s19], $0x2000  }
0xa9: {  	[sflag:s19] =	ssyncset.done $0x0  }
0xaa: {  	[sflag:s19] =	ssyncadd.s32 $0xFFFFE000  }
0xab: {  	_ =	swait.ge [sflag:s19], $0x2000  }
0xac: {  	[sflag:s19] =	ssyncset.done $0x0  }
0xad: {  	[sflag:s19] =	ssyncadd.s32 $0xFFFFE000  }
0xae: {  	_ =	swait.ge [sflag:s19], $0x2000  }
0xaf: {  	[sflag:s19] =	ssyncset.done $0x0  }
0xb0: {  	[sflag:s19] =	ssyncadd.s32 $0xFFFFE000  }
0xb1: {  	_ =	swait.ge [sflag:s19], $0x2000  }
0xb2: {  	[sflag:s19] =	ssyncset.done $0x0  }
0xb3: {  	[sflag:s19] =	ssyncadd.s32 $0xFFFFE000  }
0xb4: {  	[bflag:$0x0] =	sbarrier.arrive $0xFFFF  }
0xb5: {  	s25 =	rddreg [dreg:$0x6]  }
0xb6: {  	s21 =	sor.u32 $0x1C03, s5;
	s23 =	rddreg [dreg:$0xe]  }
0xb7: {  	[hbm:s25@s13], [sflag:s21] =	dma.strided [spmem:s23@s16], $0x400, s18, $0x8   }
0xb8: {  	_ =	swait.ge [sflag:s26], $0x400  }
0xb9: {  	[sflag:s26] =	ssyncset.done $0x0;
	s24 =	rddreg [dreg:$0x7]  }
0xba: {  	s25 =	rddreg [dreg:$0xf];
	[sflag:s26] =	ssyncadd.s32 $0xFFFFFC00  }
0xbb: {  	[hbm:s24@s13], [sflag:s21] =	dma.strided [spmem:s25@s16], $0x400, s18, $0x8   }
0xbc: {  	_ =	swait.ge [sflag:s26], $0x400  }
0xbd: {  	[sflag:s26] =	ssyncset.done $0x0;
	s24 =	rddreg [dreg:$0x8]  }
0xbe: {  	s25 =	rddreg [dreg:$0x10];
	[sflag:s26] =	ssyncadd.s32 $0xFFFFFC00  }
0xbf: {  	[hbm:s24@s13], [sflag:s21] =	dma.strided [spmem:s25@s16], $0x400, s18, $0x8   }
0xc0: {  	_ =	swait.ge [sflag:s26], $0x400  }
0xc1: {  	[sflag:s26] =	ssyncset.done $0x0;
	s24 =	rddreg [dreg:$0x9]  }
0xc2: {  	s25 =	rddreg [dreg:$0x11];
	[sflag:s26] =	ssyncadd.s32 $0xFFFFFC00  }
0xc3: {  	[hbm:s24@s13], [sflag:s21] =	dma.strided [spmem:s25@s16], $0x400, s18, $0x8   }
0xc4: {  	_ =	swait.ge [sflag:s26], $0x400  }
0xc5: {  	[sflag:s26] =	ssyncset.done $0x0;
	s23 =	rddreg [dreg:$0xa]  }
0xc6: {  	s24 =	rddreg [dreg:$0x12];
	[sflag:s26] =	ssyncadd.s32 $0xFFFFFC00  }
0xc7: {  	[hbm:s23@s13], [sflag:s21] =	dma.strided [spmem:s24@s16], $0x400, s18, $0x8   }
0xc8: {  	_ =	swait.ge [sflag:s26], $0x400  }
0xc9: {  	s17 =	sadd.s32 $0x1, s17;
	s25 =	rddreg [dreg:$0xb]  }
0xca: {  	p0 =	sne.s32 s17, s25  }
.Ltmp1:
0xcb: {  	_ = 	snop;
	(pc) =	sbr.rel @p0 .LBB2_1-.Ltmp1, $3  }
0xcc: {  	_ =	sdelay $0x1  }
0xcd: {  	[sflag:s26] =	ssyncset.done $0x0  }
0xce: {  	[sflag:s26] =	ssyncadd.s32 $0xFFFFFC00  }
0xcf: {  	_ =	sfence.sel $0x180000  }
0xd0: {  	[bflag:$0x0] =	sbarrier.arrive $0xFFFF  }
0xd1: {  	_ =	strace $0x9000004A  }
0xd2: {  	s0 =	stileid.u32;
	[bflag:$0x2] =	sbarrier.arrive $0xFFFF  }
0xd3: {  	p0 =	sne.s32 s0, $0x0;
	s0 =	rddreg [dreg:$0x4]  }
0xd4: {  	s0 =	sadd.s32 @!p0 $0x100000, s0  }
0xd5: {  	[sflag:s0] =	ssyncadd.tile.s32 @!p0 $0x1;
	_ =	shalt  }
.Lfunc_end2:
_tile_overlayer_lowered:
.L_overlay_start_2:
0xd6: {  	(tag) =	ssettag $0x2  }
0xd7: {  	s0 =	rddreg [dreg:$0x0];
	s2 =	stileid.u32  }
0xd8: {  	s1 =	rddreg [dreg:$0x1];
	p0 =	sne.s32 s2, $0x0  }
0xd9: {  	s3 =	rddreg [dreg:$0x2];
	[bflag:$0x3] =	sbarrier.arrive $0xFFFF;
	s2 =	simm.s32 @!p0 $0x1C03  }
0xda: {  	[timem:s3], [sflag:s2] =	dma.local @!p0 [hbm:s0], s1  }
0xdb: {  	s0 =	simm.s32 @!p0 $0x3  }
0xdc: {  	_ =	swait.ge @!p0 [sflag:s0], s1  }
0xdd: {  	s1 =	ssub.s32 @!p0 $0x0, s1;
	[sflag:s0] =	ssyncset.done @!p0 $0x0  }
0xde: {  	[sflag:s0] =	ssyncadd.s32 @!p0 s1  }
0xdf: {  	[bflag:$0x3] =	sbarrier.arrive $0xFFFF  }
0xe0: {  	_ =	shalt  }

// kernel: kernel.16.cloned.1.call-start
scs
__scs_entry_jumppad:
0x0: {  	(pc) =	sbr.rel $0x88, $3  }
0x1: {  	(tag) =	ssettag $0x0;
	lr =	simm.s32 $0x1  }
0x2: {  	[smem:$0x3F93] =	sst lr;
	_ =	strace $0xD0000000  }
0x3: {  	_ = 	snop  }
0x4: {  	_ = 	snop  }
0x5: {  	_ = 	snop  }
0x6: {  	_ = 	snop  }
0x7: {  	_ = 	snop  }
__scs_overlays_trampoline_lowered:
0x8: {  	[smem:$0x3FA2] =	sst s0  }
0x9: {  	[smem:$0x3FA3] =	sst s1  }
0xa: {  	[smem:$0x3FA4] =	sst s2  }
0xb: {  	[smem:$0x3FA5] =	sst s3  }
0xc: {  	[smem:$0x3FA6] =	sst s4  }
0xd: {  	[smem:$0x3FA7] =	sst s5  }
0xe: {  	[smem:$0x3FA8] =	sst s6  }
0xf: {  	[smem:$0x3FA9] =	sst s7  }
0x10: {  	[smem:$0x3FAA] =	sst s8  }
0x11: {  	[smem:$0x3FAB] =	sst s9;
	s0 =	simm.s32 @!p0 $0x0  }
0x12: {  	s1 =	sld [smem:$0x3F91];
	s0 =	simm.s32 @p0 $0x1  }
0x13: {  	[smem:$0x3FAC] =	sst s0;
	s0 =	simm.s32 @!p1 $0x0  }
0x14: {  	s2 =	sld [smem:$0x3F90];
	s0 =	simm.s32 @p1 $0x1  }
0x15: {  	[smem:$0x3FAD] =	sst s0;
	s0 =	simm.s32 @!p2 $0x0  }
0x16: {  	s3 =	sld [smem:$0x3FDB];
	s0 =	simm.s32 @p2 $0x1  }
0x17: {  	s4 =	simm.s32 $0x1BF5;
	[smem:$0x3FAF] =	sst s0  }
0x18: {  	s0 =	sld [smem:$0x3F92];
	_ =	swait.ge [sflag:s4], $0x0  }
0x19: {  	s7 =	sld [smem:$0x3F93]  }
0x1a: {  	s8 =	sadd.s32 $0xFFFFE003, lr  }
0x1b: {  	s9 =	sadd.s32 $0xFFFFFEF7, lr;
	s5 =	simm.s32 $0xFFFFFFFF;
	p2 =	slt.u32 s8, $0xFFFFF086  }
0x1c: {  	p1 =	slt.u32 s9, $0xF7A;
	s5 =	simm.s32 @!p2 $0x0  }
0x1d: {  	s5 =	simm.s32 @p1 $0x1;
	p0 =	seq.s32 s7, s2  }
0x1e: {  	s7 =	smul.u32 @!p0 $0xF7A, s2;
	p2 =	seq.s32 @!p0 s5, $0x0  }
0x1f: {  	s9 =	smul.u32 $0xF7A, s1;
	s8 =	simm.s32 @!p0 $0x1BF5;
	p2 =	por !p2, p0  }
0x20: {  	[sflag:s8] =	ssyncset.s32 @!p0 $0xFFFFF086;
	s6 =	sadd.s32 @!p0 s3, s7;
	s7 =	simm.s32 @!p0 $0x108  }
0x21: {  	s3 =	sadd.s32 s3, s9;
	s6 =	sadd.s32 @!p0 $0x88, s6;
	s7 =	simm.s32 @p2 $0x1082  }
0x22: {  	[simem:s7], [sflag:s8] =	dma.local @!p0 [hbm:s6], $0xF7A  }
0x23: {  	s9 =	sor.u32 $0xD0000000, s2;
	s6 =	simm.s32 $0x108;
	_ =	swait.ge @!p0 [sflag:s8], $0x0  }
0x24: {  	s3 =	sadd.s32 $0x88, s3;
	s6 =	simm.s32 @!p1 $0x1082;
	[sflag:s4] =	ssyncset.s32 $0xFFFFF086  }
0x25: {  	[simem:s6], [sflag:s4] =	dma.local [hbm:s3], $0xF7A  }
0x26: {  	[smem:$0x3F93] =	sst s1;
	(tag) =	ssettag s2;
	_ =	strace s9  }
0x27: {  	s1 =	sld [smem:$0x3FA3]  }
0x28: {  	s2 =	sld [smem:$0x3FA4]  }
0x29: {  	s4 =	sld [smem:$0x3FA6]  }
0x2a: {  	p0 =	seq.s32 s5, $0x0;
	s5 =	sld [smem:$0x3FA7]  }
0x2b: {  	s6 =	sld [smem:$0x3FA8]  }
0x2c: {  	s7 =	sld [smem:$0x3FA9]  }
0x2d: {  	s3 =	simm.s32 $0x108;
	s8 =	sld [smem:$0x3FAA]  }
0x2e: {  	s3 =	simm.s32 @!p0 $0x1082;
	s9 =	sld [smem:$0x3FAB]  }
0x2f: {  	lr =	sadd.s32 s0, s3;
	s0 =	sld [smem:$0x3FA2]  }
0x30: {  	s3 =	sld [smem:$0x3FA5]  }
0x31: {  	[smem:$0x3FAE] =	sst s10  }
0x32: {  	s10 =	sld [smem:$0x3FAC];
	_ =	sdelay $0x3  }
0x33: {  	p0 =	seq.s32 s10, $0x1;
	s10 =	sld [smem:$0x3FAE];
	_ =	sdelay $0x3  }
0x34: {  	[smem:$0x3FAE] =	sst s10  }
0x35: {  	s10 =	sld [smem:$0x3FAD];
	_ =	sdelay $0x3  }
0x36: {  	p1 =	seq.s32 s10, $0x1;
	s10 =	sld [smem:$0x3FAE];
	_ =	sdelay $0x3  }
0x37: {  	[smem:$0x3FAE] =	sst s10  }
0x38: {  	s10 =	sld [smem:$0x3FAF]  }
0x39: {  	_ = 	snop;
	(pc) =	sbr.ind lr, $3  }
0x3a: {  	_ = 	snop  }
0x3b: {  	_ = 	snop  }
0x3c: {  	p2 =	seq.s32 s10, $0x1;
	s10 =	sld [smem:$0x3FAE]  }
0x3d: {  	_ =	shalt  }
0x3e: {  	_ =	shalt  }
0x3f: {  	_ =	shalt  }
0x40: {  	_ =	shalt  }
0x41: {  	_ =	shalt  }
0x42: {  	_ =	shalt  }
0x43: {  	_ =	shalt  }
0x44: {  	_ =	shalt  }
0x45: {  	_ =	shalt  }
0x46: {  	_ =	shalt  }
0x47: {  	_ =	shalt  }
0x48: {  	_ =	shalt  }
0x49: {  	_ =	shalt  }
0x4a: {  	_ =	shalt  }
0x4b: {  	_ =	shalt  }
0x4c: {  	_ =	shalt  }
0x4d: {  	_ =	shalt  }
0x4e: {  	_ =	shalt  }
0x4f: {  	_ =	shalt  }
0x50: {  	_ =	shalt  }
0x51: {  	_ =	shalt  }
0x52: {  	_ =	shalt  }
0x53: {  	_ =	shalt  }
0x54: {  	_ =	shalt  }
0x55: {  	_ =	shalt  }
0x56: {  	_ =	shalt  }
0x57: {  	_ =	shalt  }
0x58: {  	_ =	shalt  }
0x59: {  	_ =	shalt  }
0x5a: {  	_ =	shalt  }
0x5b: {  	_ =	shalt  }
0x5c: {  	_ =	shalt  }
0x5d: {  	_ =	shalt  }
0x5e: {  	_ =	shalt  }
0x5f: {  	_ =	shalt  }
0x60: {  	_ =	shalt  }
0x61: {  	_ =	shalt  }
0x62: {  	_ =	shalt  }
0x63: {  	_ =	shalt  }
0x64: {  	_ =	shalt  }
0x65: {  	_ =	shalt  }
0x66: {  	_ =	shalt  }
0x67: {  	_ =	shalt  }
0x68: {  	_ =	shalt  }
0x69: {  	_ =	shalt  }
0x6a: {  	_ =	shalt  }
0x6b: {  	_ =	shalt  }
0x6c: {  	_ =	shalt  }
0x6d: {  	_ =	shalt  }
0x6e: {  	_ =	shalt  }
0x6f: {  	_ =	shalt  }
0x70: {  	_ =	shalt  }
0x71: {  	_ =	shalt  }
0x72: {  	_ =	shalt  }
0x73: {  	_ =	shalt  }
0x74: {  	_ =	shalt  }
0x75: {  	_ =	shalt  }
0x76: {  	_ =	shalt  }
0x77: {  	_ =	shalt  }
0x78: {  	_ =	shalt  }
0x79: {  	_ =	shalt  }
0x7a: {  	_ =	shalt  }
0x7b: {  	_ =	shalt  }
0x7c: {  	_ =	shalt  }
0x7d: {  	_ =	shalt  }
0x7e: {  	_ =	shalt  }
0x7f: {  	_ =	shalt  }
0x80: {  	_ =	shalt  }
0x81: {  	_ =	shalt  }
0x82: {  	_ =	shalt  }
0x83: {  	_ =	shalt  }
0x84: {  	_ =	shalt  }
0x85: {  	_ =	shalt  }
0x86: {  	_ =	shalt  }
0x87: {  	_ =	shalt  }
.Lfunc_end0:
.L_simem_size_0:
called_computation.2_lowered:
.L_overlay_start_0:
0x88: {  	s2 =	sld [smem:$0x3FD9]  }
0x89: {  	s3 =	sld [smem:$0x3FFE];
	_ =	sdelay $0x1  }
0x8a: {  	s1 =	srdreg.scid  }
0x8b: {  	s0 =	sand.u32 $0x1, s1  }
0x8c: {  	s17 =	sshll.u32 s0, $0xA;
	s2 =	sadd.s32 s3, s2  }
0x8d: {  	s2 =	sadd.s32 s2, s17  }
0x8e: {  	[smem:$0x3FBA] =	sst s2  }
0x8f: {  	_ = 	snop  }
0x90: {  	s2 =	sld [smem:$0x3FD0];
	(tm) =	ssettm $0x1  }
0x91: {  	s18 =	sld [smem:$0x3FFB];
	_ =	sdelay $0x3  }
0x92: {  	_ =	strace s18  }
0x93: {  	s3 =	sld [smem:$0x3FFC];
	_ =	sdelay $0x3  }
0x94: {  	_ =	strace s3  }
0x95: {  	s3 =	sld [smem:$0x3FFD];
	_ =	sdelay $0x3  }
0x96: {  	_ =	strace s3  }
0x97: {  	_ =	strace $0x8FFFFFFF  }
0x98: {  	s19 =	sld [smem:$0x3FDB];
	_ =	sdelay $0x1  }
0x99: {  	s4 =	simm.s32 $_scs_section_size  }
0x9a: {  	s5 =	simm.s32 $_size__tile_overlayer_lowered;
	s6 =	simm.s32 $_tile_overlayer_lowered  }
0x9b: {  	s22 =	simm.s32 $0x1BFF;
	s21 =	sshll.u32 s6, $0x1;
	s3 =	sadd.s32 s4, s19  }
0x9c: {  	s7 =	simm.s32 $0x0;
	s20 =	sshll.u32 s5, $0x1;
	s5 =	sadd.s32 s21, s3  }
0x9d: {  	[timem:s7], [sflag:s22] =	dma.local [hbm:s5], s20  }
0x9e: {  	_ =	swait.ge [sflag:s22], s20  }
0x9f: {  	s4 =	ssub.s32 $0x0, s20;
	[sflag:s22] =	ssyncset.done $0x0  }
0xa0: {  	[sflag:s22] =	ssyncadd.s32 s4;
	_ =	sdelay $0x1  }
0xa1: {  	s23 =	simm.s32 $0x1B8B  }
0xa2: {  	_ =	swait.ge [sflag:s23], $0x1  }
0xa3: {  	[sflag:s23] =	ssyncset.done $0x0  }
0xa4: {  	s25 =	simm.s32 $0x1B8E;
	s24 =	sld [smem:$0x3FFE];
	[sflag:s23] =	ssyncadd.s32 $0xFFFFFFFF  }
0xa5: {  	s26 =	simm.s32 $execute0_lowered;
	[smem:$0x3FD2] =	sst s25  }
0xa6: {  	s5 =	sshll.u32 s26, $0x1;
	_ =	strace $0x8000004C;
	[dreg:$0x1] =	wrdreg $0xFFFFFFFF  }
0xa7: {  	s28 =	simm.s32 $_size_execute0_lowered;
	s3 =	sadd.s32 s3, s5;
	[dreg:$0x0] =	wrdreg $0x0  }
0xa8: {  	s5 =	sshll.u32 s28, $0x1;
	[dreg:$0x2] =	wrdreg s3  }
0xa9: {  	[dreg:$0x3] =	wrdreg s5  }
0xaa: {  	[dreg:$0x4] =	wrdreg $0xC0  }
0xab: {  	_ =	task [dreg:s7], $0x5FFFF  }
0xac: {  	[dreg:$0x1] =	wrdreg $0xFFFFFFFF  }
0xad: {  	[dreg:$0x0] =	wrdreg $0x60  }
0xae: {  	[dreg:$0x2] =	wrdreg s2  }
0xaf: {  	[dreg:$0x3] =	wrdreg s24  }
0xb0: {  	[dreg:$0x4] =	wrdreg $0x0  }
0xb1: {  	[dreg:$0x5] =	wrdreg $0x9C400  }
0xb2: {  	[dreg:$0x6] =	wrdreg $0x9  }
0xb3: {  	_ =	task.clear_ibuf [dreg:s7], $0x7FFFF;
	_ =	strace $0x9000004C  }
0xb4: {  	s29 =	simm.s32 $0x9;
	_ =	strace $0x8000004E  }
0xb5: {  	_ =	swait.ge [sflag:s29], $0x1  }
0xb6: {  	[sflag:s29] =	ssyncadd.s32 $0xFFFFFFFF  }
0xb7: {  	_ =	strace $0x9000004E  }
0xb8: {  	_ =	sfence  }
0xb9: {  	s30 =	sld [smem:$0x0];
	_ =	sdelay $0x2  }
0xba: {  	s31 =	sshll.u32 s1, $0xD;
	s1 =	sshrl.u32 s1, $0x2  }
0xbb: {  	s3 =	sand.u32 $0x4000, s31;
	s1 =	sadd.s32 s1, s30  }
0xbc: {  	s0 =	sor.u32 s3, s0;
	s1 =	sshll.u32 s1, $0x11  }
0xbd: {  	s0 =	sor.u32 s1, s0  }
0xbe: {  	s0 =	sadd.s32 $0x8F2B, s0  }
0xbf: {  	[sflag:s0] =	ssyncadd.remote.s32 $0x1  }
0xc0: {  	_ =	sfence.sel $0xFFFF  }
0xc1: {  	[dreg:$0x0] =	wrdreg $0xFFFFFFFF;
	(pc) =	sbr.abs _section_cstart, $3  }
0xc2: {  	[dreg:$0x1] =	wrdreg $0xFFFFFFFF  }
0xc3: {  	_ =	task.clear_ibuf [dreg:s7], $0x2FFFF;
	_ =	strace $0x9FFFFFFF  }
0xc4: {  	(tm) =	ssettm $0x7FFFFFFF  }
0xc5: {  	_ =	shalt  }
tec
execute0_lowered:
.L_overlay_start_1:
0x0: {  	(tag) =	ssettag $0x1  }
0x1: {  	s0 =	rddreg [dreg:$0x0]  }
0x2: {  	s1 =	rddreg [dreg:$0x1];
	s15 =	stileid.u32  }
0x3: {  	s2 =	rddreg [dreg:$0x2];
	s5 =	smul.u32 $0xA00, s15  }
0x4: {  	s4 =	srdreg.scid;
	s9 =	smul.u32 $0x9C40, s15  }
0x5: {  	s3 =	rddreg [dreg:$0x3];
	s12 =	smul.u32 $0x14000, s15  }
0x6: {  	s28 =	simm.s32 $0x1BE40;
	s29 =	simm.s32 $0x80;
	s13 =	smul.u32 $0x280, s15  }
0x7: {  	s30 =	simm.s32 $0x13C40;
	s6 =	sand.u32 $0x1, s4;
	s20 =	smul.u32 $0x28000, s15  }
0x8: {  	s31 =	simm.s32 $0x1BCC0;
	s4 =	simm.s32 $0x0;
	s7 =	smul.u32 $0x9C400, s6  }
0x9: {  	[smem:$0x7FF] =	sst s4;
	s8 =	ssub.s32 $0x2, s6;
	s14 =	sshll.u32 s6, $0x6  }
0xa: {  	_ =	strace $0x8000004D;
	s10 =	sadd.s32 s5, s1;
	s16 =	sshrl.u32 s8, $0x1  }
0xb: {  	s1 =	sadd.s32 $0x17800, s1;
	s5 =	sshll.u32 s15, $0x6;
	s19 =	sor.u32 s14, s12  }
0xc: {  	s21 =	sadd.s32 $0x80, s13;
	s23 =	sadd.s32 $0x100, s13;
	s26 =	sadd.s32 $0x180, s13  }
0xd: {  	s13 =	sadd.s32 $0x200, s13;
	s8 =	ssub.s32 s8, s16;
	s17 =	sadd.s32 s9, s7  }
0xe: {  	s7 =	sadd.s32 s9, s2;
	s18 =	sor.u32 $0x1C01, s5;
	s9 =	sadd.s32 s9, s3  }
0xf: {  	s22 =	sshll.u32 s21, $0x7;
	s16 =	sshll.u32 s23, $0x7;
	s24 =	sshll.u32 s21, $0x6  }
0x10: {  	s15 =	sshll.u32 s23, $0x6;
	s11 =	sshrl.u32 s17, $0x3;
	[dreg:$0x5] =	wrdreg s18  }
0x11: {  	s25 =	sor.u32 s14, s16;
	s18 =	sshll.u32 s26, $0x7;
	s17 =	sshll.u32 s13, $0x7  }
0x12: {  	s21 =	sadd.s32 s15, s3;
	s8 =	smax.u32 s8, $0x1;
	s15 =	sadd.s32 $0xD800, s10  }
0x13: {  	s7 =	sshrl.u32 s7, $0x3;
	s16 =	simm.s32 $0x8;
	s6 =	sadd.s32 s0, s11  }
0x14: {  	s0 =	sshrl.u32 s19, $0x3;
	s11 =	sshrl.u32 s20, $0x2;
	s12 =	sshrl.u32 s25, $0x3  }
0x15: {  	s19 =	sshll.u32 s26, $0x6;
	s20 =	sshll.u32 s13, $0x6;
	[dreg:$0xb] =	wrdreg s8  }
0x16: {  	[dreg:$0xc] =	wrdreg s7;
	s7 =	simm.s32 $0x17C40;
	s8 =	simm.s32 $0x1BDC0  }
0x17: {  	s13 =	simm.s32 $0x10;
	s0 =	sadd.s32 s1, s0;
	s11 =	sadd.s32 s11, s3  }
0x18: {  	s12 =	sadd.s32 s1, s12;
	[dreg:$0x6] =	wrdreg s0;
	s0 =	sor.u32 s14, s22  }
0x19: {  	[dreg:$0x8] =	wrdreg s12;
	s12 =	sor.u32 s14, s18;
	s14 =	sor.u32 s14, s17  }
0x1a: {  	s22 =	sshrl.u32 s9, $0x3;
	s18 =	simm.s32 $0x1;
	s23 =	sshrl.u32 s11, $0x3  }
0x1b: {  	s9 =	simm.s32 $0x19C40;
	s11 =	simm.s32 $0x1BF40;
	s17 =	simm.s32 $0x0  }
0x1c: {  	s0 =	sshrl.u32 s0, $0x3;
	s12 =	sshrl.u32 s12, $0x3;
	[dreg:$0xd] =	wrdreg s22  }
0x1d: {  	s14 =	sshrl.u32 s14, $0x3;
	[dreg:$0xe] =	wrdreg s23;
	s0 =	sadd.s32 s1, s0  }
0x1e: {  	s12 =	sadd.s32 s1, s12;
	s1 =	sadd.s32 s1, s14;
	[dreg:$0x7] =	wrdreg s0  }
0x1f: {  	s14 =	sadd.s32 $0x2E00, s10;
	s10 =	simm.s32 $0x1BEC0;
	[dreg:$0x9] =	wrdreg s12  }
0x20: {  	s0 =	sadd.s32 s24, s3;
	s12 =	sadd.s32 s19, s3;
	[dreg:$0xa] =	wrdreg s1  }
0x21: {  	s1 =	sadd.s32 s20, s3;
	s19 =	simm.s32 $0x2;
	s24 =	sshrl.u32 s21, $0x3  }
0x22: {  	s20 =	simm.s32 $0x1BC40;
	s0 =	sshrl.u32 s0, $0x3;
	[dreg:$0x10] =	wrdreg s24  }
0x23: {  	s25 =	sshrl.u32 s12, $0x3;
	s26 =	sshrl.u32 s1, $0x3;
	[dreg:$0xf] =	wrdreg s0  }
0x24: {  	s1 =	simm.s32 $0x15C40;
	s12 =	simm.s32 $0x1BFC0;
	[dreg:$0x11] =	wrdreg s25  }
0x25: {  	[dreg:$0x12] =	wrdreg s26;
	s26 =	simm.s32 $0x3;
	s0 =	simm.s32 $0x1BD40  }
.LBB2_1:
0x26: {  	s21 =	rddreg [dreg:$0x5]  }
0x27: {  	s22 =	rddreg [dreg:$0xc]  }
0x28: {  	[spmem:s22], [sflag:s21] =	dma.local [hbm:s6], $0x1388  }
0x29: {  	s23 =	sor.u32 $0x1C02, s5;
	s22 =	rddreg [dreg:$0xd]  }
0x2a: {  	[spmem:s22], [sflag:s23] =	dma.local [hbm:s6], $0x1388  }
0x2b: {  	_ =	swait.ge [sflag:s18], $0x1388  }
0x2c: {  	[sflag:s18] =	ssyncset.done $0x0  }
0x2d: {  	[sflag:s18] =	ssyncadd.s32 $0xFFFFEC78  }
0x2e: {  	_ =	swait.ge [sflag:s19], $0x1388  }
0x2f: {  	[sflag:s19] =	ssyncset.done $0x0  }
0x30: {  	[sflag:s19] =	ssyncadd.s32 $0xFFFFEC78  }
0x31: {  	s24 =	sadd.s32 $0x0, s15;
	[bflag:$0x0] =	sbarrier.arrive $0xFFFF  }
0x32: {  	[tilespmem:s20], [sflag:$0x3] =	stream.linear.gather [hbm4b:s24+s4], $0x200, $0x38;
	[tilespmem:$0x1C040] =	vst v63  }
0x33: {  	_ =	swait.ge [sflag:s26], $0x200  }
0x34: {  	[sflag:s26] =	ssyncset.done $0x0  }
0x35: {  	s25 =	sadd.s32 $0x0, s14;
	[sflag:s26] =	ssyncadd.s32 $0xFFFFFE00  }
0x36: {  	[tilespmem:s28], [sflag:$0x3] =	stream.linear.gather [hbm4b:s25+s4], $0x200, $0x38;
	[tilespmem:$0x1C040] =	vst v63  }
0x37: {  	_ =	swait.ge [sflag:s26], $0x200  }
0x38: {  	[sflag:s26] =	ssyncset.done $0x0  }
0x39: {  	[sflag:s26] =	ssyncadd.s32 $0xFFFFFE00  }
0x3a: {  	[tilespmem:s30], [sflag:$0x1] =	stream.indirect.gather [spmem:s2], $0x40, s20, s29, $0xb8;
	[tilespmem:$0x1C040] =	vst v63  }
0x3b: {  	_ = 	snop  }
0x3c: {  	[tilespmem:s1], [sflag:$0x1] =	stream.indirect.gather [spmem:s2], $0x40, s31, s29, $0xb8;
	[tilespmem:$0x1C040] =	vst v63  }
0x3d: {  	_ = 	snop  }
0x3e: {  	[tilespmem:s7], [sflag:$0x1] =	stream.indirect.gather [spmem:s2], $0x40, s0, s29, $0xb8;
	[tilespmem:$0x1C040] =	vst v63  }
0x3f: {  	_ = 	snop  }
0x40: {  	[tilespmem:s9], [sflag:$0x1] =	stream.indirect.gather [spmem:s2], $0x40, s8, s29, $0xb8;
	[tilespmem:$0x1C040] =	vst v63  }
0x41: {  	_ =	swait.ge [sflag:s18], $0x2000  }
0x42: {  	[sflag:s18] =	ssyncset.done $0x0  }
0x43: {  	[sflag:s18] =	ssyncadd.s32 $0xFFFFE000  }
0x44: {  	[spmem:s3] =	stream.indirect.scatter.add.f32 [tilespmem:s30], [sflag:$0x2], $0x40, s28, s29, $0xb8;
	[tilespmem:$0x1C040] =	vst v63  }
0x45: {  	_ =	swait.ge [sflag:s18], $0x2000  }
0x46: {  	[sflag:s18] =	ssyncset.done $0x0  }
0x47: {  	[sflag:s18] =	ssyncadd.s32 $0xFFFFE000  }
0x48: {  	[spmem:s3] =	stream.indirect.scatter.add.f32 [tilespmem:s1], [sflag:$0x2], $0x40, s10, s29, $0xb8;
	[tilespmem:$0x1C040] =	vst v63  }
0x49: {  	_ =	swait.ge [sflag:s18], $0x2000  }
0x4a: {  	[sflag:s18] =	ssyncset.done $0x0  }
0x4b: {  	[sflag:s18] =	ssyncadd.s32 $0xFFFFE000  }
0x4c: {  	[spmem:s3] =	stream.indirect.scatter.add.f32 [tilespmem:s7], [sflag:$0x2], $0x40, s11, s29, $0xb8;
	[tilespmem:$0x1C040] =	vst v63  }
0x4d: {  	_ =	swait.ge [sflag:s18], $0x2000  }
0x4e: {  	[sflag:s18] =	ssyncset.done $0x0  }
0x4f: {  	[sflag:s18] =	ssyncadd.s32 $0xFFFFE000  }
0x50: {  	[spmem:s3] =	stream.indirect.scatter.add.f32 [tilespmem:s9], [sflag:$0x2], $0x40, s12, s29, $0xb8;
	[tilespmem:$0x1C040] =	vst v63  }
0x51: {  	_ =	swait.ge [sflag:s19], $0x2000  }
0x52: {  	[sflag:s19] =	ssyncset.done $0x0  }
0x53: {  	[sflag:s19] =	ssyncadd.s32 $0xFFFFE000  }
0x54: {  	_ =	swait.ge [sflag:s19], $0x2000  }
0x55: {  	[sflag:s19] =	ssyncset.done $0x0  }
0x56: {  	[sflag:s19] =	ssyncadd.s32 $0xFFFFE000  }
0x57: {  	_ =	swait.ge [sflag:s19], $0x2000  }
0x58: {  	[sflag:s19] =	ssyncset.done $0x0  }
0x59: {  	[sflag:s19] =	ssyncadd.s32 $0xFFFFE000  }
0x5a: {  	_ =	swait.ge [sflag:s19], $0x2000  }
0x5b: {  	s21 =	simm.s32 $0x40;
	s22 =	simm.s32 $0x80;
	[sflag:s19] =	ssyncset.done $0x0  }
.LBB2_2:
0x5c: {  	s24 =	sadd.s32 s21, s15  }
0x5d: {  	[sflag:s19] =	ssyncadd.s32 $0xFFFFE000;
	s25 =	smov.u32 s22;
	s23 =	sadd.s32 $0x40, s22  }
0x5e: {  	[tilespmem:s20], [sflag:$0x3] =	stream.linear.gather [hbm4b:s24+s4], $0x200, $0x38;
	[tilespmem:$0x1C040] =	vst v63  }
0x5f: {  	p0 =	sne.s32 s22, $0x9C0;
	_ =	swait.ge [sflag:s26], $0x200  }
0x60: {  	[sflag:s26] =	ssyncset.done $0x0  }
0x61: {  	s22 =	sadd.s32 s21, s14;
	s21 =	smov.u32 s25;
	[sflag:s26] =	ssyncadd.s32 $0xFFFFFE00  }
0x62: {  	[tilespmem:s28], [sflag:$0x3] =	stream.linear.gather [hbm4b:s22+s4], $0x200, $0x38;
	[tilespmem:$0x1C040] =	vst v63  }
0x63: {  	_ =	swait.ge [sflag:s26], $0x200  }
0x64: {  	[sflag:s26] =	ssyncset.done $0x0  }
0x65: {  	[sflag:s26] =	ssyncadd.s32 $0xFFFFFE00  }
0x66: {  	[tilespmem:s30], [sflag:$0x1] =	stream.indirect.gather [spmem:s2], $0x40, s20, s29, $0xb8;
	[tilespmem:$0x1C040] =	vst v63  }
0x67: {  	_ = 	snop  }
0x68: {  	[tilespmem:s1], [sflag:$0x1] =	stream.indirect.gather [spmem:s2], $0x40, s31, s29, $0xb8;
	[tilespmem:$0x1C040] =	vst v63  }
0x69: {  	_ = 	snop  }
0x6a: {  	[tilespmem:s7], [sflag:$0x1] =	stream.indirect.gather [spmem:s2], $0x40, s0, s29, $0xb8;
	[tilespmem:$0x1C040] =	vst v63  }
0x6b: {  	_ = 	snop  }
0x6c: {  	[tilespmem:s9], [sflag:$0x1] =	stream.indirect.gather [spmem:s2], $0x40, s8, s29, $0xb8;
	[tilespmem:$0x1C040] =	vst v63  }
0x6d: {  	_ =	swait.ge [sflag:s18], $0x2000  }
0x6e: {  	[sflag:s18] =	ssyncset.done $0x0  }
0x6f: {  	[sflag:s18] =	ssyncadd.s32 $0xFFFFE000  }
0x70: {  	[spmem:s3] =	stream.indirect.scatter.add.f32 [tilespmem:s30], [sflag:$0x2], $0x40, s28, s29, $0xb8;
	[tilespmem:$0x1C040] =	vst v63  }
0x71: {  	_ =	swait.ge [sflag:s18], $0x2000  }
0x72: {  	[sflag:s18] =	ssyncset.done $0x0  }
0x73: {  	[sflag:s18] =	ssyncadd.s32 $0xFFFFE000  }
0x74: {  	[spmem:s3] =	stream.indirect.scatter.add.f32 [tilespmem:s1], [sflag:$0x2], $0x40, s10, s29, $0xb8;
	[tilespmem:$0x1C040] =	vst v63  }
0x75: {  	_ =	swait.ge [sflag:s18], $0x2000  }
0x76: {  	[sflag:s18] =	ssyncset.done $0x0  }
0x77: {  	[sflag:s18] =	ssyncadd.s32 $0xFFFFE000  }
0x78: {  	[spmem:s3] =	stream.indirect.scatter.add.f32 [tilespmem:s7], [sflag:$0x2], $0x40, s11, s29, $0xb8;
	[tilespmem:$0x1C040] =	vst v63  }
0x79: {  	_ =	swait.ge [sflag:s18], $0x2000  }
0x7a: {  	[sflag:s18] =	ssyncset.done $0x0  }
0x7b: {  	[sflag:s18] =	ssyncadd.s32 $0xFFFFE000  }
0x7c: {  	[spmem:s3] =	stream.indirect.scatter.add.f32 [tilespmem:s9], [sflag:$0x2], $0x40, s12, s29, $0xb8;
	[tilespmem:$0x1C040] =	vst v63  }
0x7d: {  	_ =	swait.ge [sflag:s19], $0x2000  }
0x7e: {  	[sflag:s19] =	ssyncset.done $0x0  }
0x7f: {  	[sflag:s19] =	ssyncadd.s32 $0xFFFFE000  }
0x80: {  	_ =	swait.ge [sflag:s19], $0x2000  }
0x81: {  	[sflag:s19] =	ssyncset.done $0x0  }
0x82: {  	[sflag:s19] =	ssyncadd.s32 $0xFFFFE000  }
.Ltmp0:
0x83: {  	_ =	swait.ge [sflag:s19], $0x2000;
	(pc) =	sbr.rel @p0 .LBB2_2-.Ltmp0, $4  }
0x84: {  	[sflag:s19] =	ssyncset.done $0x0  }
0x85: {  	[sflag:s19] =	ssyncadd.s32 $0xFFFFE000  }
0x86: {  	_ =	swait.ge [sflag:s19], $0x2000  }
0x87: {  	s22 =	smov.u32 s23;
	[sflag:s19] =	ssyncset.done $0x0  }
0x88: {  	s22 =	sadd.s32 s21, s15;
	[sflag:s19] =	ssyncadd.s32 $0xFFFFE000  }
0x89: {  	[tilespmem:s20], [sflag:$0x3] =	stream.linear.gather [hbm4b:s22+s4], $0x200, $0x38;
	[tilespmem:$0x1C040] =	vst v63  }
0x8a: {  	_ =	swait.ge [sflag:s26], $0x200  }
0x8b: {  	[sflag:s26] =	ssyncset.done $0x0  }
0x8c: {  	s24 =	sadd.s32 s21, s14;
	[sflag:s26] =	ssyncadd.s32 $0xFFFFFE00  }
0x8d: {  	[tilespmem:s28], [sflag:$0x3] =	stream.linear.gather [hbm4b:s24+s4], $0x200, $0x38;
	[tilespmem:$0x1C040] =	vst v63  }
0x8e: {  	_ =	swait.ge [sflag:s26], $0x200  }
0x8f: {  	[sflag:s26] =	ssyncset.done $0x0  }
0x90: {  	[sflag:s26] =	ssyncadd.s32 $0xFFFFFE00  }
0x91: {  	[tilespmem:s30], [sflag:$0x1] =	stream.indirect.gather [spmem:s2], $0x40, s20, s29, $0xb8;
	[tilespmem:$0x1C040] =	vst v63  }
0x92: {  	_ = 	snop  }
0x93: {  	[tilespmem:s1], [sflag:$0x1] =	stream.indirect.gather [spmem:s2], $0x40, s31, s29, $0xb8;
	[tilespmem:$0x1C040] =	vst v63  }
0x94: {  	_ = 	snop  }
0x95: {  	[tilespmem:s7], [sflag:$0x1] =	stream.indirect.gather [spmem:s2], $0x40, s0, s29, $0xb8;
	[tilespmem:$0x1C040] =	vst v63  }
0x96: {  	_ = 	snop  }
0x97: {  	[tilespmem:s9], [sflag:$0x1] =	stream.indirect.gather [spmem:s2], $0x40, s8, s29, $0xb8;
	[tilespmem:$0x1C040] =	vst v63  }
0x98: {  	_ =	swait.ge [sflag:s18], $0x2000  }
0x99: {  	[sflag:s18] =	ssyncset.done $0x0  }
0x9a: {  	[sflag:s18] =	ssyncadd.s32 $0xFFFFE000  }
0x9b: {  	[spmem:s3] =	stream.indirect.scatter.add.f32 [tilespmem:s30], [sflag:$0x2], $0x40, s28, s29, $0xb8;
	[tilespmem:$0x1C040] =	vst v63  }
0x9c: {  	_ =	swait.ge [sflag:s18], $0x2000  }
0x9d: {  	[sflag:s18] =	ssyncset.done $0x0  }
0x9e: {  	[sflag:s18] =	ssyncadd.s32 $0xFFFFE000  }
0x9f: {  	[spmem:s3] =	stream.indirect.scatter.add.f32 [tilespmem:s1], [sflag:$0x2], $0x40, s10, s29, $0xb8;
	[tilespmem:$0x1C040] =	vst v63  }
0xa0: {  	_ =	swait.ge [sflag:s18], $0x2000  }
0xa1: {  	[sflag:s18] =	ssyncset.done $0x0  }
0xa2: {  	[sflag:s18] =	ssyncadd.s32 $0xFFFFE000  }
0xa3: {  	[spmem:s3] =	stream.indirect.scatter.add.f32 [tilespmem:s7], [sflag:$0x2], $0x40, s11, s29, $0xb8;
	[tilespmem:$0x1C040] =	vst v63  }
0xa4: {  	_ =	swait.ge [sflag:s18], $0x2000  }
0xa5: {  	[sflag:s18] =	ssyncset.done $0x0  }
0xa6: {  	[sflag:s18] =	ssyncadd.s32 $0xFFFFE000  }
0xa7: {  	[spmem:s3] =	stream.indirect.scatter.add.f32 [tilespmem:s9], [sflag:$0x2], $0x40, s12, s29, $0xb8;
	[tilespmem:$0x1C040] =	vst v63  }
0xa8: {  	_ =	swait.ge [sflag:s19], $0x2000  }
0xa9: {  	[sflag:s19] =	ssyncset.done $0x0  }
0xaa: {  	[sflag:s19] =	ssyncadd.s32 $0xFFFFE000  }
0xab: {  	_ =	swait.ge [sflag:s19], $0x2000  }
0xac: {  	[sflag:s19] =	ssyncset.done $0x0  }
0xad: {  	[sflag:s19] =	ssyncadd.s32 $0xFFFFE000  }
0xae: {  	_ =	swait.ge [sflag:s19], $0x2000  }
0xaf: {  	[sflag:s19] =	ssyncset.done $0x0  }
0xb0: {  	[sflag:s19] =	ssyncadd.s32 $0xFFFFE000  }
0xb1: {  	_ =	swait.ge [sflag:s19], $0x2000  }
0xb2: {  	[sflag:s19] =	ssyncset.done $0x0  }
0xb3: {  	[sflag:s19] =	ssyncadd.s32 $0xFFFFE000  }
0xb4: {  	[bflag:$0x0] =	sbarrier.arrive $0xFFFF  }
0xb5: {  	s25 =	rddreg [dreg:$0x6]  }
0xb6: {  	s21 =	sor.u32 $0x1C03, s5;
	s23 =	rddreg [dreg:$0xe]  }
0xb7: {  	[hbm:s25@s13], [sflag:s21] =	dma.strided [spmem:s23@s16], $0x400, s18, $0x8   }
0xb8: {  	_ =	swait.ge [sflag:s26], $0x400  }
0xb9: {  	[sflag:s26] =	ssyncset.done $0x0;
	s24 =	rddreg [dreg:$0x7]  }
0xba: {  	s25 =	rddreg [dreg:$0xf];
	[sflag:s26] =	ssyncadd.s32 $0xFFFFFC00  }
0xbb: {  	[hbm:s24@s13], [sflag:s21] =	dma.strided [spmem:s25@s16], $0x400, s18, $0x8   }
0xbc: {  	_ =	swait.ge [sflag:s26], $0x400  }
0xbd: {  	[sflag:s26] =	ssyncset.done $0x0;
	s24 =	rddreg [dreg:$0x8]  }
0xbe: {  	s25 =	rddreg [dreg:$0x10];
	[sflag:s26] =	ssyncadd.s32 $0xFFFFFC00  }
0xbf: {  	[hbm:s24@s13], [sflag:s21] =	dma.strided [spmem:s25@s16], $0x400, s18, $0x8   }
0xc0: {  	_ =	swait.ge [sflag:s26], $0x400  }
0xc1: {  	[sflag:s26] =	ssyncset.done $0x0;
	s24 =	rddreg [dreg:$0x9]  }
0xc2: {  	s25 =	rddreg [dreg:$0x11];
	[sflag:s26] =	ssyncadd.s32 $0xFFFFFC00  }
0xc3: {  	[hbm:s24@s13], [sflag:s21] =	dma.strided [spmem:s25@s16], $0x400, s18, $0x8   }
0xc4: {  	_ =	swait.ge [sflag:s26], $0x400  }
0xc5: {  	[sflag:s26] =	ssyncset.done $0x0;
	s23 =	rddreg [dreg:$0xa]  }
0xc6: {  	s24 =	rddreg [dreg:$0x12];
	[sflag:s26] =	ssyncadd.s32 $0xFFFFFC00  }
0xc7: {  	[hbm:s23@s13], [sflag:s21] =	dma.strided [spmem:s24@s16], $0x400, s18, $0x8   }
0xc8: {  	_ =	swait.ge [sflag:s26], $0x400  }
0xc9: {  	s17 =	sadd.s32 $0x1, s17;
	s25 =	rddreg [dreg:$0xb]  }
0xca: {  	p0 =	sne.s32 s17, s25  }
.Ltmp1:
0xcb: {  	_ = 	snop;
	(pc) =	sbr.rel @p0 .LBB2_1-.Ltmp1, $3  }
0xcc: {  	_ =	sdelay $0x1  }
0xcd: {  	[sflag:s26] =	ssyncset.done $0x0  }
0xce: {  	[sflag:s26] =	ssyncadd.s32 $0xFFFFFC00  }
0xcf: {  	_ =	sfence.sel $0x180000  }
0xd0: {  	[bflag:$0x0] =	sbarrier.arrive $0xFFFF  }
0xd1: {  	_ =	strace $0x9000004D  }
0xd2: {  	s0 =	stileid.u32;
	[bflag:$0x2] =	sbarrier.arrive $0xFFFF  }
0xd3: {  	p0 =	sne.s32 s0, $0x0;
	s0 =	rddreg [dreg:$0x4]  }
0xd4: {  	s0 =	sadd.s32 @!p0 $0x100000, s0  }
0xd5: {  	[sflag:s0] =	ssyncadd.tile.s32 @!p0 $0x1;
	_ =	shalt  }
.Lfunc_end2:
_tile_overlayer_lowered:
.L_overlay_start_2:
0xd6: {  	(tag) =	ssettag $0x2  }
0xd7: {  	s0 =	rddreg [dreg:$0x0];
	s2 =	stileid.u32  }
0xd8: {  	s1 =	rddreg [dreg:$0x1];
	p0 =	sne.s32 s2, $0x0  }
0xd9: {  	s3 =	rddreg [dreg:$0x2];
	[bflag:$0x3] =	sbarrier.arrive $0xFFFF;
	s2 =	simm.s32 @!p0 $0x1C03  }
0xda: {  	[timem:s3], [sflag:s2] =	dma.local @!p0 [hbm:s0], s1  }
0xdb: {  	s0 =	simm.s32 @!p0 $0x3  }
0xdc: {  	_ =	swait.ge @!p0 [sflag:s0], s1  }
0xdd: {  	s1 =	ssub.s32 @!p0 $0x0, s1;
	[sflag:s0] =	ssyncset.done @!p0 $0x0  }
0xde: {  	[sflag:s0] =	ssyncadd.s32 @!p0 s1  }
0xdf: {  	[bflag:$0x3] =	sbarrier.arrive $0xFFFF  }
0xe0: {  	_ =	shalt  }

// kernel: kernel.19.cloned.1.call-start
scs
__scs_entry_jumppad:
0x0: {  	(pc) =	sbr.rel $0x88, $3  }
0x1: {  	(tag) =	ssettag $0x0;
	lr =	simm.s32 $0x1  }
0x2: {  	[smem:$0x3F93] =	sst lr;
	_ =	strace $0xD0000000  }
0x3: {  	_ = 	snop  }
0x4: {  	_ = 	snop  }
0x5: {  	_ = 	snop  }
0x6: {  	_ = 	snop  }
0x7: {  	_ = 	snop  }
__scs_overlays_trampoline_lowered:
0x8: {  	[smem:$0x3FA2] =	sst s0  }
0x9: {  	[smem:$0x3FA3] =	sst s1  }
0xa: {  	[smem:$0x3FA4] =	sst s2  }
0xb: {  	[smem:$0x3FA5] =	sst s3  }
0xc: {  	[smem:$0x3FA6] =	sst s4  }
0xd: {  	[smem:$0x3FA7] =	sst s5  }
0xe: {  	[smem:$0x3FA8] =	sst s6  }
0xf: {  	[smem:$0x3FA9] =	sst s7  }
0x10: {  	[smem:$0x3FAA] =	sst s8  }
0x11: {  	[smem:$0x3FAB] =	sst s9;
	s0 =	simm.s32 @!p0 $0x0  }
0x12: {  	s1 =	sld [smem:$0x3F91];
	s0 =	simm.s32 @p0 $0x1  }
0x13: {  	[smem:$0x3FAC] =	sst s0;
	s0 =	simm.s32 @!p1 $0x0  }
0x14: {  	s2 =	sld [smem:$0x3F90];
	s0 =	simm.s32 @p1 $0x1  }
0x15: {  	[smem:$0x3FAD] =	sst s0;
	s0 =	simm.s32 @!p2 $0x0  }
0x16: {  	s3 =	sld [smem:$0x3FDB];
	s0 =	simm.s32 @p2 $0x1  }
0x17: {  	s4 =	simm.s32 $0x1BF5;
	[smem:$0x3FAF] =	sst s0  }
0x18: {  	s0 =	sld [smem:$0x3F92];
	_ =	swait.ge [sflag:s4], $0x0  }
0x19: {  	s7 =	sld [smem:$0x3F93]  }
0x1a: {  	s8 =	sadd.s32 $0xFFFFE003, lr  }
0x1b: {  	s9 =	sadd.s32 $0xFFFFFEF7, lr;
	s5 =	simm.s32 $0xFFFFFFFF;
	p2 =	slt.u32 s8, $0xFFFFF086  }
0x1c: {  	p1 =	slt.u32 s9, $0xF7A;
	s5 =	simm.s32 @!p2 $0x0  }
0x1d: {  	s5 =	simm.s32 @p1 $0x1;
	p0 =	seq.s32 s7, s2  }
0x1e: {  	s7 =	smul.u32 @!p0 $0xF7A, s2;
	p2 =	seq.s32 @!p0 s5, $0x0  }
0x1f: {  	s9 =	smul.u32 $0xF7A, s1;
	s8 =	simm.s32 @!p0 $0x1BF5;
	p2 =	por !p2, p0  }
0x20: {  	[sflag:s8] =	ssyncset.s32 @!p0 $0xFFFFF086;
	s6 =	sadd.s32 @!p0 s3, s7;
	s7 =	simm.s32 @!p0 $0x108  }
0x21: {  	s3 =	sadd.s32 s3, s9;
	s6 =	sadd.s32 @!p0 $0x88, s6;
	s7 =	simm.s32 @p2 $0x1082  }
0x22: {  	[simem:s7], [sflag:s8] =	dma.local @!p0 [hbm:s6], $0xF7A  }
0x23: {  	s9 =	sor.u32 $0xD0000000, s2;
	s6 =	simm.s32 $0x108;
	_ =	swait.ge @!p0 [sflag:s8], $0x0  }
0x24: {  	s3 =	sadd.s32 $0x88, s3;
	s6 =	simm.s32 @!p1 $0x1082;
	[sflag:s4] =	ssyncset.s32 $0xFFFFF086  }
0x25: {  	[simem:s6], [sflag:s4] =	dma.local [hbm:s3], $0xF7A  }
0x26: {  	[smem:$0x3F93] =	sst s1;
	(tag) =	ssettag s2;
	_ =	strace s9  }
0x27: {  	s1 =	sld [smem:$0x3FA3]  }
0x28: {  	s2 =	sld [smem:$0x3FA4]  }
0x29: {  	s4 =	sld [smem:$0x3FA6]  }
0x2a: {  	p0 =	seq.s32 s5, $0x0;
	s5 =	sld [smem:$0x3FA7]  }
0x2b: {  	s6 =	sld [smem:$0x3FA8]  }
0x2c: {  	s7 =	sld [smem:$0x3FA9]  }
0x2d: {  	s3 =	simm.s32 $0x108;
	s8 =	sld [smem:$0x3FAA]  }
0x2e: {  	s3 =	simm.s32 @!p0 $0x1082;
	s9 =	sld [smem:$0x3FAB]  }
0x2f: {  	lr =	sadd.s32 s0, s3;
	s0 =	sld [smem:$0x3FA2]  }
0x30: {  	s3 =	sld [smem:$0x3FA5]  }
0x31: {  	[smem:$0x3FAE] =	sst s10  }
0x32: {  	s10 =	sld [smem:$0x3FAC];
	_ =	sdelay $0x3  }
0x33: {  	p0 =	seq.s32 s10, $0x1;
	s10 =	sld [smem:$0x3FAE];
	_ =	sdelay $0x3  }
0x34: {  	[smem:$0x3FAE] =	sst s10  }
0x35: {  	s10 =	sld [smem:$0x3FAD];
	_ =	sdelay $0x3  }
0x36: {  	p1 =	seq.s32 s10, $0x1;
	s10 =	sld [smem:$0x3FAE];
	_ =	sdelay $0x3  }
0x37: {  	[smem:$0x3FAE] =	sst s10  }
0x38: {  	s10 =	sld [smem:$0x3FAF]  }
0x39: {  	_ = 	snop;
	(pc) =	sbr.ind lr, $3  }
0x3a: {  	_ = 	snop  }
0x3b: {  	_ = 	snop  }
0x3c: {  	p2 =	seq.s32 s10, $0x1;
	s10 =	sld [smem:$0x3FAE]  }
0x3d: {  	_ =	shalt  }
0x3e: {  	_ =	shalt  }
0x3f: {  	_ =	shalt  }
0x40: {  	_ =	shalt  }
0x41: {  	_ =	shalt  }
0x42: {  	_ =	shalt  }
0x43: {  	_ =	shalt  }
0x44: {  	_ =	shalt  }
0x45: {  	_ =	shalt  }
0x46: {  	_ =	shalt  }
0x47: {  	_ =	shalt  }
0x48: {  	_ =	shalt  }
0x49: {  	_ =	shalt  }
0x4a: {  	_ =	shalt  }
0x4b: {  	_ =	shalt  }
0x4c: {  	_ =	shalt  }
0x4d: {  	_ =	shalt  }
0x4e: {  	_ =	shalt  }
0x4f: {  	_ =	shalt  }
0x50: {  	_ =	shalt  }
0x51: {  	_ =	shalt  }
0x52: {  	_ =	shalt  }
0x53: {  	_ =	shalt  }
0x54: {  	_ =	shalt  }
0x55: {  	_ =	shalt  }
0x56: {  	_ =	shalt  }
0x57: {  	_ =	shalt  }
0x58: {  	_ =	shalt  }
0x59: {  	_ =	shalt  }
0x5a: {  	_ =	shalt  }
0x5b: {  	_ =	shalt  }
0x5c: {  	_ =	shalt  }
0x5d: {  	_ =	shalt  }
0x5e: {  	_ =	shalt  }
0x5f: {  	_ =	shalt  }
0x60: {  	_ =	shalt  }
0x61: {  	_ =	shalt  }
0x62: {  	_ =	shalt  }
0x63: {  	_ =	shalt  }
0x64: {  	_ =	shalt  }
0x65: {  	_ =	shalt  }
0x66: {  	_ =	shalt  }
0x67: {  	_ =	shalt  }
0x68: {  	_ =	shalt  }
0x69: {  	_ =	shalt  }
0x6a: {  	_ =	shalt  }
0x6b: {  	_ =	shalt  }
0x6c: {  	_ =	shalt  }
0x6d: {  	_ =	shalt  }
0x6e: {  	_ =	shalt  }
0x6f: {  	_ =	shalt  }
0x70: {  	_ =	shalt  }
0x71: {  	_ =	shalt  }
0x72: {  	_ =	shalt  }
0x73: {  	_ =	shalt  }
0x74: {  	_ =	shalt  }
0x75: {  	_ =	shalt  }
0x76: {  	_ =	shalt  }
0x77: {  	_ =	shalt  }
0x78: {  	_ =	shalt  }
0x79: {  	_ =	shalt  }
0x7a: {  	_ =	shalt  }
0x7b: {  	_ =	shalt  }
0x7c: {  	_ =	shalt  }
0x7d: {  	_ =	shalt  }
0x7e: {  	_ =	shalt  }
0x7f: {  	_ =	shalt  }
0x80: {  	_ =	shalt  }
0x81: {  	_ =	shalt  }
0x82: {  	_ =	shalt  }
0x83: {  	_ =	shalt  }
0x84: {  	_ =	shalt  }
0x85: {  	_ =	shalt  }
0x86: {  	_ =	shalt  }
0x87: {  	_ =	shalt  }
.Lfunc_end0:
.L_simem_size_0:
called_computation.3_lowered:
.L_overlay_start_0:
0x88: {  	s2 =	sld [smem:$0x3FD9]  }
0x89: {  	s3 =	sld [smem:$0x3FFE];
	_ =	sdelay $0x1  }
0x8a: {  	s1 =	srdreg.scid  }
0x8b: {  	s0 =	sand.u32 $0x1, s1  }
0x8c: {  	s17 =	sshll.u32 s0, $0xA;
	s2 =	sadd.s32 s3, s2  }
0x8d: {  	s2 =	sadd.s32 s2, s17  }
0x8e: {  	[smem:$0x3FBA] =	sst s2  }
0x8f: {  	_ = 	snop  }
0x90: {  	s2 =	sld [smem:$0x3FD0];
	(tm) =	ssettm $0x1  }
0x91: {  	s18 =	sld [smem:$0x3FFB];
	_ =	sdelay $0x3  }
0x92: {  	_ =	strace s18  }
0x93: {  	s3 =	sld [smem:$0x3FFC];
	_ =	sdelay $0x3  }
0x94: {  	_ =	strace s3  }
0x95: {  	s3 =	sld [smem:$0x3FFD];
	_ =	sdelay $0x3  }
0x96: {  	_ =	strace s3  }
0x97: {  	_ =	strace $0x8FFFFFFF  }
0x98: {  	s19 =	sld [smem:$0x3FDB];
	_ =	sdelay $0x1  }
0x99: {  	s4 =	simm.s32 $_scs_section_size  }
0x9a: {  	s5 =	simm.s32 $_size__tile_overlayer_lowered;
	s6 =	simm.s32 $_tile_overlayer_lowered  }
0x9b: {  	s22 =	simm.s32 $0x1BFF;
	s21 =	sshll.u32 s6, $0x1;
	s3 =	sadd.s32 s4, s19  }
0x9c: {  	s7 =	simm.s32 $0x0;
	s20 =	sshll.u32 s5, $0x1;
	s5 =	sadd.s32 s21, s3  }
0x9d: {  	[timem:s7], [sflag:s22] =	dma.local [hbm:s5], s20  }
0x9e: {  	_ =	swait.ge [sflag:s22], s20  }
0x9f: {  	s4 =	ssub.s32 $0x0, s20;
	[sflag:s22] =	ssyncset.done $0x0  }
0xa0: {  	[sflag:s22] =	ssyncadd.s32 s4;
	_ =	sdelay $0x1  }
0xa1: {  	s23 =	simm.s32 $0x1B8B  }
0xa2: {  	_ =	swait.ge [sflag:s23], $0x1  }
0xa3: {  	[sflag:s23] =	ssyncset.done $0x0  }
0xa4: {  	s25 =	simm.s32 $0x1B8E;
	s24 =	sld [smem:$0x3FFE];
	[sflag:s23] =	ssyncadd.s32 $0xFFFFFFFF  }
0xa5: {  	s26 =	simm.s32 $execute0_lowered;
	[smem:$0x3FD2] =	sst s25  }
0xa6: {  	s5 =	sshll.u32 s26, $0x1;
	_ =	strace $0x8000004F;
	[dreg:$0x1] =	wrdreg $0xFFFFFFFF  }
0xa7: {  	s28 =	simm.s32 $_size_execute0_lowered;
	s3 =	sadd.s32 s3, s5;
	[dreg:$0x0] =	wrdreg $0x0  }
0xa8: {  	s5 =	sshll.u32 s28, $0x1;
	[dreg:$0x2] =	wrdreg s3  }
0xa9: {  	[dreg:$0x3] =	wrdreg s5  }
0xaa: {  	[dreg:$0x4] =	wrdreg $0xC0  }
0xab: {  	_ =	task [dreg:s7], $0x5FFFF  }
0xac: {  	[dreg:$0x1] =	wrdreg $0xFFFFFFFF  }
0xad: {  	[dreg:$0x0] =	wrdreg $0x60  }
0xae: {  	[dreg:$0x2] =	wrdreg s2  }
0xaf: {  	[dreg:$0x3] =	wrdreg s24  }
0xb0: {  	[dreg:$0x4] =	wrdreg $0x0  }
0xb1: {  	[dreg:$0x5] =	wrdreg $0x9C400  }
0xb2: {  	[dreg:$0x6] =	wrdreg $0x9  }
0xb3: {  	_ =	task.clear_ibuf [dreg:s7], $0x7FFFF;
	_ =	strace $0x9000004F  }
0xb4: {  	s29 =	simm.s32 $0x9;
	_ =	strace $0x80000051  }
0xb5: {  	_ =	swait.ge [sflag:s29], $0x1  }
0xb6: {  	[sflag:s29] =	ssyncadd.s32 $0xFFFFFFFF  }
0xb7: {  	_ =	strace $0x90000051  }
0xb8: {  	_ =	sfence  }
0xb9: {  	s30 =	sld [smem:$0x0];
	_ =	sdelay $0x2  }
0xba: {  	s31 =	sshll.u32 s1, $0xD;
	s1 =	sshrl.u32 s1, $0x2  }
0xbb: {  	s3 =	sand.u32 $0x4000, s31;
	s1 =	sadd.s32 s1, s30  }
0xbc: {  	s0 =	sor.u32 s3, s0;
	s1 =	sshll.u32 s1, $0x11  }
0xbd: {  	s0 =	sor.u32 s1, s0  }
0xbe: {  	s0 =	sadd.s32 $0x8F2B, s0  }
0xbf: {  	[sflag:s0] =	ssyncadd.remote.s32 $0x1  }
0xc0: {  	_ =	sfence.sel $0xFFFF  }
0xc1: {  	[dreg:$0x0] =	wrdreg $0xFFFFFFFF;
	(pc) =	sbr.abs _section_cstart, $3  }
0xc2: {  	[dreg:$0x1] =	wrdreg $0xFFFFFFFF  }
0xc3: {  	_ =	task.clear_ibuf [dreg:s7], $0x2FFFF;
	_ =	strace $0x9FFFFFFF  }
0xc4: {  	(tm) =	ssettm $0x7FFFFFFF  }
0xc5: {  	_ =	shalt  }
tec
execute0_lowered:
.L_overlay_start_1:
0x0: {  	(tag) =	ssettag $0x1  }
0x1: {  	s0 =	rddreg [dreg:$0x0]  }
0x2: {  	s1 =	rddreg [dreg:$0x1];
	s15 =	stileid.u32  }
0x3: {  	s2 =	rddreg [dreg:$0x2];
	s5 =	smul.u32 $0xA00, s15  }
0x4: {  	s4 =	srdreg.scid;
	s9 =	smul.u32 $0x9C40, s15  }
0x5: {  	s3 =	rddreg [dreg:$0x3];
	s12 =	smul.u32 $0x14000, s15  }
0x6: {  	s28 =	simm.s32 $0x1BE40;
	s29 =	simm.s32 $0x80;
	s13 =	smul.u32 $0x280, s15  }
0x7: {  	s30 =	simm.s32 $0x13C40;
	s6 =	sand.u32 $0x1, s4;
	s20 =	smul.u32 $0x28000, s15  }
0x8: {  	s31 =	simm.s32 $0x1BCC0;
	s4 =	simm.s32 $0x0;
	s7 =	smul.u32 $0x9C400, s6  }
0x9: {  	[smem:$0x7FF] =	sst s4;
	s8 =	ssub.s32 $0x2, s6;
	s14 =	sshll.u32 s6, $0x6  }
0xa: {  	_ =	strace $0x80000050;
	s10 =	sadd.s32 s5, s1;
	s16 =	sshrl.u32 s8, $0x1  }
0xb: {  	s1 =	sadd.s32 $0x17800, s1;
	s5 =	sshll.u32 s15, $0x6;
	s19 =	sor.u32 s14, s12  }
0xc: {  	s21 =	sadd.s32 $0x80, s13;
	s23 =	sadd.s32 $0x100, s13;
	s26 =	sadd.s32 $0x180, s13  }
0xd: {  	s13 =	sadd.s32 $0x200, s13;
	s8 =	ssub.s32 s8, s16;
	s17 =	sadd.s32 s9, s7  }
0xe: {  	s7 =	sadd.s32 s9, s2;
	s18 =	sor.u32 $0x1C01, s5;
	s9 =	sadd.s32 s9, s3  }
0xf: {  	s22 =	sshll.u32 s21, $0x7;
	s16 =	sshll.u32 s23, $0x7;
	s24 =	sshll.u32 s21, $0x6  }
0x10: {  	s15 =	sshll.u32 s23, $0x6;
	s11 =	sshrl.u32 s17, $0x3;
	[dreg:$0x5] =	wrdreg s18  }
0x11: {  	s25 =	sor.u32 s14, s16;
	s18 =	sshll.u32 s26, $0x7;
	s17 =	sshll.u32 s13, $0x7  }
0x12: {  	s21 =	sadd.s32 s15, s3;
	s8 =	smax.u32 s8, $0x1;
	s15 =	sadd.s32 $0xD800, s10  }
0x13: {  	s7 =	sshrl.u32 s7, $0x3;
	s16 =	simm.s32 $0x8;
	s6 =	sadd.s32 s0, s11  }
0x14: {  	s0 =	sshrl.u32 s19, $0x3;
	s11 =	sshrl.u32 s20, $0x2;
	s12 =	sshrl.u32 s25, $0x3  }
0x15: {  	s19 =	sshll.u32 s26, $0x6;
	s20 =	sshll.u32 s13, $0x6;
	[dreg:$0xb] =	wrdreg s8  }
0x16: {  	[dreg:$0xc] =	wrdreg s7;
	s7 =	simm.s32 $0x17C40;
	s8 =	simm.s32 $0x1BDC0  }
0x17: {  	s13 =	simm.s32 $0x10;
	s0 =	sadd.s32 s1, s0;
	s11 =	sadd.s32 s11, s3  }
0x18: {  	s12 =	sadd.s32 s1, s12;
	[dreg:$0x6] =	wrdreg s0;
	s0 =	sor.u32 s14, s22  }
0x19: {  	[dreg:$0x8] =	wrdreg s12;
	s12 =	sor.u32 s14, s18;
	s14 =	sor.u32 s14, s17  }
0x1a: {  	s22 =	sshrl.u32 s9, $0x3;
	s18 =	simm.s32 $0x1;
	s23 =	sshrl.u32 s11, $0x3  }
0x1b: {  	s9 =	simm.s32 $0x19C40;
	s11 =	simm.s32 $0x1BF40;
	s17 =	simm.s32 $0x0  }
0x1c: {  	s0 =	sshrl.u32 s0, $0x3;
	s12 =	sshrl.u32 s12, $0x3;
	[dreg:$0xd] =	wrdreg s22  }
0x1d: {  	s14 =	sshrl.u32 s14, $0x3;
	[dreg:$0xe] =	wrdreg s23;
	s0 =	sadd.s32 s1, s0  }
0x1e: {  	s12 =	sadd.s32 s1, s12;
	s1 =	sadd.s32 s1, s14;
	[dreg:$0x7] =	wrdreg s0  }
0x1f: {  	s14 =	sadd.s32 $0x2E00, s10;
	s10 =	simm.s32 $0x1BEC0;
	[dreg:$0x9] =	wrdreg s12  }
0x20: {  	s0 =	sadd.s32 s24, s3;
	s12 =	sadd.s32 s19, s3;
	[dreg:$0xa] =	wrdreg s1  }
0x21: {  	s1 =	sadd.s32 s20, s3;
	s19 =	simm.s32 $0x2;
	s24 =	sshrl.u32 s21, $0x3  }
0x22: {  	s20 =	simm.s32 $0x1BC40;
	s0 =	sshrl.u32 s0, $0x3;
	[dreg:$0x10] =	wrdreg s24  }
0x23: {  	s25 =	sshrl.u32 s12, $0x3;
	s26 =	sshrl.u32 s1, $0x3;
	[dreg:$0xf] =	wrdreg s0  }
0x24: {  	s1 =	simm.s32 $0x15C40;
	s12 =	simm.s32 $0x1BFC0;
	[dreg:$0x11] =	wrdreg s25  }
0x25: {  	[dreg:$0x12] =	wrdreg s26;
	s26 =	simm.s32 $0x3;
	s0 =	simm.s32 $0x1BD40  }
.LBB2_1:
0x26: {  	s21 =	rddreg [dreg:$0x5]  }
0x27: {  	s22 =	rddreg [dreg:$0xc]  }
0x28: {  	[spmem:s22], [sflag:s21] =	dma.local [hbm:s6], $0x1388  }
0x29: {  	s23 =	sor.u32 $0x1C02, s5;
	s22 =	rddreg [dreg:$0xd]  }
0x2a: {  	[spmem:s22], [sflag:s23] =	dma.local [hbm:s6], $0x1388  }
0x2b: {  	_ =	swait.ge [sflag:s18], $0x1388  }
0x2c: {  	[sflag:s18] =	ssyncset.done $0x0  }
0x2d: {  	[sflag:s18] =	ssyncadd.s32 $0xFFFFEC78  }
0x2e: {  	_ =	swait.ge [sflag:s19], $0x1388  }
0x2f: {  	[sflag:s19] =	ssyncset.done $0x0  }
0x30: {  	[sflag:s19] =	ssyncadd.s32 $0xFFFFEC78  }
0x31: {  	s24 =	sadd.s32 $0x0, s15;
	[bflag:$0x0] =	sbarrier.arrive $0xFFFF  }
0x32: {  	[tilespmem:s20], [sflag:$0x3] =	stream.linear.gather [hbm4b:s24+s4], $0x200, $0x38;
	[tilespmem:$0x1C040] =	vst v63  }
0x33: {  	_ =	swait.ge [sflag:s26], $0x200  }
0x34: {  	[sflag:s26] =	ssyncset.done $0x0  }
0x35: {  	s25 =	sadd.s32 $0x0, s14;
	[sflag:s26] =	ssyncadd.s32 $0xFFFFFE00  }
0x36: {  	[tilespmem:s28], [sflag:$0x3] =	stream.linear.gather [hbm4b:s25+s4], $0x200, $0x38;
	[tilespmem:$0x1C040] =	vst v63  }
0x37: {  	_ =	swait.ge [sflag:s26], $0x200  }
0x38: {  	[sflag:s26] =	ssyncset.done $0x0  }
0x39: {  	[sflag:s26] =	ssyncadd.s32 $0xFFFFFE00  }
0x3a: {  	[tilespmem:s30], [sflag:$0x1] =	stream.indirect.gather [spmem:s2], $0x40, s20, s29, $0xb8;
	[tilespmem:$0x1C040] =	vst v63  }
0x3b: {  	_ = 	snop  }
0x3c: {  	[tilespmem:s1], [sflag:$0x1] =	stream.indirect.gather [spmem:s2], $0x40, s31, s29, $0xb8;
	[tilespmem:$0x1C040] =	vst v63  }
0x3d: {  	_ = 	snop  }
0x3e: {  	[tilespmem:s7], [sflag:$0x1] =	stream.indirect.gather [spmem:s2], $0x40, s0, s29, $0xb8;
	[tilespmem:$0x1C040] =	vst v63  }
0x3f: {  	_ = 	snop  }
0x40: {  	[tilespmem:s9], [sflag:$0x1] =	stream.indirect.gather [spmem:s2], $0x40, s8, s29, $0xb8;
	[tilespmem:$0x1C040] =	vst v63  }
0x41: {  	_ =	swait.ge [sflag:s18], $0x2000  }
0x42: {  	[sflag:s18] =	ssyncset.done $0x0  }
0x43: {  	[sflag:s18] =	ssyncadd.s32 $0xFFFFE000  }
0x44: {  	[spmem:s3] =	stream.indirect.scatter.add.f32 [tilespmem:s30], [sflag:$0x2], $0x40, s28, s29, $0xb8;
	[tilespmem:$0x1C040] =	vst v63  }
0x45: {  	_ =	swait.ge [sflag:s18], $0x2000  }
0x46: {  	[sflag:s18] =	ssyncset.done $0x0  }
0x47: {  	[sflag:s18] =	ssyncadd.s32 $0xFFFFE000  }
0x48: {  	[spmem:s3] =	stream.indirect.scatter.add.f32 [tilespmem:s1], [sflag:$0x2], $0x40, s10, s29, $0xb8;
	[tilespmem:$0x1C040] =	vst v63  }
0x49: {  	_ =	swait.ge [sflag:s18], $0x2000  }
0x4a: {  	[sflag:s18] =	ssyncset.done $0x0  }
0x4b: {  	[sflag:s18] =	ssyncadd.s32 $0xFFFFE000  }
0x4c: {  	[spmem:s3] =	stream.indirect.scatter.add.f32 [tilespmem:s7], [sflag:$0x2], $0x40, s11, s29, $0xb8;
	[tilespmem:$0x1C040] =	vst v63  }
0x4d: {  	_ =	swait.ge [sflag:s18], $0x2000  }
0x4e: {  	[sflag:s18] =	ssyncset.done $0x0  }
0x4f: {  	[sflag:s18] =	ssyncadd.s32 $0xFFFFE000  }
0x50: {  	[spmem:s3] =	stream.indirect.scatter.add.f32 [tilespmem:s9], [sflag:$0x2], $0x40, s12, s29, $0xb8;
	[tilespmem:$0x1C040] =	vst v63  }
0x51: {  	_ =	swait.ge [sflag:s19], $0x2000  }
0x52: {  	[sflag:s19] =	ssyncset.done $0x0  }
0x53: {  	[sflag:s19] =	ssyncadd.s32 $0xFFFFE000  }
0x54: {  	_ =	swait.ge [sflag:s19], $0x2000  }
0x55: {  	[sflag:s19] =	ssyncset.done $0x0  }
0x56: {  	[sflag:s19] =	ssyncadd.s32 $0xFFFFE000  }
0x57: {  	_ =	swait.ge [sflag:s19], $0x2000  }
0x58: {  	[sflag:s19] =	ssyncset.done $0x0  }
0x59: {  	[sflag:s19] =	ssyncadd.s32 $0xFFFFE000  }
0x5a: {  	_ =	swait.ge [sflag:s19], $0x2000  }
0x5b: {  	s21 =	simm.s32 $0x40;
	s22 =	simm.s32 $0x80;
	[sflag:s19] =	ssyncset.done $0x0  }
.LBB2_2:
0x5c: {  	s24 =	sadd.s32 s21, s15  }
0x5d: {  	[sflag:s19] =	ssyncadd.s32 $0xFFFFE000;
	s25 =	smov.u32 s22;
	s23 =	sadd.s32 $0x40, s22  }
0x5e: {  	[tilespmem:s20], [sflag:$0x3] =	stream.linear.gather [hbm4b:s24+s4], $0x200, $0x38;
	[tilespmem:$0x1C040] =	vst v63  }
0x5f: {  	p0 =	sne.s32 s22, $0x9C0;
	_ =	swait.ge [sflag:s26], $0x200  }
0x60: {  	[sflag:s26] =	ssyncset.done $0x0  }
0x61: {  	s22 =	sadd.s32 s21, s14;
	s21 =	smov.u32 s25;
	[sflag:s26] =	ssyncadd.s32 $0xFFFFFE00  }
0x62: {  	[tilespmem:s28], [sflag:$0x3] =	stream.linear.gather [hbm4b:s22+s4], $0x200, $0x38;
	[tilespmem:$0x1C040] =	vst v63  }
0x63: {  	_ =	swait.ge [sflag:s26], $0x200  }
0x64: {  	[sflag:s26] =	ssyncset.done $0x0  }
0x65: {  	[sflag:s26] =	ssyncadd.s32 $0xFFFFFE00  }
0x66: {  	[tilespmem:s30], [sflag:$0x1] =	stream.indirect.gather [spmem:s2], $0x40, s20, s29, $0xb8;
	[tilespmem:$0x1C040] =	vst v63  }
0x67: {  	_ = 	snop  }
0x68: {  	[tilespmem:s1], [sflag:$0x1] =	stream.indirect.gather [spmem:s2], $0x40, s31, s29, $0xb8;
	[tilespmem:$0x1C040] =	vst v63  }
0x69: {  	_ = 	snop  }
0x6a: {  	[tilespmem:s7], [sflag:$0x1] =	stream.indirect.gather [spmem:s2], $0x40, s0, s29, $0xb8;
	[tilespmem:$0x1C040] =	vst v63  }
0x6b: {  	_ = 	snop  }
0x6c: {  	[tilespmem:s9], [sflag:$0x1] =	stream.indirect.gather [spmem:s2], $0x40, s8, s29, $0xb8;
	[tilespmem:$0x1C040] =	vst v63  }
0x6d: {  	_ =	swait.ge [sflag:s18], $0x2000  }
0x6e: {  	[sflag:s18] =	ssyncset.done $0x0  }
0x6f: {  	[sflag:s18] =	ssyncadd.s32 $0xFFFFE000  }
0x70: {  	[spmem:s3] =	stream.indirect.scatter.add.f32 [tilespmem:s30], [sflag:$0x2], $0x40, s28, s29, $0xb8;
	[tilespmem:$0x1C040] =	vst v63  }
0x71: {  	_ =	swait.ge [sflag:s18], $0x2000  }
0x72: {  	[sflag:s18] =	ssyncset.done $0x0  }
0x73: {  	[sflag:s18] =	ssyncadd.s32 $0xFFFFE000  }
0x74: {  	[spmem:s3] =	stream.indirect.scatter.add.f32 [tilespmem:s1], [sflag:$0x2], $0x40, s10, s29, $0xb8;
	[tilespmem:$0x1C040] =	vst v63  }
0x75: {  	_ =	swait.ge [sflag:s18], $0x2000  }
0x76: {  	[sflag:s18] =	ssyncset.done $0x0  }
0x77: {  	[sflag:s18] =	ssyncadd.s32 $0xFFFFE000  }
0x78: {  	[spmem:s3] =	stream.indirect.scatter.add.f32 [tilespmem:s7], [sflag:$0x2], $0x40, s11, s29, $0xb8;
	[tilespmem:$0x1C040] =	vst v63  }
0x79: {  	_ =	swait.ge [sflag:s18], $0x2000  }
0x7a: {  	[sflag:s18] =	ssyncset.done $0x0  }
0x7b: {  	[sflag:s18] =	ssyncadd.s32 $0xFFFFE000  }
0x7c: {  	[spmem:s3] =	stream.indirect.scatter.add.f32 [tilespmem:s9], [sflag:$0x2], $0x40, s12, s29, $0xb8;
	[tilespmem:$0x1C040] =	vst v63  }
0x7d: {  	_ =	swait.ge [sflag:s19], $0x2000  }
0x7e: {  	[sflag:s19] =	ssyncset.done $0x0  }
0x7f: {  	[sflag:s19] =	ssyncadd.s32 $0xFFFFE000  }
0x80: {  	_ =	swait.ge [sflag:s19], $0x2000  }
0x81: {  	[sflag:s19] =	ssyncset.done $0x0  }
0x82: {  	[sflag:s19] =	ssyncadd.s32 $0xFFFFE000  }
.Ltmp0:
0x83: {  	_ =	swait.ge [sflag:s19], $0x2000;
	(pc) =	sbr.rel @p0 .LBB2_2-.Ltmp0, $4  }
0x84: {  	[sflag:s19] =	ssyncset.done $0x0  }
0x85: {  	[sflag:s19] =	ssyncadd.s32 $0xFFFFE000  }
0x86: {  	_ =	swait.ge [sflag:s19], $0x2000  }
0x87: {  	s22 =	smov.u32 s23;
	[sflag:s19] =	ssyncset.done $0x0  }
0x88: {  	s22 =	sadd.s32 s21, s15;
	[sflag:s19] =	ssyncadd.s32 $0xFFFFE000  }
0x89: {  	[tilespmem:s20], [sflag:$0x3] =	stream.linear.gather [hbm4b:s22+s4], $0x200, $0x38;
	[tilespmem:$0x1C040] =	vst v63  }
0x8a: {  	_ =	swait.ge [sflag:s26], $0x200  }
0x8b: {  	[sflag:s26] =	ssyncset.done $0x0  }
0x8c: {  	s24 =	sadd.s32 s21, s14;
	[sflag:s26] =	ssyncadd.s32 $0xFFFFFE00  }
0x8d: {  	[tilespmem:s28], [sflag:$0x3] =	stream.linear.gather [hbm4b:s24+s4], $0x200, $0x38;
	[tilespmem:$0x1C040] =	vst v63  }
0x8e: {  	_ =	swait.ge [sflag:s26], $0x200  }
0x8f: {  	[sflag:s26] =	ssyncset.done $0x0  }
0x90: {  	[sflag:s26] =	ssyncadd.s32 $0xFFFFFE00  }
0x91: {  	[tilespmem:s30], [sflag:$0x1] =	stream.indirect.gather [spmem:s2], $0x40, s20, s29, $0xb8;
	[tilespmem:$0x1C040] =	vst v63  }
0x92: {  	_ = 	snop  }
0x93: {  	[tilespmem:s1], [sflag:$0x1] =	stream.indirect.gather [spmem:s2], $0x40, s31, s29, $0xb8;
	[tilespmem:$0x1C040] =	vst v63  }
0x94: {  	_ = 	snop  }
0x95: {  	[tilespmem:s7], [sflag:$0x1] =	stream.indirect.gather [spmem:s2], $0x40, s0, s29, $0xb8;
	[tilespmem:$0x1C040] =	vst v63  }
0x96: {  	_ = 	snop  }
0x97: {  	[tilespmem:s9], [sflag:$0x1] =	stream.indirect.gather [spmem:s2], $0x40, s8, s29, $0xb8;
	[tilespmem:$0x1C040] =	vst v63  }
0x98: {  	_ =	swait.ge [sflag:s18], $0x2000  }
0x99: {  	[sflag:s18] =	ssyncset.done $0x0  }
0x9a: {  	[sflag:s18] =	ssyncadd.s32 $0xFFFFE000  }
0x9b: {  	[spmem:s3] =	stream.indirect.scatter.add.f32 [tilespmem:s30], [sflag:$0x2], $0x40, s28, s29, $0xb8;
	[tilespmem:$0x1C040] =	vst v63  }
0x9c: {  	_ =	swait.ge [sflag:s18], $0x2000  }
0x9d: {  	[sflag:s18] =	ssyncset.done $0x0  }
0x9e: {  	[sflag:s18] =	ssyncadd.s32 $0xFFFFE000  }
0x9f: {  	[spmem:s3] =	stream.indirect.scatter.add.f32 [tilespmem:s1], [sflag:$0x2], $0x40, s10, s29, $0xb8;
	[tilespmem:$0x1C040] =	vst v63  }
0xa0: {  	_ =	swait.ge [sflag:s18], $0x2000  }
0xa1: {  	[sflag:s18] =	ssyncset.done $0x0  }
0xa2: {  	[sflag:s18] =	ssyncadd.s32 $0xFFFFE000  }
0xa3: {  	[spmem:s3] =	stream.indirect.scatter.add.f32 [tilespmem:s7], [sflag:$0x2], $0x40, s11, s29, $0xb8;
	[tilespmem:$0x1C040] =	vst v63  }
0xa4: {  	_ =	swait.ge [sflag:s18], $0x2000  }
0xa5: {  	[sflag:s18] =	ssyncset.done $0x0  }
0xa6: {  	[sflag:s18] =	ssyncadd.s32 $0xFFFFE000  }
0xa7: {  	[spmem:s3] =	stream.indirect.scatter.add.f32 [tilespmem:s9], [sflag:$0x2], $0x40, s12, s29, $0xb8;
	[tilespmem:$0x1C040] =	vst v63  }
0xa8: {  	_ =	swait.ge [sflag:s19], $0x2000  }
0xa9: {  	[sflag:s19] =	ssyncset.done $0x0  }
0xaa: {  	[sflag:s19] =	ssyncadd.s32 $0xFFFFE000  }
0xab: {  	_ =	swait.ge [sflag:s19], $0x2000  }
0xac: {  	[sflag:s19] =	ssyncset.done $0x0  }
0xad: {  	[sflag:s19] =	ssyncadd.s32 $0xFFFFE000  }
0xae: {  	_ =	swait.ge [sflag:s19], $0x2000  }
0xaf: {  	[sflag:s19] =	ssyncset.done $0x0  }
0xb0: {  	[sflag:s19] =	ssyncadd.s32 $0xFFFFE000  }
0xb1: {  	_ =	swait.ge [sflag:s19], $0x2000  }
0xb2: {  	[sflag:s19] =	ssyncset.done $0x0  }
0xb3: {  	[sflag:s19] =	ssyncadd.s32 $0xFFFFE000  }
0xb4: {  	[bflag:$0x0] =	sbarrier.arrive $0xFFFF  }
0xb5: {  	s25 =	rddreg [dreg:$0x6]  }
0xb6: {  	s21 =	sor.u32 $0x1C03, s5;
	s23 =	rddreg [dreg:$0xe]  }
0xb7: {  	[hbm:s25@s13], [sflag:s21] =	dma.strided [spmem:s23@s16], $0x400, s18, $0x8   }
0xb8: {  	_ =	swait.ge [sflag:s26], $0x400  }
0xb9: {  	[sflag:s26] =	ssyncset.done $0x0;
	s24 =	rddreg [dreg:$0x7]  }
0xba: {  	s25 =	rddreg [dreg:$0xf];
	[sflag:s26] =	ssyncadd.s32 $0xFFFFFC00  }
0xbb: {  	[hbm:s24@s13], [sflag:s21] =	dma.strided [spmem:s25@s16], $0x400, s18, $0x8   }
0xbc: {  	_ =	swait.ge [sflag:s26], $0x400  }
0xbd: {  	[sflag:s26] =	ssyncset.done $0x0;
	s24 =	rddreg [dreg:$0x8]  }
0xbe: {  	s25 =	rddreg [dreg:$0x10];
	[sflag:s26] =	ssyncadd.s32 $0xFFFFFC00  }
0xbf: {  	[hbm:s24@s13], [sflag:s21] =	dma.strided [spmem:s25@s16], $0x400, s18, $0x8   }
0xc0: {  	_ =	swait.ge [sflag:s26], $0x400  }
0xc1: {  	[sflag:s26] =	ssyncset.done $0x0;
	s24 =	rddreg [dreg:$0x9]  }
0xc2: {  	s25 =	rddreg [dreg:$0x11];
	[sflag:s26] =	ssyncadd.s32 $0xFFFFFC00  }
0xc3: {  	[hbm:s24@s13], [sflag:s21] =	dma.strided [spmem:s25@s16], $0x400, s18, $0x8   }
0xc4: {  	_ =	swait.ge [sflag:s26], $0x400  }
0xc5: {  	[sflag:s26] =	ssyncset.done $0x0;
	s23 =	rddreg [dreg:$0xa]  }
0xc6: {  	s24 =	rddreg [dreg:$0x12];
	[sflag:s26] =	ssyncadd.s32 $0xFFFFFC00  }
0xc7: {  	[hbm:s23@s13], [sflag:s21] =	dma.strided [spmem:s24@s16], $0x400, s18, $0x8   }
0xc8: {  	_ =	swait.ge [sflag:s26], $0x400  }
0xc9: {  	s17 =	sadd.s32 $0x1, s17;
	s25 =	rddreg [dreg:$0xb]  }
0xca: {  	p0 =	sne.s32 s17, s25  }
.Ltmp1:
0xcb: {  	_ = 	snop;
	(pc) =	sbr.rel @p0 .LBB2_1-.Ltmp1, $3  }
0xcc: {  	_ =	sdelay $0x1  }
0xcd: {  	[sflag:s26] =	ssyncset.done $0x0  }
0xce: {  	[sflag:s26] =	ssyncadd.s32 $0xFFFFFC00  }
0xcf: {  	_ =	sfence.sel $0x180000  }
0xd0: {  	[bflag:$0x0] =	sbarrier.arrive $0xFFFF  }
0xd1: {  	_ =	strace $0x90000050  }
0xd2: {  	s0 =	stileid.u32;
	[bflag:$0x2] =	sbarrier.arrive $0xFFFF  }
0xd3: {  	p0 =	sne.s32 s0, $0x0;
	s0 =	rddreg [dreg:$0x4]  }
0xd4: {  	s0 =	sadd.s32 @!p0 $0x100000, s0  }
0xd5: {  	[sflag:s0] =	ssyncadd.tile.s32 @!p0 $0x1;
	_ =	shalt  }
.Lfunc_end2:
_tile_overlayer_lowered:
.L_overlay_start_2:
0xd6: {  	(tag) =	ssettag $0x2  }
0xd7: {  	s0 =	rddreg [dreg:$0x0];
	s2 =	stileid.u32  }
0xd8: {  	s1 =	rddreg [dreg:$0x1];
	p0 =	sne.s32 s2, $0x0  }
0xd9: {  	s3 =	rddreg [dreg:$0x2];
	[bflag:$0x3] =	sbarrier.arrive $0xFFFF;
	s2 =	simm.s32 @!p0 $0x1C03  }
0xda: {  	[timem:s3], [sflag:s2] =	dma.local @!p0 [hbm:s0], s1  }
0xdb: {  	s0 =	simm.s32 @!p0 $0x3  }
0xdc: {  	_ =	swait.ge @!p0 [sflag:s0], s1  }
0xdd: {  	s1 =	ssub.s32 @!p0 $0x0, s1;
	[sflag:s0] =	ssyncset.done @!p0 $0x0  }
0xde: {  	[sflag:s0] =	ssyncadd.s32 @!p0 s1  }
0xdf: {  	[bflag:$0x3] =	sbarrier.arrive $0xFFFF  }
0xe0: {  	_ =	shalt  }

</sc_bundles>
